<compile_context>
chip_gen: v7x
topology: tpu7x:2x2x1
jax: 0.10.2.dev20260603
libtpu: 0.0.44.dev20260713+nightly
codegen_flags: <defaults>
</compile_context>

<pallas_src>
import functools

import jax
import jax.numpy as jnp
from jax import lax
from jax.experimental import pallas as pl
from jax.experimental.pallas import tpu as pltpu
from jax.experimental.pallas import tpu_sc as plsc

N_USERS = 25000
N_ITEMS = 25000
N_NODES = 50000
D = 64
E = 800000
N_LAYERS = 3

NC, NS = 2, 16
NW = NC * NS

HALF = 25000
HPAD = 25088
NPAD = 2 * HPAD
ROWS_PER_TILE = HPAD // NS
DUMP = HPAD
ZROWS = HPAD + 16
PAD_OFF = HPAD - HALF

EP = 819200
EDGES_PER_TILE = EP // NS
CHUNK = 128
CHUNKS_PER_TILE = EDGES_PER_TILE // CHUNK

_mesh = plsc.VectorSubcoreMesh(core_axis_name="c", subcore_axis_name="s")
_sc_params = pltpu.CompilerParams(use_tc_tiling_on_sc=False)


def _sc_degree(row_p, ones16, zeros16):

    @functools.partial(
        pl.kernel,
        out_type=jax.ShapeDtypeStruct((NPAD, 16), jnp.float32),
        mesh=_mesh,
        compiler_params=_sc_params,
        scratch_types=[
            pltpu.VMEM((CHUNK,), jnp.int32),
            pltpu.VMEM((CHUNK,), jnp.int32),
            pltpu.VMEM((CHUNK, 16), jnp.float32),
            pltpu.VMEM_SHARED((ZROWS, 16), jnp.float32),
        ],
    )
    def k(row_hbm, ones_hbm, zeros_hbm, deg_hbm, row_v, sidx_v, ones_v, deg_sp):
        c = lax.axis_index("c")
        s = lax.axis_index("s")
        base_node = c * HALF

        pltpu.sync_copy(
            zeros_hbm.at[pl.ds(s * ROWS_PER_TILE, ROWS_PER_TILE)],
            deg_sp.at[pl.ds(s * ROWS_PER_TILE, ROWS_PER_TILE)],
        )
        pltpu.sync_copy(ones_hbm, ones_v)
        plsc.subcore_barrier()

        ebase = s * EDGES_PER_TILE

        @pl.loop(0, CHUNKS_PER_TILE)
        def _(kk):
            pltpu.sync_copy(row_hbm.at[pl.ds(ebase + kk * CHUNK, CHUNK)], row_v)
            for g in range(CHUNK // 16):
                sl = pl.ds(g * 16, 16)
                sloc = row_v[sl] - base_node
                ok = (sloc >= 0) & (sloc < HALF)
                sidx_v[sl] = jnp.where(ok, sloc, DUMP)
            pltpu.sync_copy(ones_v, deg_sp.at[sidx_v], add=True)

        plsc.subcore_barrier()
        pltpu.sync_copy(
            deg_sp.at[pl.ds(s * ROWS_PER_TILE, ROWS_PER_TILE)],
            deg_hbm.at[pl.ds(c * HPAD + s * ROWS_PER_TILE, ROWS_PER_TILE)],
        )

    return k(row_p, ones16, zeros16)


def _sc_spmm(y, row_p, col_p, zeros64):

    @functools.partial(
        pl.kernel,
        out_type=jax.ShapeDtypeStruct((NPAD, D), jnp.float32),
        mesh=_mesh,
        compiler_params=_sc_params,
        scratch_types=[
            pltpu.VMEM((CHUNK,), jnp.int32),
            pltpu.VMEM((CHUNK,), jnp.int32),
            pltpu.VMEM((CHUNK,), jnp.int32),
            pltpu.VMEM((CHUNK,), jnp.int32),
            pltpu.VMEM((CHUNK, D), jnp.float32),
            pltpu.VMEM_SHARED((ZROWS, D), jnp.float32),
            pltpu.SemaphoreType.DMA,
        ],
    )
    def k(y_hbm, row_hbm, col_hbm, zeros_hbm, z_hbm,
          row_v, col_v, sidx_v, gidx_v, rows_v, z_sp, sem):
        c = lax.axis_index("c")
        s = lax.axis_index("s")
        base_node = c * HALF

        pltpu.sync_copy(
            zeros_hbm.at[pl.ds(s * ROWS_PER_TILE, ROWS_PER_TILE)],
            z_sp.at[pl.ds(s * ROWS_PER_TILE, ROWS_PER_TILE)],
        )
        plsc.subcore_barrier()

        ebase = s * EDGES_PER_TILE

        @pl.loop(0, CHUNKS_PER_TILE)
        def _(kk):
            off = ebase + kk * CHUNK
            pltpu.sync_copy(row_hbm.at[pl.ds(off, CHUNK)], row_v)
            pltpu.sync_copy(col_hbm.at[pl.ds(off, CHUNK)], col_v)
            for g in range(CHUNK // 16):
                sl = pl.ds(g * 16, 16)
                sloc = row_v[sl] - base_node
                ok = (sloc >= 0) & (sloc < HALF)
                sidx_v[sl] = jnp.where(ok, sloc, DUMP)
                cc = col_v[sl]
                gidx_v[sl] = jnp.where(cc >= HALF, cc + PAD_OFF, cc)
            pltpu.async_copy(y_hbm.at[gidx_v], rows_v, sem).wait()
            pltpu.sync_copy(rows_v, z_sp.at[sidx_v], add=True)

        plsc.subcore_barrier()
        pltpu.sync_copy(
            z_sp.at[pl.ds(s * ROWS_PER_TILE, ROWS_PER_TILE)],
            z_hbm.at[pl.ds(c * HPAD + s * ROWS_PER_TILE, ROWS_PER_TILE)],
        )

    return k(y, row_p, col_p, zeros64)


_TC_R = 512


def _tc_prep(deg, x0):

    def body(deg_ref, x_ref, dinv_ref, y_ref, acc_ref):
        dg = deg_ref[...]
        dinv = jnp.where(dg > 0.0, lax.rsqrt(dg), 0.0)
        dinv_ref[...] = dinv
        x = x_ref[...]
        y_ref[...] = x * dinv[:, 0:1]
        acc_ref[...] = 0.25 * x

    return pl.pallas_call(
        body,
        grid=(NPAD // _TC_R,),
        in_specs=[
            pl.BlockSpec((_TC_R, 16), lambda i: (i, 0)),
            pl.BlockSpec((_TC_R, D), lambda i: (i, 0)),
        ],
        out_specs=[
            pl.BlockSpec((_TC_R, 16), lambda i: (i, 0)),
            pl.BlockSpec((_TC_R, D), lambda i: (i, 0)),
            pl.BlockSpec((_TC_R, D), lambda i: (i, 0)),
        ],
        out_shape=[
            jax.ShapeDtypeStruct((NPAD, 16), jnp.float32),
            jax.ShapeDtypeStruct((NPAD, D), jnp.float32),
            jax.ShapeDtypeStruct((NPAD, D), jnp.float32),
        ],
    )(deg, x0)


def _tc_update(z, dinv, acc, last):

    def body_mid(z_ref, dinv_ref, acc_ref, acc_out, y_out):
        d1 = dinv_ref[...][:, 0:1]
        xn = z_ref[...] * d1
        acc_out[...] = acc_ref[...] + 0.25 * xn
        y_out[...] = xn * d1

    def body_last(z_ref, dinv_ref, acc_ref, acc_out):
        d1 = dinv_ref[...][:, 0:1]
        xn = z_ref[...] * d1
        acc_out[...] = acc_ref[...] + 0.25 * xn

    n_out = 1 if last else 2
    return pl.pallas_call(
        body_last if last else body_mid,
        grid=(NPAD // _TC_R,),
        in_specs=[
            pl.BlockSpec((_TC_R, D), lambda i: (i, 0)),
            pl.BlockSpec((_TC_R, 16), lambda i: (i, 0)),
            pl.BlockSpec((_TC_R, D), lambda i: (i, 0)),
        ],
        out_specs=[pl.BlockSpec((_TC_R, D), lambda i: (i, 0))] * n_out,
        out_shape=[jax.ShapeDtypeStruct((NPAD, D), jnp.float32)] * n_out,
    )(z, dinv, acc)


def kernel(user_emb, item_emb, edge_index):
    row = edge_index[0]
    col = edge_index[1]
    row_p = jnp.concatenate([row, jnp.full((EP - E,), 2**30, jnp.int32)])
    col_p = jnp.concatenate([col, jnp.zeros((EP - E,), jnp.int32)])

    x0 = jnp.zeros((NPAD, D), jnp.float32)
    x0 = x0.at[0:N_USERS].set(user_emb)
    x0 = x0.at[HPAD:HPAD + N_ITEMS].set(item_emb)

    ones16 = jnp.ones((CHUNK, 16), jnp.float32)
    zeros16 = jnp.zeros((HPAD, 16), jnp.float32)
    zeros64 = jnp.zeros((HPAD, D), jnp.float32)

    deg = _sc_degree(row_p, ones16, zeros16)
    dinv, y, acc = _tc_prep(deg, x0)
    for layer in range(N_LAYERS):
        z = _sc_spmm(y, row_p, col_p, zeros64)
        if layer < N_LAYERS - 1:
            acc, y = _tc_update(z, dinv, acc, last=False)
        else:
            (acc,) = _tc_update(z, dinv, acc, last=True)

    return acc[0:N_USERS], acc[HPAD:HPAD + N_ITEMS]

# --- scband reference (transcript-rebuilt; emitter-appended) ---
"""Pipeline reference for scband-light-gcn-6880537608206 (READ-ONLY COPY).

The authoritative reference and input builder live on the scoring server;
editing this copy changes nothing except your own understanding.
"""

import jax, jax.numpy as jnp
import numpy as np

N_USERS = 25000
N_ITEMS = 25000
N_NODES = N_USERS + N_ITEMS
EMBED_DIM = 64
N_EDGES = 800000
N_LAYERS = 3


def setup_inputs(seed: int = 0) -> dict:
    key = jax.random.key(seed)
    k1, k2, k3 = jax.random.split(key, 3)
    edge_index = jax.random.randint(k1, (2, N_EDGES), 0, N_NODES, dtype=jnp.int32)
    user_emb = jax.random.normal(k2, (N_USERS, EMBED_DIM), dtype=jnp.float32) * 0.1
    item_emb = jax.random.normal(k3, (N_ITEMS, EMBED_DIM), dtype=jnp.float32) * 0.1
    return {"user_emb": user_emb, "item_emb": item_emb, "edge_index": edge_index}


def reference(user_emb, item_emb, edge_index):
    # Faithful LightGCN forward: symmetric-normalized adjacency spmm propagation.
    row = edge_index[0]
    col = edge_index[1]
    # deg[i] = sum over row i of adjacency values (all ones)
    deg = jnp.zeros((N_NODES,), dtype=jnp.float32).at[row].add(1.0)
    deg_inv_sqrt = jnp.where(deg > 0, 1.0 / jnp.sqrt(deg), 0.0)
    norm_vals = deg_inv_sqrt[row] * deg_inv_sqrt[col]

    all_embeddings = jnp.concatenate([user_emb, item_emb], axis=0)
    embeddings_list = [all_embeddings]
    x = all_embeddings
    for _ in range(N_LAYERS):
        # sparse.mm(graph, x): gather source rows, scale by norm, scatter-add to dst
        gathered = x[col] * norm_vals[:, None]
        x = jnp.zeros((N_NODES, EMBED_DIM), dtype=x.dtype).at[row].add(gathered)
        embeddings_list.append(x)

    final_embeddings = jnp.mean(jnp.stack(embeddings_list, axis=1), axis=1)
    user_embeddings = final_embeddings[:N_USERS]
    item_embeddings = final_embeddings[N_USERS:]
    return (user_embeddings, item_embeddings)

if __name__ == "__main__":
    import jax
    _d = setup_inputs()
    print(jax.jit(kernel)(*tuple(_d.values())))

</pallas_src>

<mosaic_0001>
#map = affine_map<(d0, d1) -> (0)>
#map1 = affine_map<(d0, d1) -> (0, 0)>
module attributes {stable_mosaic.version = 14 : i64} {
  func.func @k(%arg0: i32, %arg1: i32, %arg2: memref<819200xi32, #tpu.memory_space<hbm>>, %arg3: memref<128x16xf32, #tpu.memory_space<hbm>>, %arg4: memref<25088x16xf32, #tpu.memory_space<hbm>>, %arg5: memref<50176x16xf32, #tpu.memory_space<hbm>>, %arg6: memref<128xi32, #tpu.memory_space<vmem>>, %arg7: memref<128xi32, #tpu.memory_space<vmem>>, %arg8: memref<128x16xf32, #tpu.memory_space<vmem>>, %arg9: memref<25104x16xf32, #tpu.memory_space<vmem_shared>>) attributes {dimension_semantics = [#tpu.dimension_semantics<core_parallel>, #tpu.dimension_semantics<subcore_parallel>], iteration_bounds = array<i64: 2, 16>, scalar_prefetch = 0 : i64, scratch_operands = 4 : i64, tpu.core_type = #tpu.core_type<sc_vector_subcore>, window_params = [{transform_indices = #map}, {transform_indices = #map1}, {transform_indices = #map1}, {transform_indices = #map1}]} {
    %mul3A = arith.constant 25000 : i32
    %mul3A_0 = arith.muli %arg0, %mul3A : i32
    %mul3A_1 = arith.constant 1568 : i32
    %mul3A_2 = arith.muli %arg1, %mul3A_1 : i32
    %mul3A_3 = arith.constant 1568 : i32
    %mul3A_4 = arith.muli %arg1, %mul3A_3 : i32
    "tpu.region"() ({
      %run_scoped3A = tpu.sem_alloc : memref<!tpu.dma_semaphore, #tpu.memory_space<semaphore_mem>>
      %dma_start3A = arith.constant 0 : i32
      %dma_start3A_18 = tpu.memref_slice %arg9[%mul3A_4, %dma_start3A] : memref<25104x16xf32, #tpu.memory_space<vmem_shared>> -> memref<1568x16xf32, #tpu.memory_space<vmem_shared>>
      %dma_start3A_19 = arith.constant 0 : i32
      %dma_start3A_20 = tpu.memref_slice %arg4[%mul3A_2, %dma_start3A_19] : memref<25088x16xf32, #tpu.memory_space<hbm>> -> memref<1568x16xf32, #tpu.memory_space<hbm>>
      tpu.enqueue_dma source(%dma_start3A_20 : memref<1568x16xf32, #tpu.memory_space<hbm>>) target(%dma_start3A_18 : memref<1568x16xf32, #tpu.memory_space<vmem_shared>>) target_semaphore(%run_scoped3A : memref<!tpu.dma_semaphore, #tpu.memory_space<semaphore_mem>>)
      %dma_wait3A = arith.constant 0 : i32
      %dma_wait3A_21 = tpu.memref_slice %arg9[%mul3A_4, %dma_wait3A] : memref<25104x16xf32, #tpu.memory_space<vmem_shared>> -> memref<1568x16xf32, #tpu.memory_space<vmem_shared>>
      %dma_wait3A_22 = arith.constant 0 : i32
      %dma_wait3A_23 = tpu.memref_slice %arg4[%mul3A_2, %dma_wait3A_22] : memref<25088x16xf32, #tpu.memory_space<hbm>> -> memref<1568x16xf32, #tpu.memory_space<hbm>>
      tpu.wait_dma2 semaphore(%run_scoped3A : memref<!tpu.dma_semaphore, #tpu.memory_space<semaphore_mem>>) src(%dma_wait3A_23 : memref<1568x16xf32, #tpu.memory_space<hbm>>) dst(%dma_wait3A_21 : memref<1568x16xf32, #tpu.memory_space<vmem_shared>>)
      tpu.yield
    }) : () -> ()
    "tpu.region"() ({
      %run_scoped3A = tpu.sem_alloc : memref<!tpu.dma_semaphore, #tpu.memory_space<semaphore_mem>>
      tpu.enqueue_dma source(%arg3 : memref<128x16xf32, #tpu.memory_space<hbm>>) target(%arg8 : memref<128x16xf32, #tpu.memory_space<vmem>>) target_semaphore(%run_scoped3A : memref<!tpu.dma_semaphore, #tpu.memory_space<semaphore_mem>>)
      tpu.wait_dma2 semaphore(%run_scoped3A : memref<!tpu.dma_semaphore, #tpu.memory_space<semaphore_mem>>) src(%arg3 : memref<128x16xf32, #tpu.memory_space<hbm>>) dst(%arg8 : memref<128x16xf32, #tpu.memory_space<vmem>>)
      tpu.yield
    }) : () -> ()
    %barrier3A = arith.constant 0 : index
    tpu.barrier barrier_id(%barrier3A)
    %mul3A_5 = arith.constant 51200 : i32
    %mul3A_6 = arith.muli %arg1, %mul3A_5 : i32
    %scan3A = arith.constant 0 : i32
    %scan3A_7 = arith.constant 400 : i32
    %scan3A_8 = arith.addi %scan3A, %scan3A_7 : i32
    %scan3A_9 = arith.constant 1 : i32
    scf.for %scan3A_18 = %scan3A to %scan3A_8 step %scan3A_9  : i32 {
      %mul3A_19 = arith.constant 1 : i32
      %mul3A_20 = arith.muli %scan3A_18, %mul3A_19 : i32
      %add3A_21 = arith.constant 0 : i32
      %add3A_22 = arith.addi %add3A_21, %mul3A_20 : i32
      %mul3A_23 = arith.constant 128 : i32
      %mul3A_24 = arith.muli %add3A_22, %mul3A_23 : i32
      %add3A_25 = arith.addi %mul3A_6, %mul3A_24 : i32
      "tpu.region"() ({
        %run_scoped3A = tpu.sem_alloc : memref<!tpu.dma_semaphore, #tpu.memory_space<semaphore_mem>>
        %dma_start3A = tpu.memref_slice %arg2[%add3A_25] : memref<819200xi32, #tpu.memory_space<hbm>> -> memref<128xi32, #tpu.memory_space<hbm>>
        %dma_start3A_169 = tpu.memref_slice %arg2[%add3A_25] : memref<819200xi32, #tpu.memory_space<hbm>> -> memref<128xi32, #tpu.memory_space<hbm>>
        tpu.enqueue_dma source(%dma_start3A_169 : memref<128xi32, #tpu.memory_space<hbm>>) target(%arg6 : memref<128xi32, #tpu.memory_space<vmem>>) target_semaphore(%run_scoped3A : memref<!tpu.dma_semaphore, #tpu.memory_space<semaphore_mem>>)
        %dma_wait3A = tpu.memref_slice %arg2[%add3A_25] : memref<819200xi32, #tpu.memory_space<hbm>> -> memref<128xi32, #tpu.memory_space<hbm>>
        %dma_wait3A_170 = tpu.memref_slice %arg2[%add3A_25] : memref<819200xi32, #tpu.memory_space<hbm>> -> memref<128xi32, #tpu.memory_space<hbm>>
        tpu.wait_dma2 semaphore(%run_scoped3A : memref<!tpu.dma_semaphore, #tpu.memory_space<semaphore_mem>>) src(%dma_wait3A_170 : memref<128xi32, #tpu.memory_space<hbm>>) dst(%arg6 : memref<128xi32, #tpu.memory_space<vmem>>)
        tpu.yield
      }) : () -> ()
      %get3A = arith.constant 0 : index
      %get3A_26 = tpu.vector_load %arg6[%get3A] {strides = array<i32>} : memref<128xi32, #tpu.memory_space<vmem>>, vector<16xi32>,
      %get3A_27 = vector.shape_cast %get3A_26 : vector<16xi32> to vector<16xi32>
      %sub3A = vector.broadcast %mul3A_0 : i32 to vector<16xi32>
      %sub3A_28 = arith.subi %get3A_27, %sub3A : vector<16xi32>
      %ge3A = arith.constant 0 : i32
      %ge3A_29 = vector.broadcast %ge3A : i32 to vector<16xi32>
      %ge3A_30 = arith.cmpi sge, %sub3A_28, %ge3A_29 : vector<16xi32>
      %lt3A = arith.constant 25000 : i32
      %lt3A_31 = vector.broadcast %lt3A : i32 to vector<16xi32>
      %lt3A_32 = arith.cmpi slt, %sub3A_28, %lt3A_31 : vector<16xi32>
      %and3A = arith.andi %ge3A_30, %lt3A_32 : vector<16xi1>
      %jit3A = arith.constant 25088 : i32
      %broadcast_in_dim3A = vector.broadcast %jit3A : i32 to vector<16xi32>
      %select_n3A = arith.select %and3A, %sub3A_28, %broadcast_in_dim3A : vector<16xi1>, vector<16xi32>
      %swap3A = arith.constant 0 : index
      %swap3A_33 = tpu.vector_load %arg7[%swap3A] {strides = array<i32>} : memref<128xi32, #tpu.memory_space<vmem>>, vector<16xi32>,
      %swap3A_34 = vector.shape_cast %swap3A_33 : vector<16xi32> to vector<16xi32>
      %swap3A_35 = vector.shape_cast %select_n3A : vector<16xi32> to vector<16xi32>
      tpu.vector_store %arg7[%swap3A], %swap3A_35 {strides = array<i32>} : memref<128xi32, #tpu.memory_space<vmem>>, vector<16xi32>,
      %get3A_36 = arith.constant 16 : index
      %get3A_37 = tpu.vector_load %arg6[%get3A_36] {strides = array<i32>} : memref<128xi32, #tpu.memory_space<vmem>>, vector<16xi32>,
      %get3A_38 = vector.shape_cast %get3A_37 : vector<16xi32> to vector<16xi32>
      %sub3A_39 = vector.broadcast %mul3A_0 : i32 to vector<16xi32>
      %sub3A_40 = arith.subi %get3A_38, %sub3A_39 : vector<16xi32>
      %ge3A_41 = arith.constant 0 : i32
      %ge3A_42 = vector.broadcast %ge3A_41 : i32 to vector<16xi32>
      %ge3A_43 = arith.cmpi sge, %sub3A_40, %ge3A_42 : vector<16xi32>
      %lt3A_44 = arith.constant 25000 : i32
      %lt3A_45 = vector.broadcast %lt3A_44 : i32 to vector<16xi32>
      %lt3A_46 = arith.cmpi slt, %sub3A_40, %lt3A_45 : vector<16xi32>
      %and3A_47 = arith.andi %ge3A_43, %lt3A_46 : vector<16xi1>
      %jit3A_48 = arith.constant 25088 : i32
      %broadcast_in_dim3A_49 = vector.broadcast %jit3A_48 : i32 to vector<16xi32>
      %select_n3A_50 = arith.select %and3A_47, %sub3A_40, %broadcast_in_dim3A_49 : vector<16xi1>, vector<16xi32>
      %swap3A_51 = arith.constant 16 : index
      %swap3A_52 = tpu.vector_load %arg7[%swap3A_51] {strides = array<i32>} : memref<128xi32, #tpu.memory_space<vmem>>, vector<16xi32>,
      %swap3A_53 = vector.shape_cast %swap3A_52 : vector<16xi32> to vector<16xi32>
      %swap3A_54 = vector.shape_cast %select_n3A_50 : vector<16xi32> to vector<16xi32>
      tpu.vector_store %arg7[%swap3A_51], %swap3A_54 {strides = array<i32>} : memref<128xi32, #tpu.memory_space<vmem>>, vector<16xi32>,
      %get3A_55 = arith.constant 32 : index
      %get3A_56 = tpu.vector_load %arg6[%get3A_55] {strides = array<i32>} : memref<128xi32, #tpu.memory_space<vmem>>, vector<16xi32>,
      %get3A_57 = vector.shape_cast %get3A_56 : vector<16xi32> to vector<16xi32>
      %sub3A_58 = vector.broadcast %mul3A_0 : i32 to vector<16xi32>
      %sub3A_59 = arith.subi %get3A_57, %sub3A_58 : vector<16xi32>
      %ge3A_60 = arith.constant 0 : i32
      %ge3A_61 = vector.broadcast %ge3A_60 : i32 to vector<16xi32>
      %ge3A_62 = arith.cmpi sge, %sub3A_59, %ge3A_61 : vector<16xi32>
      %lt3A_63 = arith.constant 25000 : i32
      %lt3A_64 = vector.broadcast %lt3A_63 : i32 to vector<16xi32>
      %lt3A_65 = arith.cmpi slt, %sub3A_59, %lt3A_64 : vector<16xi32>
      %and3A_66 = arith.andi %ge3A_62, %lt3A_65 : vector<16xi1>
      %jit3A_67 = arith.constant 25088 : i32
      %broadcast_in_dim3A_68 = vector.broadcast %jit3A_67 : i32 to vector<16xi32>
      %select_n3A_69 = arith.select %and3A_66, %sub3A_59, %broadcast_in_dim3A_68 : vector<16xi1>, vector<16xi32>
      %swap3A_70 = arith.constant 32 : index
      %swap3A_71 = tpu.vector_load %arg7[%swap3A_70] {strides = array<i32>} : memref<128xi32, #tpu.memory_space<vmem>>, vector<16xi32>,
      %swap3A_72 = vector.shape_cast %swap3A_71 : vector<16xi32> to vector<16xi32>
      %swap3A_73 = vector.shape_cast %select_n3A_69 : vector<16xi32> to vector<16xi32>
      tpu.vector_store %arg7[%swap3A_70], %swap3A_73 {strides = array<i32>} : memref<128xi32, #tpu.memory_space<vmem>>, vector<16xi32>,
      %get3A_74 = arith.constant 48 : index
      %get3A_75 = tpu.vector_load %arg6[%get3A_74] {strides = array<i32>} : memref<128xi32, #tpu.memory_space<vmem>>, vector<16xi32>,
      %get3A_76 = vector.shape_cast %get3A_75 : vector<16xi32> to vector<16xi32>
      %sub3A_77 = vector.broadcast %mul3A_0 : i32 to vector<16xi32>
      %sub3A_78 = arith.subi %get3A_76, %sub3A_77 : vector<16xi32>
      %ge3A_79 = arith.constant 0 : i32
      %ge3A_80 = vector.broadcast %ge3A_79 : i32 to vector<16xi32>
      %ge3A_81 = arith.cmpi sge, %sub3A_78, %ge3A_80 : vector<16xi32>
      %lt3A_82 = arith.constant 25000 : i32
      %lt3A_83 = vector.broadcast %lt3A_82 : i32 to vector<16xi32>
      %lt3A_84 = arith.cmpi slt, %sub3A_78, %lt3A_83 : vector<16xi32>
      %and3A_85 = arith.andi %ge3A_81, %lt3A_84 : vector<16xi1>
      %jit3A_86 = arith.constant 25088 : i32
      %broadcast_in_dim3A_87 = vector.broadcast %jit3A_86 : i32 to vector<16xi32>
      %select_n3A_88 = arith.select %and3A_85, %sub3A_78, %broadcast_in_dim3A_87 : vector<16xi1>, vector<16xi32>
      %swap3A_89 = arith.constant 48 : index
      %swap3A_90 = tpu.vector_load %arg7[%swap3A_89] {strides = array<i32>} : memref<128xi32, #tpu.memory_space<vmem>>, vector<16xi32>,
      %swap3A_91 = vector.shape_cast %swap3A_90 : vector<16xi32> to vector<16xi32>
      %swap3A_92 = vector.shape_cast %select_n3A_88 : vector<16xi32> to vector<16xi32>
      tpu.vector_store %arg7[%swap3A_89], %swap3A_92 {strides = array<i32>} : memref<128xi32, #tpu.memory_space<vmem>>, vector<16xi32>,
      %get3A_93 = arith.constant 64 : index
      %get3A_94 = tpu.vector_load %arg6[%get3A_93] {strides = array<i32>} : memref<128xi32, #tpu.memory_space<vmem>>, vector<16xi32>,
      %get3A_95 = vector.shape_cast %get3A_94 : vector<16xi32> to vector<16xi32>
      %sub3A_96 = vector.broadcast %mul3A_0 : i32 to vector<16xi32>
      %sub3A_97 = arith.subi %get3A_95, %sub3A_96 : vector<16xi32>
      %ge3A_98 = arith.constant 0 : i32
      %ge3A_99 = vector.broadcast %ge3A_98 : i32 to vector<16xi32>
      %ge3A_100 = arith.cmpi sge, %sub3A_97, %ge3A_99 : vector<16xi32>
      %lt3A_101 = arith.constant 25000 : i32
      %lt3A_102 = vector.broadcast %lt3A_101 : i32 to vector<16xi32>
      %lt3A_103 = arith.cmpi slt, %sub3A_97, %lt3A_102 : vector<16xi32>
      %and3A_104 = arith.andi %ge3A_100, %lt3A_103 : vector<16xi1>
      %jit3A_105 = arith.constant 25088 : i32
      %broadcast_in_dim3A_106 = vector.broadcast %jit3A_105 : i32 to vector<16xi32>
      %select_n3A_107 = arith.select %and3A_104, %sub3A_97, %broadcast_in_dim3A_106 : vector<16xi1>, vector<16xi32>
      %swap3A_108 = arith.constant 64 : index
      %swap3A_109 = tpu.vector_load %arg7[%swap3A_108] {strides = array<i32>} : memref<128xi32, #tpu.memory_space<vmem>>, vector<16xi32>,
      %swap3A_110 = vector.shape_cast %swap3A_109 : vector<16xi32> to vector<16xi32>
      %swap3A_111 = vector.shape_cast %select_n3A_107 : vector<16xi32> to vector<16xi32>
      tpu.vector_store %arg7[%swap3A_108], %swap3A_111 {strides = array<i32>} : memref<128xi32, #tpu.memory_space<vmem>>, vector<16xi32>,
      %get3A_112 = arith.constant 80 : index
      %get3A_113 = tpu.vector_load %arg6[%get3A_112] {strides = array<i32>} : memref<128xi32, #tpu.memory_space<vmem>>, vector<16xi32>,
      %get3A_114 = vector.shape_cast %get3A_113 : vector<16xi32> to vector<16xi32>
      %sub3A_115 = vector.broadcast %mul3A_0 : i32 to vector<16xi32>
      %sub3A_116 = arith.subi %get3A_114, %sub3A_115 : vector<16xi32>
      %ge3A_117 = arith.constant 0 : i32
      %ge3A_118 = vector.broadcast %ge3A_117 : i32 to vector<16xi32>
      %ge3A_119 = arith.cmpi sge, %sub3A_116, %ge3A_118 : vector<16xi32>
      %lt3A_120 = arith.constant 25000 : i32
      %lt3A_121 = vector.broadcast %lt3A_120 : i32 to vector<16xi32>
      %lt3A_122 = arith.cmpi slt, %sub3A_116, %lt3A_121 : vector<16xi32>
      %and3A_123 = arith.andi %ge3A_119, %lt3A_122 : vector<16xi1>
      %jit3A_124 = arith.constant 25088 : i32
      %broadcast_in_dim3A_125 = vector.broadcast %jit3A_124 : i32 to vector<16xi32>
      %select_n3A_126 = arith.select %and3A_123, %sub3A_116, %broadcast_in_dim3A_125 : vector<16xi1>, vector<16xi32>
      %swap3A_127 = arith.constant 80 : index
      %swap3A_128 = tpu.vector_load %arg7[%swap3A_127] {strides = array<i32>} : memref<128xi32, #tpu.memory_space<vmem>>, vector<16xi32>,
      %swap3A_129 = vector.shape_cast %swap3A_128 : vector<16xi32> to vector<16xi32>
      %swap3A_130 = vector.shape_cast %select_n3A_126 : vector<16xi32> to vector<16xi32>
      tpu.vector_store %arg7[%swap3A_127], %swap3A_130 {strides = array<i32>} : memref<128xi32, #tpu.memory_space<vmem>>, vector<16xi32>,
      %get3A_131 = arith.constant 96 : index
      %get3A_132 = tpu.vector_load %arg6[%get3A_131] {strides = array<i32>} : memref<128xi32, #tpu.memory_space<vmem>>, vector<16xi32>,
      %get3A_133 = vector.shape_cast %get3A_132 : vector<16xi32> to vector<16xi32>
      %sub3A_134 = vector.broadcast %mul3A_0 : i32 to vector<16xi32>
      %sub3A_135 = arith.subi %get3A_133, %sub3A_134 : vector<16xi32>
      %ge3A_136 = arith.constant 0 : i32
      %ge3A_137 = vector.broadcast %ge3A_136 : i32 to vector<16xi32>
      %ge3A_138 = arith.cmpi sge, %sub3A_135, %ge3A_137 : vector<16xi32>
      %lt3A_139 = arith.constant 25000 : i32
      %lt3A_140 = vector.broadcast %lt3A_139 : i32 to vector<16xi32>
      %lt3A_141 = arith.cmpi slt, %sub3A_135, %lt3A_140 : vector<16xi32>
      %and3A_142 = arith.andi %ge3A_138, %lt3A_141 : vector<16xi1>
      %jit3A_143 = arith.constant 25088 : i32
      %broadcast_in_dim3A_144 = vector.broadcast %jit3A_143 : i32 to vector<16xi32>
      %select_n3A_145 = arith.select %and3A_142, %sub3A_135, %broadcast_in_dim3A_144 : vector<16xi1>, vector<16xi32>
      %swap3A_146 = arith.constant 96 : index
      %swap3A_147 = tpu.vector_load %arg7[%swap3A_146] {strides = array<i32>} : memref<128xi32, #tpu.memory_space<vmem>>, vector<16xi32>,
      %swap3A_148 = vector.shape_cast %swap3A_147 : vector<16xi32> to vector<16xi32>
      %swap3A_149 = vector.shape_cast %select_n3A_145 : vector<16xi32> to vector<16xi32>
      tpu.vector_store %arg7[%swap3A_146], %swap3A_149 {strides = array<i32>} : memref<128xi32, #tpu.memory_space<vmem>>, vector<16xi32>,
      %get3A_150 = arith.constant 112 : index
      %get3A_151 = tpu.vector_load %arg6[%get3A_150] {strides = array<i32>} : memref<128xi32, #tpu.memory_space<vmem>>, vector<16xi32>,
      %get3A_152 = vector.shape_cast %get3A_151 : vector<16xi32> to vector<16xi32>
      %sub3A_153 = vector.broadcast %mul3A_0 : i32 to vector<16xi32>
      %sub3A_154 = arith.subi %get3A_152, %sub3A_153 : vector<16xi32>
      %ge3A_155 = arith.constant 0 : i32
      %ge3A_156 = vector.broadcast %ge3A_155 : i32 to vector<16xi32>
      %ge3A_157 = arith.cmpi sge, %sub3A_154, %ge3A_156 : vector<16xi32>
      %lt3A_158 = arith.constant 25000 : i32
      %lt3A_159 = vector.broadcast %lt3A_158 : i32 to vector<16xi32>
      %lt3A_160 = arith.cmpi slt, %sub3A_154, %lt3A_159 : vector<16xi32>
      %and3A_161 = arith.andi %ge3A_157, %lt3A_160 : vector<16xi1>
      %jit3A_162 = arith.constant 25088 : i32
      %broadcast_in_dim3A_163 = vector.broadcast %jit3A_162 : i32 to vector<16xi32>
      %select_n3A_164 = arith.select %and3A_161, %sub3A_154, %broadcast_in_dim3A_163 : vector<16xi1>, vector<16xi32>
      %swap3A_165 = arith.constant 112 : index
      %swap3A_166 = tpu.vector_load %arg7[%swap3A_165] {strides = array<i32>} : memref<128xi32, #tpu.memory_space<vmem>>, vector<16xi32>,
      %swap3A_167 = vector.shape_cast %swap3A_166 : vector<16xi32> to vector<16xi32>
      %swap3A_168 = vector.shape_cast %select_n3A_164 : vector<16xi32> to vector<16xi32>
      tpu.vector_store %arg7[%swap3A_165], %swap3A_168 {strides = array<i32>} : memref<128xi32, #tpu.memory_space<vmem>>, vector<16xi32>,
      "tpu.region"() ({
        %run_scoped3A = tpu.sem_alloc : memref<!tpu.dma_semaphore, #tpu.memory_space<semaphore_mem>>
        %dma_start3A = arith.constant 0 : i32
        %dma_start3A_169 = arith.constant 0 : i32
        %dma_start3A_170 = tpu.memref_slice %arg9[%dma_start3A, %dma_start3A_169] : memref<25104x16xf32, #tpu.memory_space<vmem_shared>> -> memref<25104x16xf32, #tpu.memory_space<vmem_shared>>
        tpu.enqueue_indirect_dma source(%arg8 : memref<128x16xf32, #tpu.memory_space<vmem>>) target(%dma_start3A_170 : memref<25104x16xf32, #tpu.memory_space<vmem_shared>>) offsets(%arg7 : memref<128xi32, #tpu.memory_space<vmem>>) semaphore(%run_scoped3A : memref<!tpu.dma_semaphore, #tpu.memory_space<semaphore_mem>>) {add = true}
        %dma_wait3A = arith.constant 0 : i32
        %dma_wait3A_171 = arith.constant 0 : i32
        %dma_wait3A_172 = tpu.memref_slice %arg9[%dma_wait3A, %dma_wait3A_171] : memref<25104x16xf32, #tpu.memory_space<vmem_shared>> -> memref<25104x16xf32, #tpu.memory_space<vmem_shared>>
        tpu.wait_indirect_dma semaphore(%run_scoped3A : memref<!tpu.dma_semaphore, #tpu.memory_space<semaphore_mem>>) src(%arg8 : memref<128x16xf32, #tpu.memory_space<vmem>>) dst(%dma_wait3A_172 : memref<25104x16xf32, #tpu.memory_space<vmem_shared>>)
        tpu.yield
      }) : () -> ()
    }
    %scan3A_10 = arith.constant 400 : i32
    %barrier3A_11 = arith.constant 0 : index
    tpu.barrier barrier_id(%barrier3A_11)
    %mul3A_12 = arith.constant 1568 : i32
    %mul3A_13 = arith.muli %arg1, %mul3A_12 : i32
    %mul3A_14 = arith.constant 25088 : i32
    %mul3A_15 = arith.muli %arg0, %mul3A_14 : i32
    %mul3A_16 = arith.constant 1568 : i32
    %mul3A_17 = arith.muli %arg1, %mul3A_16 : i32
    %add3A = arith.addi %mul3A_15, %mul3A_17 : i32
    "tpu.region"() ({
      %run_scoped3A = tpu.sem_alloc : memref<!tpu.dma_semaphore, #tpu.memory_space<semaphore_mem>>
      %dma_start3A = arith.constant 0 : i32
      %dma_start3A_18 = tpu.memref_slice %arg5[%add3A, %dma_start3A] : memref<50176x16xf32, #tpu.memory_space<hbm>> -> memref<1568x16xf32, #tpu.memory_space<hbm>>
      %dma_start3A_19 = arith.constant 0 : i32
      %dma_start3A_20 = tpu.memref_slice %arg9[%mul3A_13, %dma_start3A_19] : memref<25104x16xf32, #tpu.memory_space<vmem_shared>> -> memref<1568x16xf32, #tpu.memory_space<vmem_shared>>
      tpu.enqueue_dma source(%dma_start3A_20 : memref<1568x16xf32, #tpu.memory_space<vmem_shared>>) target(%dma_start3A_18 : memref<1568x16xf32, #tpu.memory_space<hbm>>) target_semaphore(%run_scoped3A : memref<!tpu.dma_semaphore, #tpu.memory_space<semaphore_mem>>)
      %dma_wait3A = arith.constant 0 : i32
      %dma_wait3A_21 = tpu.memref_slice %arg5[%add3A, %dma_wait3A] : memref<50176x16xf32, #tpu.memory_space<hbm>> -> memref<1568x16xf32, #tpu.memory_space<hbm>>
      %dma_wait3A_22 = arith.constant 0 : i32
      %dma_wait3A_23 = tpu.memref_slice %arg9[%mul3A_13, %dma_wait3A_22] : memref<25104x16xf32, #tpu.memory_space<vmem_shared>> -> memref<1568x16xf32, #tpu.memory_space<vmem_shared>>
      tpu.wait_dma2 semaphore(%run_scoped3A : memref<!tpu.dma_semaphore, #tpu.memory_space<semaphore_mem>>) src(%dma_wait3A_23 : memref<1568x16xf32, #tpu.memory_space<vmem_shared>>) dst(%dma_wait3A_21 : memref<1568x16xf32, #tpu.memory_space<hbm>>)
      tpu.yield
    }) : () -> ()
    return
  }
}

#map = affine_map<(d0, d1) -> (0, 0)>
#map1 = affine_map<(d0, d1) -> (0)>
module attributes {stable_mosaic.version = 14 : i64} {
  func.func @k(%arg0: i32, %arg1: i32, %arg2: memref<50176x64xf32, #tpu.memory_space<hbm>>, %arg3: memref<819200xi32, #tpu.memory_space<hbm>>, %arg4: memref<819200xi32, #tpu.memory_space<hbm>>, %arg5: memref<25088x64xf32, #tpu.memory_space<hbm>>, %arg6: memref<50176x64xf32, #tpu.memory_space<hbm>>, %arg7: memref<128xi32, #tpu.memory_space<vmem>>, %arg8: memref<128xi32, #tpu.memory_space<vmem>>, %arg9: memref<128xi32, #tpu.memory_space<vmem>>, %arg10: memref<128xi32, #tpu.memory_space<vmem>>, %arg11: memref<128x64xf32, #tpu.memory_space<vmem>>, %arg12: memref<25104x64xf32, #tpu.memory_space<vmem_shared>>, %arg13: memref<!tpu.dma_semaphore, #tpu.memory_space<semaphore_mem>>) attributes {dimension_semantics = [#tpu.dimension_semantics<core_parallel>, #tpu.dimension_semantics<subcore_parallel>], iteration_bounds = array<i64: 2, 16>, scalar_prefetch = 0 : i64, scratch_operands = 7 : i64, tpu.core_type = #tpu.core_type<sc_vector_subcore>, window_params = [{transform_indices = #map}, {transform_indices = #map1}, {transform_indices = #map1}, {transform_indices = #map}, {transform_indices = #map}]} {
    %mul3A = arith.constant 25000 : i32
    %mul3A_0 = arith.muli %arg0, %mul3A : i32
    %mul3A_1 = arith.constant 1568 : i32
    %mul3A_2 = arith.muli %arg1, %mul3A_1 : i32
    %mul3A_3 = arith.constant 1568 : i32
    %mul3A_4 = arith.muli %arg1, %mul3A_3 : i32
    "tpu.region"() ({
      %run_scoped3A = tpu.sem_alloc : memref<!tpu.dma_semaphore, #tpu.memory_space<semaphore_mem>>
      %dma_start3A = arith.constant 0 : i32
      %dma_start3A_18 = tpu.memref_slice %arg12[%mul3A_4, %dma_start3A] : memref<25104x64xf32, #tpu.memory_space<vmem_shared>> -> memref<1568x64xf32, #tpu.memory_space<vmem_shared>>
      %dma_start3A_19 = arith.constant 0 : i32
      %dma_start3A_20 = tpu.memref_slice %arg5[%mul3A_2, %dma_start3A_19] : memref<25088x64xf32, #tpu.memory_space<hbm>> -> memref<1568x64xf32, #tpu.memory_space<hbm>>
      tpu.enqueue_dma source(%dma_start3A_20 : memref<1568x64xf32, #tpu.memory_space<hbm>>) target(%dma_start3A_18 : memref<1568x64xf32, #tpu.memory_space<vmem_shared>>) target_semaphore(%run_scoped3A : memref<!tpu.dma_semaphore, #tpu.memory_space<semaphore_mem>>)
      %dma_wait3A = arith.constant 0 : i32
      %dma_wait3A_21 = tpu.memref_slice %arg12[%mul3A_4, %dma_wait3A] : memref<25104x64xf32, #tpu.memory_space<vmem_shared>> -> memref<1568x64xf32, #tpu.memory_space<vmem_shared>>
      %dma_wait3A_22 = arith.constant 0 : i32
      %dma_wait3A_23 = tpu.memref_slice %arg5[%mul3A_2, %dma_wait3A_22] : memref<25088x64xf32, #tpu.memory_space<hbm>> -> memref<1568x64xf32, #tpu.memory_space<hbm>>
      tpu.wait_dma2 semaphore(%run_scoped3A : memref<!tpu.dma_semaphore, #tpu.memory_space<semaphore_mem>>) src(%dma_wait3A_23 : memref<1568x64xf32, #tpu.memory_space<hbm>>) dst(%dma_wait3A_21 : memref<1568x64xf32, #tpu.memory_space<vmem_shared>>)
      tpu.yield
    }) : () -> ()
    %barrier3A = arith.constant 0 : index
    tpu.barrier barrier_id(%barrier3A)
    %mul3A_5 = arith.constant 51200 : i32
    %mul3A_6 = arith.muli %arg1, %mul3A_5 : i32
    %scan3A = arith.constant 0 : i32
    %scan3A_7 = arith.constant 400 : i32
    %scan3A_8 = arith.addi %scan3A, %scan3A_7 : i32
    %scan3A_9 = arith.constant 1 : i32
    scf.for %scan3A_18 = %scan3A to %scan3A_8 step %scan3A_9  : i32 {
      %mul3A_19 = arith.constant 1 : i32
      %mul3A_20 = arith.muli %scan3A_18, %mul3A_19 : i32
      %add3A_21 = arith.constant 0 : i32
      %add3A_22 = arith.addi %add3A_21, %mul3A_20 : i32
      %mul3A_23 = arith.constant 128 : i32
      %mul3A_24 = arith.muli %add3A_22, %mul3A_23 : i32
      %add3A_25 = arith.addi %mul3A_6, %mul3A_24 : i32
      "tpu.region"() ({
        %run_scoped3A = tpu.sem_alloc : memref<!tpu.dma_semaphore, #tpu.memory_space<semaphore_mem>>
        %dma_start3A_285 = tpu.memref_slice %arg3[%add3A_25] : memref<819200xi32, #tpu.memory_space<hbm>> -> memref<128xi32, #tpu.memory_space<hbm>>
        %dma_start3A_286 = tpu.memref_slice %arg3[%add3A_25] : memref<819200xi32, #tpu.memory_space<hbm>> -> memref<128xi32, #tpu.memory_space<hbm>>
        tpu.enqueue_dma source(%dma_start3A_286 : memref<128xi32, #tpu.memory_space<hbm>>) target(%arg7 : memref<128xi32, #tpu.memory_space<vmem>>) target_semaphore(%run_scoped3A : memref<!tpu.dma_semaphore, #tpu.memory_space<semaphore_mem>>)
        %dma_wait3A_287 = tpu.memref_slice %arg3[%add3A_25] : memref<819200xi32, #tpu.memory_space<hbm>> -> memref<128xi32, #tpu.memory_space<hbm>>
        %dma_wait3A_288 = tpu.memref_slice %arg3[%add3A_25] : memref<819200xi32, #tpu.memory_space<hbm>> -> memref<128xi32, #tpu.memory_space<hbm>>
        tpu.wait_dma2 semaphore(%run_scoped3A : memref<!tpu.dma_semaphore, #tpu.memory_space<semaphore_mem>>) src(%dma_wait3A_288 : memref<128xi32, #tpu.memory_space<hbm>>) dst(%arg7 : memref<128xi32, #tpu.memory_space<vmem>>)
        tpu.yield
      }) : () -> ()
      "tpu.region"() ({
        %run_scoped3A = tpu.sem_alloc : memref<!tpu.dma_semaphore, #tpu.memory_space<semaphore_mem>>
        %dma_start3A_285 = tpu.memref_slice %arg4[%add3A_25] : memref<819200xi32, #tpu.memory_space<hbm>> -> memref<128xi32, #tpu.memory_space<hbm>>
        %dma_start3A_286 = tpu.memref_slice %arg4[%add3A_25] : memref<819200xi32, #tpu.memory_space<hbm>> -> memref<128xi32, #tpu.memory_space<hbm>>
        tpu.enqueue_dma source(%dma_start3A_286 : memref<128xi32, #tpu.memory_space<hbm>>) target(%arg8 : memref<128xi32, #tpu.memory_space<vmem>>) target_semaphore(%run_scoped3A : memref<!tpu.dma_semaphore, #tpu.memory_space<semaphore_mem>>)
        %dma_wait3A_287 = tpu.memref_slice %arg4[%add3A_25] : memref<819200xi32, #tpu.memory_space<hbm>> -> memref<128xi32, #tpu.memory_space<hbm>>
        %dma_wait3A_288 = tpu.memref_slice %arg4[%add3A_25] : memref<819200xi32, #tpu.memory_space<hbm>> -> memref<128xi32, #tpu.memory_space<hbm>>
        tpu.wait_dma2 semaphore(%run_scoped3A : memref<!tpu.dma_semaphore, #tpu.memory_space<semaphore_mem>>) src(%dma_wait3A_288 : memref<128xi32, #tpu.memory_space<hbm>>) dst(%arg8 : memref<128xi32, #tpu.memory_space<vmem>>)
        tpu.yield
      }) : () -> ()
      %get3A = arith.constant 0 : index
      %get3A_26 = tpu.vector_load %arg7[%get3A] {strides = array<i32>} : memref<128xi32, #tpu.memory_space<vmem>>, vector<16xi32>,
      %get3A_27 = vector.shape_cast %get3A_26 : vector<16xi32> to vector<16xi32>
      %sub3A = vector.broadcast %mul3A_0 : i32 to vector<16xi32>
      %sub3A_28 = arith.subi %get3A_27, %sub3A : vector<16xi32>
      %ge3A = arith.constant 0 : i32
      %ge3A_29 = vector.broadcast %ge3A : i32 to vector<16xi32>
      %ge3A_30 = arith.cmpi sge, %sub3A_28, %ge3A_29 : vector<16xi32>
      %lt3A = arith.constant 25000 : i32
      %lt3A_31 = vector.broadcast %lt3A : i32 to vector<16xi32>
      %lt3A_32 = arith.cmpi slt, %sub3A_28, %lt3A_31 : vector<16xi32>
      %and3A = arith.andi %ge3A_30, %lt3A_32 : vector<16xi1>
      %jit3A = arith.constant 25088 : i32
      %broadcast_in_dim3A = vector.broadcast %jit3A : i32 to vector<16xi32>
      %select_n3A = arith.select %and3A, %sub3A_28, %broadcast_in_dim3A : vector<16xi1>, vector<16xi32>
      %swap3A = arith.constant 0 : index
      %swap3A_33 = tpu.vector_load %arg9[%swap3A] {strides = array<i32>} : memref<128xi32, #tpu.memory_space<vmem>>, vector<16xi32>,
      %swap3A_34 = vector.shape_cast %swap3A_33 : vector<16xi32> to vector<16xi32>
      %swap3A_35 = vector.shape_cast %select_n3A : vector<16xi32> to vector<16xi32>
      tpu.vector_store %arg9[%swap3A], %swap3A_35 {strides = array<i32>} : memref<128xi32, #tpu.memory_space<vmem>>, vector<16xi32>,
      %get3A_36 = arith.constant 0 : index
      %get3A_37 = tpu.vector_load %arg8[%get3A_36] {strides = array<i32>} : memref<128xi32, #tpu.memory_space<vmem>>, vector<16xi32>,
      %get3A_38 = vector.shape_cast %get3A_37 : vector<16xi32> to vector<16xi32>
      %ge3A_39 = arith.constant 25000 : i32
      %ge3A_40 = vector.broadcast %ge3A_39 : i32 to vector<16xi32>
      %ge3A_41 = arith.cmpi sge, %get3A_38, %ge3A_40 : vector<16xi32>
      %add3A_42 = arith.constant 88 : i32
      %add3A_43 = vector.broadcast %add3A_42 : i32 to vector<16xi32>
      %add3A_44 = arith.addi %get3A_38, %add3A_43 : vector<16xi32>
      %select_n3A_45 = arith.select %ge3A_41, %add3A_44, %get3A_38 : vector<16xi1>, vector<16xi32>
      %swap3A_46 = arith.constant 0 : index
      %swap3A_47 = tpu.vector_load %arg10[%swap3A_46] {strides = array<i32>} : memref<128xi32, #tpu.memory_space<vmem>>, vector<16xi32>,
      %swap3A_48 = vector.shape_cast %swap3A_47 : vector<16xi32> to vector<16xi32>
      %swap3A_49 = vector.shape_cast %select_n3A_45 : vector<16xi32> to vector<16xi32>
      tpu.vector_store %arg10[%swap3A_46], %swap3A_49 {strides = array<i32>} : memref<128xi32, #tpu.memory_space<vmem>>, vector<16xi32>,
      %get3A_50 = arith.constant 16 : index
      %get3A_51 = tpu.vector_load %arg7[%get3A_50] {strides = array<i32>} : memref<128xi32, #tpu.memory_space<vmem>>, vector<16xi32>,
      %get3A_52 = vector.shape_cast %get3A_51 : vector<16xi32> to vector<16xi32>
      %sub3A_53 = vector.broadcast %mul3A_0 : i32 to vector<16xi32>
      %sub3A_54 = arith.subi %get3A_52, %sub3A_53 : vector<16xi32>
      %ge3A_55 = arith.constant 0 : i32
      %ge3A_56 = vector.broadcast %ge3A_55 : i32 to vector<16xi32>
      %ge3A_57 = arith.cmpi sge, %sub3A_54, %ge3A_56 : vector<16xi32>
      %lt3A_58 = arith.constant 25000 : i32
      %lt3A_59 = vector.broadcast %lt3A_58 : i32 to vector<16xi32>
      %lt3A_60 = arith.cmpi slt, %sub3A_54, %lt3A_59 : vector<16xi32>
      %and3A_61 = arith.andi %ge3A_57, %lt3A_60 : vector<16xi1>
      %jit3A_62 = arith.constant 25088 : i32
      %broadcast_in_dim3A_63 = vector.broadcast %jit3A_62 : i32 to vector<16xi32>
      %select_n3A_64 = arith.select %and3A_61, %sub3A_54, %broadcast_in_dim3A_63 : vector<16xi1>, vector<16xi32>
      %swap3A_65 = arith.constant 16 : index
      %swap3A_66 = tpu.vector_load %arg9[%swap3A_65] {strides = array<i32>} : memref<128xi32, #tpu.memory_space<vmem>>, vector<16xi32>,
      %swap3A_67 = vector.shape_cast %swap3A_66 : vector<16xi32> to vector<16xi32>
      %swap3A_68 = vector.shape_cast %select_n3A_64 : vector<16xi32> to vector<16xi32>
      tpu.vector_store %arg9[%swap3A_65], %swap3A_68 {strides = array<i32>} : memref<128xi32, #tpu.memory_space<vmem>>, vector<16xi32>,
      %get3A_69 = arith.constant 16 : index
      %get3A_70 = tpu.vector_load %arg8[%get3A_69] {strides = array<i32>} : memref<128xi32, #tpu.memory_space<vmem>>, vector<16xi32>,
      %get3A_71 = vector.shape_cast %get3A_70 : vector<16xi32> to vector<16xi32>
      %ge3A_72 = arith.constant 25000 : i32
      %ge3A_73 = vector.broadcast %ge3A_72 : i32 to vector<16xi32>
      %ge3A_74 = arith.cmpi sge, %get3A_71, %ge3A_73 : vector<16xi32>
      %add3A_75 = arith.constant 88 : i32
      %add3A_76 = vector.broadcast %add3A_75 : i32 to vector<16xi32>
      %add3A_77 = arith.addi %get3A_71, %add3A_76 : vector<16xi32>
      %select_n3A_78 = arith.select %ge3A_74, %add3A_77, %get3A_71 : vector<16xi1>, vector<16xi32>
      %swap3A_79 = arith.constant 16 : index
      %swap3A_80 = tpu.vector_load %arg10[%swap3A_79] {strides = array<i32>} : memref<128xi32, #tpu.memory_space<vmem>>, vector<16xi32>,
      %swap3A_81 = vector.shape_cast %swap3A_80 : vector<16xi32> to vector<16xi32>
      %swap3A_82 = vector.shape_cast %select_n3A_78 : vector<16xi32> to vector<16xi32>
      tpu.vector_store %arg10[%swap3A_79], %swap3A_82 {strides = array<i32>} : memref<128xi32, #tpu.memory_space<vmem>>, vector<16xi32>,
      %get3A_83 = arith.constant 32 : index
      %get3A_84 = tpu.vector_load %arg7[%get3A_83] {strides = array<i32>} : memref<128xi32, #tpu.memory_space<vmem>>, vector<16xi32>,
      %get3A_85 = vector.shape_cast %get3A_84 : vector<16xi32> to vector<16xi32>
      %sub3A_86 = vector.broadcast %mul3A_0 : i32 to vector<16xi32>
      %sub3A_87 = arith.subi %get3A_85, %sub3A_86 : vector<16xi32>
      %ge3A_88 = arith.constant 0 : i32
      %ge3A_89 = vector.broadcast %ge3A_88 : i32 to vector<16xi32>
      %ge3A_90 = arith.cmpi sge, %sub3A_87, %ge3A_89 : vector<16xi32>
      %lt3A_91 = arith.constant 25000 : i32
      %lt3A_92 = vector.broadcast %lt3A_91 : i32 to vector<16xi32>
      %lt3A_93 = arith.cmpi slt, %sub3A_87, %lt3A_92 : vector<16xi32>
      %and3A_94 = arith.andi %ge3A_90, %lt3A_93 : vector<16xi1>
      %jit3A_95 = arith.constant 25088 : i32
      %broadcast_in_dim3A_96 = vector.broadcast %jit3A_95 : i32 to vector<16xi32>
      %select_n3A_97 = arith.select %and3A_94, %sub3A_87, %broadcast_in_dim3A_96 : vector<16xi1>, vector<16xi32>
      %swap3A_98 = arith.constant 32 : index
      %swap3A_99 = tpu.vector_load %arg9[%swap3A_98] {strides = array<i32>} : memref<128xi32, #tpu.memory_space<vmem>>, vector<16xi32>,
      %swap3A_100 = vector.shape_cast %swap3A_99 : vector<16xi32> to vector<16xi32>
      %swap3A_101 = vector.shape_cast %select_n3A_97 : vector<16xi32> to vector<16xi32>
      tpu.vector_store %arg9[%swap3A_98], %swap3A_101 {strides = array<i32>} : memref<128xi32, #tpu.memory_space<vmem>>, vector<16xi32>,
      %get3A_102 = arith.constant 32 : index
      %get3A_103 = tpu.vector_load %arg8[%get3A_102] {strides = array<i32>} : memref<128xi32, #tpu.memory_space<vmem>>, vector<16xi32>,
      %get3A_104 = vector.shape_cast %get3A_103 : vector<16xi32> to vector<16xi32>
      %ge3A_105 = arith.constant 25000 : i32
      %ge3A_106 = vector.broadcast %ge3A_105 : i32 to vector<16xi32>
      %ge3A_107 = arith.cmpi sge, %get3A_104, %ge3A_106 : vector<16xi32>
      %add3A_108 = arith.constant 88 : i32
      %add3A_109 = vector.broadcast %add3A_108 : i32 to vector<16xi32>
      %add3A_110 = arith.addi %get3A_104, %add3A_109 : vector<16xi32>
      %select_n3A_111 = arith.select %ge3A_107, %add3A_110, %get3A_104 : vector<16xi1>, vector<16xi32>
      %swap3A_112 = arith.constant 32 : index
      %swap3A_113 = tpu.vector_load %arg10[%swap3A_112] {strides = array<i32>} : memref<128xi32, #tpu.memory_space<vmem>>, vector<16xi32>,
      %swap3A_114 = vector.shape_cast %swap3A_113 : vector<16xi32> to vector<16xi32>
      %swap3A_115 = vector.shape_cast %select_n3A_111 : vector<16xi32> to vector<16xi32>
      tpu.vector_store %arg10[%swap3A_112], %swap3A_115 {strides = array<i32>} : memref<128xi32, #tpu.memory_space<vmem>>, vector<16xi32>,
      %get3A_116 = arith.constant 48 : index
      %get3A_117 = tpu.vector_load %arg7[%get3A_116] {strides = array<i32>} : memref<128xi32, #tpu.memory_space<vmem>>, vector<16xi32>,
      %get3A_118 = vector.shape_cast %get3A_117 : vector<16xi32> to vector<16xi32>
      %sub3A_119 = vector.broadcast %mul3A_0 : i32 to vector<16xi32>
      %sub3A_120 = arith.subi %get3A_118, %sub3A_119 : vector<16xi32>
      %ge3A_121 = arith.constant 0 : i32
      %ge3A_122 = vector.broadcast %ge3A_121 : i32 to vector<16xi32>
      %ge3A_123 = arith.cmpi sge, %sub3A_120, %ge3A_122 : vector<16xi32>
      %lt3A_124 = arith.constant 25000 : i32
      %lt3A_125 = vector.broadcast %lt3A_124 : i32 to vector<16xi32>
      %lt3A_126 = arith.cmpi slt, %sub3A_120, %lt3A_125 : vector<16xi32>
      %and3A_127 = arith.andi %ge3A_123, %lt3A_126 : vector<16xi1>
      %jit3A_128 = arith.constant 25088 : i32
      %broadcast_in_dim3A_129 = vector.broadcast %jit3A_128 : i32 to vector<16xi32>
      %select_n3A_130 = arith.select %and3A_127, %sub3A_120, %broadcast_in_dim3A_129 : vector<16xi1>, vector<16xi32>
      %swap3A_131 = arith.constant 48 : index
      %swap3A_132 = tpu.vector_load %arg9[%swap3A_131] {strides = array<i32>} : memref<128xi32, #tpu.memory_space<vmem>>, vector<16xi32>,
      %swap3A_133 = vector.shape_cast %swap3A_132 : vector<16xi32> to vector<16xi32>
      %swap3A_134 = vector.shape_cast %select_n3A_130 : vector<16xi32> to vector<16xi32>
      tpu.vector_store %arg9[%swap3A_131], %swap3A_134 {strides = array<i32>} : memref<128xi32, #tpu.memory_space<vmem>>, vector<16xi32>,
      %get3A_135 = arith.constant 48 : index
      %get3A_136 = tpu.vector_load %arg8[%get3A_135] {strides = array<i32>} : memref<128xi32, #tpu.memory_space<vmem>>, vector<16xi32>,
      %get3A_137 = vector.shape_cast %get3A_136 : vector<16xi32> to vector<16xi32>
      %ge3A_138 = arith.constant 25000 : i32
      %ge3A_139 = vector.broadcast %ge3A_138 : i32 to vector<16xi32>
      %ge3A_140 = arith.cmpi sge, %get3A_137, %ge3A_139 : vector<16xi32>
      %add3A_141 = arith.constant 88 : i32
      %add3A_142 = vector.broadcast %add3A_141 : i32 to vector<16xi32>
      %add3A_143 = arith.addi %get3A_137, %add3A_142 : vector<16xi32>
      %select_n3A_144 = arith.select %ge3A_140, %add3A_143, %get3A_137 : vector<16xi1>, vector<16xi32>
      %swap3A_145 = arith.constant 48 : index
      %swap3A_146 = tpu.vector_load %arg10[%swap3A_145] {strides = array<i32>} : memref<128xi32, #tpu.memory_space<vmem>>, vector<16xi32>,
      %swap3A_147 = vector.shape_cast %swap3A_146 : vector<16xi32> to vector<16xi32>
      %swap3A_148 = vector.shape_cast %select_n3A_144 : vector<16xi32> to vector<16xi32>
      tpu.vector_store %arg10[%swap3A_145], %swap3A_148 {strides = array<i32>} : memref<128xi32, #tpu.memory_space<vmem>>, vector<16xi32>,
      %get3A_149 = arith.constant 64 : index
      %get3A_150 = tpu.vector_load %arg7[%get3A_149] {strides = array<i32>} : memref<128xi32, #tpu.memory_space<vmem>>, vector<16xi32>,
      %get3A_151 = vector.shape_cast %get3A_150 : vector<16xi32> to vector<16xi32>
      %sub3A_152 = vector.broadcast %mul3A_0 : i32 to vector<16xi32>
      %sub3A_153 = arith.subi %get3A_151, %sub3A_152 : vector<16xi32>
      %ge3A_154 = arith.constant 0 : i32
      %ge3A_155 = vector.broadcast %ge3A_154 : i32 to vector<16xi32>
      %ge3A_156 = arith.cmpi sge, %sub3A_153, %ge3A_155 : vector<16xi32>
      %lt3A_157 = arith.constant 25000 : i32
      %lt3A_158 = vector.broadcast %lt3A_157 : i32 to vector<16xi32>
      %lt3A_159 = arith.cmpi slt, %sub3A_153, %lt3A_158 : vector<16xi32>
      %and3A_160 = arith.andi %ge3A_156, %lt3A_159 : vector<16xi1>
      %jit3A_161 = arith.constant 25088 : i32
      %broadcast_in_dim3A_162 = vector.broadcast %jit3A_161 : i32 to vector<16xi32>
      %select_n3A_163 = arith.select %and3A_160, %sub3A_153, %broadcast_in_dim3A_162 : vector<16xi1>, vector<16xi32>
      %swap3A_164 = arith.constant 64 : index
      %swap3A_165 = tpu.vector_load %arg9[%swap3A_164] {strides = array<i32>} : memref<128xi32, #tpu.memory_space<vmem>>, vector<16xi32>,
      %swap3A_166 = vector.shape_cast %swap3A_165 : vector<16xi32> to vector<16xi32>
      %swap3A_167 = vector.shape_cast %select_n3A_163 : vector<16xi32> to vector<16xi32>
      tpu.vector_store %arg9[%swap3A_164], %swap3A_167 {strides = array<i32>} : memref<128xi32, #tpu.memory_space<vmem>>, vector<16xi32>,
      %get3A_168 = arith.constant 64 : index
      %get3A_169 = tpu.vector_load %arg8[%get3A_168] {strides = array<i32>} : memref<128xi32, #tpu.memory_space<vmem>>, vector<16xi32>,
      %get3A_170 = vector.shape_cast %get3A_169 : vector<16xi32> to vector<16xi32>
      %ge3A_171 = arith.constant 25000 : i32
      %ge3A_172 = vector.broadcast %ge3A_171 : i32 to vector<16xi32>
      %ge3A_173 = arith.cmpi sge, %get3A_170, %ge3A_172 : vector<16xi32>
      %add3A_174 = arith.constant 88 : i32
      %add3A_175 = vector.broadcast %add3A_174 : i32 to vector<16xi32>
      %add3A_176 = arith.addi %get3A_170, %add3A_175 : vector<16xi32>
      %select_n3A_177 = arith.select %ge3A_173, %add3A_176, %get3A_170 : vector<16xi1>, vector<16xi32>
      %swap3A_178 = arith.constant 64 : index
      %swap3A_179 = tpu.vector_load %arg10[%swap3A_178] {strides = array<i32>} : memref<128xi32, #tpu.memory_space<vmem>>, vector<16xi32>,
      %swap3A_180 = vector.shape_cast %swap3A_179 : vector<16xi32> to vector<16xi32>
      %swap3A_181 = vector.shape_cast %select_n3A_177 : vector<16xi32> to vector<16xi32>
      tpu.vector_store %arg10[%swap3A_178], %swap3A_181 {strides = array<i32>} : memref<128xi32, #tpu.memory_space<vmem>>, vector<16xi32>,
      %get3A_182 = arith.constant 80 : index
      %get3A_183 = tpu.vector_load %arg7[%get3A_182] {strides = array<i32>} : memref<128xi32, #tpu.memory_space<vmem>>, vector<16xi32>,
      %get3A_184 = vector.shape_cast %get3A_183 : vector<16xi32> to vector<16xi32>
      %sub3A_185 = vector.broadcast %mul3A_0 : i32 to vector<16xi32>
      %sub3A_186 = arith.subi %get3A_184, %sub3A_185 : vector<16xi32>
      %ge3A_187 = arith.constant 0 : i32
      %ge3A_188 = vector.broadcast %ge3A_187 : i32 to vector<16xi32>
      %ge3A_189 = arith.cmpi sge, %sub3A_186, %ge3A_188 : vector<16xi32>
      %lt3A_190 = arith.constant 25000 : i32
      %lt3A_191 = vector.broadcast %lt3A_190 : i32 to vector<16xi32>
      %lt3A_192 = arith.cmpi slt, %sub3A_186, %lt3A_191 : vector<16xi32>
      %and3A_193 = arith.andi %ge3A_189, %lt3A_192 : vector<16xi1>
      %jit3A_194 = arith.constant 25088 : i32
      %broadcast_in_dim3A_195 = vector.broadcast %jit3A_194 : i32 to vector<16xi32>
      %select_n3A_196 = arith.select %and3A_193, %sub3A_186, %broadcast_in_dim3A_195 : vector<16xi1>, vector<16xi32>
      %swap3A_197 = arith.constant 80 : index
      %swap3A_198 = tpu.vector_load %arg9[%swap3A_197] {strides = array<i32>} : memref<128xi32, #tpu.memory_space<vmem>>, vector<16xi32>,
      %swap3A_199 = vector.shape_cast %swap3A_198 : vector<16xi32> to vector<16xi32>
      %swap3A_200 = vector.shape_cast %select_n3A_196 : vector<16xi32> to vector<16xi32>
      tpu.vector_store %arg9[%swap3A_197], %swap3A_200 {strides = array<i32>} : memref<128xi32, #tpu.memory_space<vmem>>, vector<16xi32>,
      %get3A_201 = arith.constant 80 : index
      %get3A_202 = tpu.vector_load %arg8[%get3A_201] {strides = array<i32>} : memref<128xi32, #tpu.memory_space<vmem>>, vector<16xi32>,
      %get3A_203 = vector.shape_cast %get3A_202 : vector<16xi32> to vector<16xi32>
      %ge3A_204 = arith.constant 25000 : i32
      %ge3A_205 = vector.broadcast %ge3A_204 : i32 to vector<16xi32>
      %ge3A_206 = arith.cmpi sge, %get3A_203, %ge3A_205 : vector<16xi32>
      %add3A_207 = arith.constant 88 : i32
      %add3A_208 = vector.broadcast %add3A_207 : i32 to vector<16xi32>
      %add3A_209 = arith.addi %get3A_203, %add3A_208 : vector<16xi32>
      %select_n3A_210 = arith.select %ge3A_206, %add3A_209, %get3A_203 : vector<16xi1>, vector<16xi32>
      %swap3A_211 = arith.constant 80 : index
      %swap3A_212 = tpu.vector_load %arg10[%swap3A_211] {strides = array<i32>} : memref<128xi32, #tpu.memory_space<vmem>>, vector<16xi32>,
      %swap3A_213 = vector.shape_cast %swap3A_212 : vector<16xi32> to vector<16xi32>
      %swap3A_214 = vector.shape_cast %select_n3A_210 : vector<16xi32> to vector<16xi32>
      tpu.vector_store %arg10[%swap3A_211], %swap3A_214 {strides = array<i32>} : memref<128xi32, #tpu.memory_space<vmem>>, vector<16xi32>,
      %get3A_215 = arith.constant 96 : index
      %get3A_216 = tpu.vector_load %arg7[%get3A_215] {strides = array<i32>} : memref<128xi32, #tpu.memory_space<vmem>>, vector<16xi32>,
      %get3A_217 = vector.shape_cast %get3A_216 : vector<16xi32> to vector<16xi32>
      %sub3A_218 = vector.broadcast %mul3A_0 : i32 to vector<16xi32>
      %sub3A_219 = arith.subi %get3A_217, %sub3A_218 : vector<16xi32>
      %ge3A_220 = arith.constant 0 : i32
      %ge3A_221 = vector.broadcast %ge3A_220 : i32 to vector<16xi32>
      %ge3A_222 = arith.cmpi sge, %sub3A_219, %ge3A_221 : vector<16xi32>
      %lt3A_223 = arith.constant 25000 : i32
      %lt3A_224 = vector.broadcast %lt3A_223 : i32 to vector<16xi32>
      %lt3A_225 = arith.cmpi slt, %sub3A_219, %lt3A_224 : vector<16xi32>
      %and3A_226 = arith.andi %ge3A_222, %lt3A_225 : vector<16xi1>
      %jit3A_227 = arith.constant 25088 : i32
      %broadcast_in_dim3A_228 = vector.broadcast %jit3A_227 : i32 to vector<16xi32>
      %select_n3A_229 = arith.select %and3A_226, %sub3A_219, %broadcast_in_dim3A_228 : vector<16xi1>, vector<16xi32>
      %swap3A_230 = arith.constant 96 : index
      %swap3A_231 = tpu.vector_load %arg9[%swap3A_230] {strides = array<i32>} : memref<128xi32, #tpu.memory_space<vmem>>, vector<16xi32>,
      %swap3A_232 = vector.shape_cast %swap3A_231 : vector<16xi32> to vector<16xi32>
      %swap3A_233 = vector.shape_cast %select_n3A_229 : vector<16xi32> to vector<16xi32>
      tpu.vector_store %arg9[%swap3A_230], %swap3A_233 {strides = array<i32>} : memref<128xi32, #tpu.memory_space<vmem>>, vector<16xi32>,
      %get3A_234 = arith.constant 96 : index
      %get3A_235 = tpu.vector_load %arg8[%get3A_234] {strides = array<i32>} : memref<128xi32, #tpu.memory_space<vmem>>, vector<16xi32>,
      %get3A_236 = vector.shape_cast %get3A_235 : vector<16xi32> to vector<16xi32>
      %ge3A_237 = arith.constant 25000 : i32
      %ge3A_238 = vector.broadcast %ge3A_237 : i32 to vector<16xi32>
      %ge3A_239 = arith.cmpi sge, %get3A_236, %ge3A_238 : vector<16xi32>
      %add3A_240 = arith.constant 88 : i32
      %add3A_241 = vector.broadcast %add3A_240 : i32 to vector<16xi32>
      %add3A_242 = arith.addi %get3A_236, %add3A_241 : vector<16xi32>
      %select_n3A_243 = arith.select %ge3A_239, %add3A_242, %get3A_236 : vector<16xi1>, vector<16xi32>
      %swap3A_244 = arith.constant 96 : index
      %swap3A_245 = tpu.vector_load %arg10[%swap3A_244] {strides = array<i32>} : memref<128xi32, #tpu.memory_space<vmem>>, vector<16xi32>,
      %swap3A_246 = vector.shape_cast %swap3A_245 : vector<16xi32> to vector<16xi32>
      %swap3A_247 = vector.shape_cast %select_n3A_243 : vector<16xi32> to vector<16xi32>
      tpu.vector_store %arg10[%swap3A_244], %swap3A_247 {strides = array<i32>} : memref<128xi32, #tpu.memory_space<vmem>>, vector<16xi32>,
      %get3A_248 = arith.constant 112 : index
      %get3A_249 = tpu.vector_load %arg7[%get3A_248] {strides = array<i32>} : memref<128xi32, #tpu.memory_space<vmem>>, vector<16xi32>,
      %get3A_250 = vector.shape_cast %get3A_249 : vector<16xi32> to vector<16xi32>
      %sub3A_251 = vector.broadcast %mul3A_0 : i32 to vector<16xi32>
      %sub3A_252 = arith.subi %get3A_250, %sub3A_251 : vector<16xi32>
      %ge3A_253 = arith.constant 0 : i32
      %ge3A_254 = vector.broadcast %ge3A_253 : i32 to vector<16xi32>
      %ge3A_255 = arith.cmpi sge, %sub3A_252, %ge3A_254 : vector<16xi32>
      %lt3A_256 = arith.constant 25000 : i32
      %lt3A_257 = vector.broadcast %lt3A_256 : i32 to vector<16xi32>
      %lt3A_258 = arith.cmpi slt, %sub3A_252, %lt3A_257 : vector<16xi32>
      %and3A_259 = arith.andi %ge3A_255, %lt3A_258 : vector<16xi1>
      %jit3A_260 = arith.constant 25088 : i32
      %broadcast_in_dim3A_261 = vector.broadcast %jit3A_260 : i32 to vector<16xi32>
      %select_n3A_262 = arith.select %and3A_259, %sub3A_252, %broadcast_in_dim3A_261 : vector<16xi1>, vector<16xi32>
      %swap3A_263 = arith.constant 112 : index
      %swap3A_264 = tpu.vector_load %arg9[%swap3A_263] {strides = array<i32>} : memref<128xi32, #tpu.memory_space<vmem>>, vector<16xi32>,
      %swap3A_265 = vector.shape_cast %swap3A_264 : vector<16xi32> to vector<16xi32>
      %swap3A_266 = vector.shape_cast %select_n3A_262 : vector<16xi32> to vector<16xi32>
      tpu.vector_store %arg9[%swap3A_263], %swap3A_266 {strides = array<i32>} : memref<128xi32, #tpu.memory_space<vmem>>, vector<16xi32>,
      %get3A_267 = arith.constant 112 : index
      %get3A_268 = tpu.vector_load %arg8[%get3A_267] {strides = array<i32>} : memref<128xi32, #tpu.memory_space<vmem>>, vector<16xi32>,
      %get3A_269 = vector.shape_cast %get3A_268 : vector<16xi32> to vector<16xi32>
      %ge3A_270 = arith.constant 25000 : i32
      %ge3A_271 = vector.broadcast %ge3A_270 : i32 to vector<16xi32>
      %ge3A_272 = arith.cmpi sge, %get3A_269, %ge3A_271 : vector<16xi32>
      %add3A_273 = arith.constant 88 : i32
      %add3A_274 = vector.broadcast %add3A_273 : i32 to vector<16xi32>
      %add3A_275 = arith.addi %get3A_269, %add3A_274 : vector<16xi32>
      %select_n3A_276 = arith.select %ge3A_272, %add3A_275, %get3A_269 : vector<16xi1>, vector<16xi32>
      %swap3A_277 = arith.constant 112 : index
      %swap3A_278 = tpu.vector_load %arg10[%swap3A_277] {strides = array<i32>} : memref<128xi32, #tpu.memory_space<vmem>>, vector<16xi32>,
      %swap3A_279 = vector.shape_cast %swap3A_278 : vector<16xi32> to vector<16xi32>
      %swap3A_280 = vector.shape_cast %select_n3A_276 : vector<16xi32> to vector<16xi32>
      tpu.vector_store %arg10[%swap3A_277], %swap3A_280 {strides = array<i32>} : memref<128xi32, #tpu.memory_space<vmem>>, vector<16xi32>,
      %dma_start3A = arith.constant 0 : i32
      %dma_start3A_281 = arith.constant 0 : i32
      %dma_start3A_282 = tpu.memref_slice %arg2[%dma_start3A, %dma_start3A_281] : memref<50176x64xf32, #tpu.memory_space<hbm>> -> memref<50176x64xf32, #tpu.memory_space<hbm>>
      tpu.enqueue_indirect_dma source(%dma_start3A_282 : memref<50176x64xf32, #tpu.memory_space<hbm>>) target(%arg11 : memref<128x64xf32, #tpu.memory_space<vmem>>) offsets(%arg10 : memref<128xi32, #tpu.memory_space<vmem>>) semaphore(%arg13 : memref<!tpu.dma_semaphore, #tpu.memory_space<semaphore_mem>>)
      %dma_wait3A = arith.constant 0 : i32
      %dma_wait3A_283 = arith.constant 0 : i32
      %dma_wait3A_284 = tpu.memref_slice %arg2[%dma_wait3A, %dma_wait3A_283] : memref<50176x64xf32, #tpu.memory_space<hbm>> -> memref<50176x64xf32, #tpu.memory_space<hbm>>
      tpu.wait_indirect_dma semaphore(%arg13 : memref<!tpu.dma_semaphore, #tpu.memory_space<semaphore_mem>>) src(%dma_wait3A_284 : memref<50176x64xf32, #tpu.memory_space<hbm>>) dst(%arg11 : memref<128x64xf32, #tpu.memory_space<vmem>>)
      "tpu.region"() ({
        %run_scoped3A = tpu.sem_alloc : memref<!tpu.dma_semaphore, #tpu.memory_space<semaphore_mem>>
        %dma_start3A_285 = arith.constant 0 : i32
        %dma_start3A_286 = arith.constant 0 : i32
        %dma_start3A_287 = tpu.memref_slice %arg12[%dma_start3A_285, %dma_start3A_286] : memref<25104x64xf32, #tpu.memory_space<vmem_shared>> -> memref<25104x64xf32, #tpu.memory_space<vmem_shared>>
        tpu.enqueue_indirect_dma source(%arg11 : memref<128x64xf32, #tpu.memory_space<vmem>>) target(%dma_start3A_287 : memref<25104x64xf32, #tpu.memory_space<vmem_shared>>) offsets(%arg9 : memref<128xi32, #tpu.memory_space<vmem>>) semaphore(%run_scoped3A : memref<!tpu.dma_semaphore, #tpu.memory_space<semaphore_mem>>) {add = true}
        %dma_wait3A_288 = arith.constant 0 : i32
        %dma_wait3A_289 = arith.constant 0 : i32
        %dma_wait3A_290 = tpu.memref_slice %arg12[%dma_wait3A_288, %dma_wait3A_289] : memref<25104x64xf32, #tpu.memory_space<vmem_shared>> -> memref<25104x64xf32, #tpu.memory_space<vmem_shared>>
        tpu.wait_indirect_dma semaphore(%run_scoped3A : memref<!tpu.dma_semaphore, #tpu.memory_space<semaphore_mem>>) src(%arg11 : memref<128x64xf32, #tpu.memory_space<vmem>>) dst(%dma_wait3A_290 : memref<25104x64xf32, #tpu.memory_space<vmem_shared>>)
        tpu.yield
      }) : () -> ()
    }
    %scan3A_10 = arith.constant 400 : i32
    %barrier3A_11 = arith.constant 0 : index
    tpu.barrier barrier_id(%barrier3A_11)
    %mul3A_12 = arith.constant 1568 : i32
    %mul3A_13 = arith.muli %arg1, %mul3A_12 : i32
    %mul3A_14 = arith.constant 25088 : i32
    %mul3A_15 = arith.muli %arg0, %mul3A_14 : i32
    %mul3A_16 = arith.constant 1568 : i32
    %mul3A_17 = arith.muli %arg1, %mul3A_16 : i32
    %add3A = arith.addi %mul3A_15, %mul3A_17 : i32
    "tpu.region"() ({
      %run_scoped3A = tpu.sem_alloc : memref<!tpu.dma_semaphore, #tpu.memory_space<semaphore_mem>>
      %dma_start3A = arith.constant 0 : i32
      %dma_start3A_18 = tpu.memref_slice %arg6[%add3A, %dma_start3A] : memref<50176x64xf32, #tpu.memory_space<hbm>> -> memref<1568x64xf32, #tpu.memory_space<hbm>>
      %dma_start3A_19 = arith.constant 0 : i32
      %dma_start3A_20 = tpu.memref_slice %arg12[%mul3A_13, %dma_start3A_19] : memref<25104x64xf32, #tpu.memory_space<vmem_shared>> -> memref<1568x64xf32, #tpu.memory_space<vmem_shared>>
      tpu.enqueue_dma source(%dma_start3A_20 : memref<1568x64xf32, #tpu.memory_space<vmem_shared>>) target(%dma_start3A_18 : memref<1568x64xf32, #tpu.memory_space<hbm>>) target_semaphore(%run_scoped3A : memref<!tpu.dma_semaphore, #tpu.memory_space<semaphore_mem>>)
      %dma_wait3A = arith.constant 0 : i32
      %dma_wait3A_21 = tpu.memref_slice %arg6[%add3A, %dma_wait3A] : memref<50176x64xf32, #tpu.memory_space<hbm>> -> memref<1568x64xf32, #tpu.memory_space<hbm>>
      %dma_wait3A_22 = arith.constant 0 : i32
      %dma_wait3A_23 = tpu.memref_slice %arg12[%mul3A_13, %dma_wait3A_22] : memref<25104x64xf32, #tpu.memory_space<vmem_shared>> -> memref<1568x64xf32, #tpu.memory_space<vmem_shared>>
      tpu.wait_dma2 semaphore(%run_scoped3A : memref<!tpu.dma_semaphore, #tpu.memory_space<semaphore_mem>>) src(%dma_wait3A_23 : memref<1568x64xf32, #tpu.memory_space<vmem_shared>>) dst(%dma_wait3A_21 : memref<1568x64xf32, #tpu.memory_space<hbm>>)
      tpu.yield
    }) : () -> ()
    return
  }
}

#map = affine_map<(d0, d1) -> (0, 0)>
#map1 = affine_map<(d0, d1) -> (0)>
module attributes {stable_mosaic.version = 14 : i64} {
  func.func @k(%arg0: i32, %arg1: i32, %arg2: memref<50176x64xf32, #tpu.memory_space<hbm>>, %arg3: memref<819200xi32, #tpu.memory_space<hbm>>, %arg4: memref<819200xi32, #tpu.memory_space<hbm>>, %arg5: memref<25088x64xf32, #tpu.memory_space<hbm>>, %arg6: memref<50176x64xf32, #tpu.memory_space<hbm>>, %arg7: memref<128xi32, #tpu.memory_space<vmem>>, %arg8: memref<128xi32, #tpu.memory_space<vmem>>, %arg9: memref<128xi32, #tpu.memory_space<vmem>>, %arg10: memref<128xi32, #tpu.memory_space<vmem>>, %arg11: memref<128x64xf32, #tpu.memory_space<vmem>>, %arg12: memref<25104x64xf32, #tpu.memory_space<vmem_shared>>, %arg13: memref<!tpu.dma_semaphore, #tpu.memory_space<semaphore_mem>>) attributes {dimension_semantics = [#tpu.dimension_semantics<core_parallel>, #tpu.dimension_semantics<subcore_parallel>], iteration_bounds = array<i64: 2, 16>, scalar_prefetch = 0 : i64, scratch_operands = 7 : i64, tpu.core_type = #tpu.core_type<sc_vector_subcore>, window_params = [{transform_indices = #map}, {transform_indices = #map1}, {transform_indices = #map1}, {transform_indices = #map}, {transform_indices = #map}]} {
    %mul3A = arith.constant 25000 : i32
    %mul3A_0 = arith.muli %arg0, %mul3A : i32
    %mul3A_1 = arith.constant 1568 : i32
    %mul3A_2 = arith.muli %arg1, %mul3A_1 : i32
    %mul3A_3 = arith.constant 1568 : i32
    %mul3A_4 = arith.muli %arg1, %mul3A_3 : i32
    "tpu.region"() ({
      %run_scoped3A = tpu.sem_alloc : memref<!tpu.dma_semaphore, #tpu.memory_space<semaphore_mem>>
      %dma_start3A = arith.constant 0 : i32
      %dma_start3A_18 = tpu.memref_slice %arg12[%mul3A_4, %dma_start3A] : memref<25104x64xf32, #tpu.memory_space<vmem_shared>> -> memref<1568x64xf32, #tpu.memory_space<vmem_shared>>
      %dma_start3A_19 = arith.constant 0 : i32
      %dma_start3A_20 = tpu.memref_slice %arg5[%mul3A_2, %dma_start3A_19] : memref<25088x64xf32, #tpu.memory_space<hbm>> -> memref<1568x64xf32, #tpu.memory_space<hbm>>
      tpu.enqueue_dma source(%dma_start3A_20 : memref<1568x64xf32, #tpu.memory_space<hbm>>) target(%dma_start3A_18 : memref<1568x64xf32, #tpu.memory_space<vmem_shared>>) target_semaphore(%run_scoped3A : memref<!tpu.dma_semaphore, #tpu.memory_space<semaphore_mem>>)
      %dma_wait3A = arith.constant 0 : i32
      %dma_wait3A_21 = tpu.memref_slice %arg12[%mul3A_4, %dma_wait3A] : memref<25104x64xf32, #tpu.memory_space<vmem_shared>> -> memref<1568x64xf32, #tpu.memory_space<vmem_shared>>
      %dma_wait3A_22 = arith.constant 0 : i32
      %dma_wait3A_23 = tpu.memref_slice %arg5[%mul3A_2, %dma_wait3A_22] : memref<25088x64xf32, #tpu.memory_space<hbm>> -> memref<1568x64xf32, #tpu.memory_space<hbm>>
      tpu.wait_dma2 semaphore(%run_scoped3A : memref<!tpu.dma_semaphore, #tpu.memory_space<semaphore_mem>>) src(%dma_wait3A_23 : memref<1568x64xf32, #tpu.memory_space<hbm>>) dst(%dma_wait3A_21 : memref<1568x64xf32, #tpu.memory_space<vmem_shared>>)
      tpu.yield
    }) : () -> ()
    %barrier3A = arith.constant 0 : index
    tpu.barrier barrier_id(%barrier3A)
    %mul3A_5 = arith.constant 51200 : i32
    %mul3A_6 = arith.muli %arg1, %mul3A_5 : i32
    %scan3A = arith.constant 0 : i32
    %scan3A_7 = arith.constant 400 : i32
    %scan3A_8 = arith.addi %scan3A, %scan3A_7 : i32
    %scan3A_9 = arith.constant 1 : i32
    scf.for %scan3A_18 = %scan3A to %scan3A_8 step %scan3A_9  : i32 {
      %mul3A_19 = arith.constant 1 : i32
      %mul3A_20 = arith.muli %scan3A_18, %mul3A_19 : i32
      %add3A_21 = arith.constant 0 : i32
      %add3A_22 = arith.addi %add3A_21, %mul3A_20 : i32
      %mul3A_23 = arith.constant 128 : i32
      %mul3A_24 = arith.muli %add3A_22, %mul3A_23 : i32
      %add3A_25 = arith.addi %mul3A_6, %mul3A_24 : i32
      "tpu.region"() ({
        %run_scoped3A = tpu.sem_alloc : memref<!tpu.dma_semaphore, #tpu.memory_space<semaphore_mem>>
        %dma_start3A_285 = tpu.memref_slice %arg3[%add3A_25] : memref<819200xi32, #tpu.memory_space<hbm>> -> memref<128xi32, #tpu.memory_space<hbm>>
        %dma_start3A_286 = tpu.memref_slice %arg3[%add3A_25] : memref<819200xi32, #tpu.memory_space<hbm>> -> memref<128xi32, #tpu.memory_space<hbm>>
        tpu.enqueue_dma source(%dma_start3A_286 : memref<128xi32, #tpu.memory_space<hbm>>) target(%arg7 : memref<128xi32, #tpu.memory_space<vmem>>) target_semaphore(%run_scoped3A : memref<!tpu.dma_semaphore, #tpu.memory_space<semaphore_mem>>)
        %dma_wait3A_287 = tpu.memref_slice %arg3[%add3A_25] : memref<819200xi32, #tpu.memory_space<hbm>> -> memref<128xi32, #tpu.memory_space<hbm>>
        %dma_wait3A_288 = tpu.memref_slice %arg3[%add3A_25] : memref<819200xi32, #tpu.memory_space<hbm>> -> memref<128xi32, #tpu.memory_space<hbm>>
        tpu.wait_dma2 semaphore(%run_scoped3A : memref<!tpu.dma_semaphore, #tpu.memory_space<semaphore_mem>>) src(%dma_wait3A_288 : memref<128xi32, #tpu.memory_space<hbm>>) dst(%arg7 : memref<128xi32, #tpu.memory_space<vmem>>)
        tpu.yield
      }) : () -> ()
      "tpu.region"() ({
        %run_scoped3A = tpu.sem_alloc : memref<!tpu.dma_semaphore, #tpu.memory_space<semaphore_mem>>
        %dma_start3A_285 = tpu.memref_slice %arg4[%add3A_25] : memref<819200xi32, #tpu.memory_space<hbm>> -> memref<128xi32, #tpu.memory_space<hbm>>
        %dma_start3A_286 = tpu.memref_slice %arg4[%add3A_25] : memref<819200xi32, #tpu.memory_space<hbm>> -> memref<128xi32, #tpu.memory_space<hbm>>
        tpu.enqueue_dma source(%dma_start3A_286 : memref<128xi32, #tpu.memory_space<hbm>>) target(%arg8 : memref<128xi32, #tpu.memory_space<vmem>>) target_semaphore(%run_scoped3A : memref<!tpu.dma_semaphore, #tpu.memory_space<semaphore_mem>>)
        %dma_wait3A_287 = tpu.memref_slice %arg4[%add3A_25] : memref<819200xi32, #tpu.memory_space<hbm>> -> memref<128xi32, #tpu.memory_space<hbm>>
        %dma_wait3A_288 = tpu.memref_slice %arg4[%add3A_25] : memref<819200xi32, #tpu.memory_space<hbm>> -> memref<128xi32, #tpu.memory_space<hbm>>
        tpu.wait_dma2 semaphore(%run_scoped3A : memref<!tpu.dma_semaphore, #tpu.memory_space<semaphore_mem>>) src(%dma_wait3A_288 : memref<128xi32, #tpu.memory_space<hbm>>) dst(%arg8 : memref<128xi32, #tpu.memory_space<vmem>>)
        tpu.yield
      }) : () -> ()
      %get3A = arith.constant 0 : index
      %get3A_26 = tpu.vector_load %arg7[%get3A] {strides = array<i32>} : memref<128xi32, #tpu.memory_space<vmem>>, vector<16xi32>,
      %get3A_27 = vector.shape_cast %get3A_26 : vector<16xi32> to vector<16xi32>
      %sub3A = vector.broadcast %mul3A_0 : i32 to vector<16xi32>
      %sub3A_28 = arith.subi %get3A_27, %sub3A : vector<16xi32>
      %ge3A = arith.constant 0 : i32
      %ge3A_29 = vector.broadcast %ge3A : i32 to vector<16xi32>
      %ge3A_30 = arith.cmpi sge, %sub3A_28, %ge3A_29 : vector<16xi32>
      %lt3A = arith.constant 25000 : i32
      %lt3A_31 = vector.broadcast %lt3A : i32 to vector<16xi32>
      %lt3A_32 = arith.cmpi slt, %sub3A_28, %lt3A_31 : vector<16xi32>
      %and3A = arith.andi %ge3A_30, %lt3A_32 : vector<16xi1>
      %jit3A = arith.constant 25088 : i32
      %broadcast_in_dim3A = vector.broadcast %jit3A : i32 to vector<16xi32>
      %select_n3A = arith.select %and3A, %sub3A_28, %broadcast_in_dim3A : vector<16xi1>, vector<16xi32>
      %swap3A = arith.constant 0 : index
      %swap3A_33 = tpu.vector_load %arg9[%swap3A] {strides = array<i32>} : memref<128xi32, #tpu.memory_space<vmem>>, vector<16xi32>,
      %swap3A_34 = vector.shape_cast %swap3A_33 : vector<16xi32> to vector<16xi32>
      %swap3A_35 = vector.shape_cast %select_n3A : vector<16xi32> to vector<16xi32>
      tpu.vector_store %arg9[%swap3A], %swap3A_35 {strides = array<i32>} : memref<128xi32, #tpu.memory_space<vmem>>, vector<16xi32>,
      %get3A_36 = arith.constant 0 : index
      %get3A_37 = tpu.vector_load %arg8[%get3A_36] {strides = array<i32>} : memref<128xi32, #tpu.memory_space<vmem>>, vector<16xi32>,
      %get3A_38 = vector.shape_cast %get3A_37 : vector<16xi32> to vector<16xi32>
      %ge3A_39 = arith.constant 25000 : i32
      %ge3A_40 = vector.broadcast %ge3A_39 : i32 to vector<16xi32>
      %ge3A_41 = arith.cmpi sge, %get3A_38, %ge3A_40 : vector<16xi32>
      %add3A_42 = arith.constant 88 : i32
      %add3A_43 = vector.broadcast %add3A_42 : i32 to vector<16xi32>
      %add3A_44 = arith.addi %get3A_38, %add3A_43 : vector<16xi32>
      %select_n3A_45 = arith.select %ge3A_41, %add3A_44, %get3A_38 : vector<16xi1>, vector<16xi32>
      %swap3A_46 = arith.constant 0 : index
      %swap3A_47 = tpu.vector_load %arg10[%swap3A_46] {strides = array<i32>} : memref<128xi32, #tpu.memory_space<vmem>>, vector<16xi32>,
      %swap3A_48 = vector.shape_cast %swap3A_47 : vector<16xi32> to vector<16xi32>
      %swap3A_49 = vector.shape_cast %select_n3A_45 : vector<16xi32> to vector<16xi32>
      tpu.vector_store %arg10[%swap3A_46], %swap3A_49 {strides = array<i32>} : memref<128xi32, #tpu.memory_space<vmem>>, vector<16xi32>,
      %get3A_50 = arith.constant 16 : index
      %get3A_51 = tpu.vector_load %arg7[%get3A_50] {strides = array<i32>} : memref<128xi32, #tpu.memory_space<vmem>>, vector<16xi32>,
      %get3A_52 = vector.shape_cast %get3A_51 : vector<16xi32> to vector<16xi32>
      %sub3A_53 = vector.broadcast %mul3A_0 : i32 to vector<16xi32>
      %sub3A_54 = arith.subi %get3A_52, %sub3A_53 : vector<16xi32>
      %ge3A_55 = arith.constant 0 : i32
      %ge3A_56 = vector.broadcast %ge3A_55 : i32 to vector<16xi32>
      %ge3A_57 = arith.cmpi sge, %sub3A_54, %ge3A_56 : vector<16xi32>
      %lt3A_58 = arith.constant 25000 : i32
      %lt3A_59 = vector.broadcast %lt3A_58 : i32 to vector<16xi32>
      %lt3A_60 = arith.cmpi slt, %sub3A_54, %lt3A_59 : vector<16xi32>
      %and3A_61 = arith.andi %ge3A_57, %lt3A_60 : vector<16xi1>
      %jit3A_62 = arith.constant 25088 : i32
      %broadcast_in_dim3A_63 = vector.broadcast %jit3A_62 : i32 to vector<16xi32>
      %select_n3A_64 = arith.select %and3A_61, %sub3A_54, %broadcast_in_dim3A_63 : vector<16xi1>, vector<16xi32>
      %swap3A_65 = arith.constant 16 : index
      %swap3A_66 = tpu.vector_load %arg9[%swap3A_65] {strides = array<i32>} : memref<128xi32, #tpu.memory_space<vmem>>, vector<16xi32>,
      %swap3A_67 = vector.shape_cast %swap3A_66 : vector<16xi32> to vector<16xi32>
      %swap3A_68 = vector.shape_cast %select_n3A_64 : vector<16xi32> to vector<16xi32>
      tpu.vector_store %arg9[%swap3A_65], %swap3A_68 {strides = array<i32>} : memref<128xi32, #tpu.memory_space<vmem>>, vector<16xi32>,
      %get3A_69 = arith.constant 16 : index
      %get3A_70 = tpu.vector_load %arg8[%get3A_69] {strides = array<i32>} : memref<128xi32, #tpu.memory_space<vmem>>, vector<16xi32>,
      %get3A_71 = vector.shape_cast %get3A_70 : vector<16xi32> to vector<16xi32>
      %ge3A_72 = arith.constant 25000 : i32
      %ge3A_73 = vector.broadcast %ge3A_72 : i32 to vector<16xi32>
      %ge3A_74 = arith.cmpi sge, %get3A_71, %ge3A_73 : vector<16xi32>
      %add3A_75 = arith.constant 88 : i32
      %add3A_76 = vector.broadcast %add3A_75 : i32 to vector<16xi32>
      %add3A_77 = arith.addi %get3A_71, %add3A_76 : vector<16xi32>
      %select_n3A_78 = arith.select %ge3A_74, %add3A_77, %get3A_71 : vector<16xi1>, vector<16xi32>
      %swap3A_79 = arith.constant 16 : index
      %swap3A_80 = tpu.vector_load %arg10[%swap3A_79] {strides = array<i32>} : memref<128xi32, #tpu.memory_space<vmem>>, vector<16xi32>,
      %swap3A_81 = vector.shape_cast %swap3A_80 : vector<16xi32> to vector<16xi32>
      %swap3A_82 = vector.shape_cast %select_n3A_78 : vector<16xi32> to vector<16xi32>
      tpu.vector_store %arg10[%swap3A_79], %swap3A_82 {strides = array<i32>} : memref<128xi32, #tpu.memory_space<vmem>>, vector<16xi32>,
      %get3A_83 = arith.constant 32 : index
      %get3A_84 = tpu.vector_load %arg7[%get3A_83] {strides = array<i32>} : memref<128xi32, #tpu.memory_space<vmem>>, vector<16xi32>,
      %get3A_85 = vector.shape_cast %get3A_84 : vector<16xi32> to vector<16xi32>
      %sub3A_86 = vector.broadcast %mul3A_0 : i32 to vector<16xi32>
      %sub3A_87 = arith.subi %get3A_85, %sub3A_86 : vector<16xi32>
      %ge3A_88 = arith.constant 0 : i32
      %ge3A_89 = vector.broadcast %ge3A_88 : i32 to vector<16xi32>
      %ge3A_90 = arith.cmpi sge, %sub3A_87, %ge3A_89 : vector<16xi32>
      %lt3A_91 = arith.constant 25000 : i32
      %lt3A_92 = vector.broadcast %lt3A_91 : i32 to vector<16xi32>
      %lt3A_93 = arith.cmpi slt, %sub3A_87, %lt3A_92 : vector<16xi32>
      %and3A_94 = arith.andi %ge3A_90, %lt3A_93 : vector<16xi1>
      %jit3A_95 = arith.constant 25088 : i32
      %broadcast_in_dim3A_96 = vector.broadcast %jit3A_95 : i32 to vector<16xi32>
      %select_n3A_97 = arith.select %and3A_94, %sub3A_87, %broadcast_in_dim3A_96 : vector<16xi1>, vector<16xi32>
      %swap3A_98 = arith.constant 32 : index
      %swap3A_99 = tpu.vector_load %arg9[%swap3A_98] {strides = array<i32>} : memref<128xi32, #tpu.memory_space<vmem>>, vector<16xi32>,
      %swap3A_100 = vector.shape_cast %swap3A_99 : vector<16xi32> to vector<16xi32>
      %swap3A_101 = vector.shape_cast %select_n3A_97 : vector<16xi32> to vector<16xi32>
      tpu.vector_store %arg9[%swap3A_98], %swap3A_101 {strides = array<i32>} : memref<128xi32, #tpu.memory_space<vmem>>, vector<16xi32>,
      %get3A_102 = arith.constant 32 : index
      %get3A_103 = tpu.vector_load %arg8[%get3A_102] {strides = array<i32>} : memref<128xi32, #tpu.memory_space<vmem>>, vector<16xi32>,
      %get3A_104 = vector.shape_cast %get3A_103 : vector<16xi32> to vector<16xi32>
      %ge3A_105 = arith.constant 25000 : i32
      %ge3A_106 = vector.broadcast %ge3A_105 : i32 to vector<16xi32>
      %ge3A_107 = arith.cmpi sge, %get3A_104, %ge3A_106 : vector<16xi32>
      %add3A_108 = arith.constant 88 : i32
      %add3A_109 = vector.broadcast %add3A_108 : i32 to vector<16xi32>
      %add3A_110 = arith.addi %get3A_104, %add3A_109 : vector<16xi32>
      %select_n3A_111 = arith.select %ge3A_107, %add3A_110, %get3A_104 : vector<16xi1>, vector<16xi32>
      %swap3A_112 = arith.constant 32 : index
      %swap3A_113 = tpu.vector_load %arg10[%swap3A_112] {strides = array<i32>} : memref<128xi32, #tpu.memory_space<vmem>>, vector<16xi32>,
      %swap3A_114 = vector.shape_cast %swap3A_113 : vector<16xi32> to vector<16xi32>
      %swap3A_115 = vector.shape_cast %select_n3A_111 : vector<16xi32> to vector<16xi32>
      tpu.vector_store %arg10[%swap3A_112], %swap3A_115 {strides = array<i32>} : memref<128xi32, #tpu.memory_space<vmem>>, vector<16xi32>,
      %get3A_116 = arith.constant 48 : index
      %get3A_117 = tpu.vector_load %arg7[%get3A_116] {strides = array<i32>} : memref<128xi32, #tpu.memory_space<vmem>>, vector<16xi32>,
      %get3A_118 = vector.shape_cast %get3A_117 : vector<16xi32> to vector<16xi32>
      %sub3A_119 = vector.broadcast %mul3A_0 : i32 to vector<16xi32>
      %sub3A_120 = arith.subi %get3A_118, %sub3A_119 : vector<16xi32>
      %ge3A_121 = arith.constant 0 : i32
      %ge3A_122 = vector.broadcast %ge3A_121 : i32 to vector<16xi32>
      %ge3A_123 = arith.cmpi sge, %sub3A_120, %ge3A_122 : vector<16xi32>
      %lt3A_124 = arith.constant 25000 : i32
      %lt3A_125 = vector.broadcast %lt3A_124 : i32 to vector<16xi32>
      %lt3A_126 = arith.cmpi slt, %sub3A_120, %lt3A_125 : vector<16xi32>
      %and3A_127 = arith.andi %ge3A_123, %lt3A_126 : vector<16xi1>
      %jit3A_128 = arith.constant 25088 : i32
      %broadcast_in_dim3A_129 = vector.broadcast %jit3A_128 : i32 to vector<16xi32>
      %select_n3A_130 = arith.select %and3A_127, %sub3A_120, %broadcast_in_dim3A_129 : vector<16xi1>, vector<16xi32>
      %swap3A_131 = arith.constant 48 : index
      %swap3A_132 = tpu.vector_load %arg9[%swap3A_131] {strides = array<i32>} : memref<128xi32, #tpu.memory_space<vmem>>, vector<16xi32>,
      %swap3A_133 = vector.shape_cast %swap3A_132 : vector<16xi32> to vector<16xi32>
      %swap3A_134 = vector.shape_cast %select_n3A_130 : vector<16xi32> to vector<16xi32>
      tpu.vector_store %arg9[%swap3A_131], %swap3A_134 {strides = array<i32>} : memref<128xi32, #tpu.memory_space<vmem>>, vector<16xi32>,
      %get3A_135 = arith.constant 48 : index
      %get3A_136 = tpu.vector_load %arg8[%get3A_135] {strides = array<i32>} : memref<128xi32, #tpu.memory_space<vmem>>, vector<16xi32>,
      %get3A_137 = vector.shape_cast %get3A_136 : vector<16xi32> to vector<16xi32>
      %ge3A_138 = arith.constant 25000 : i32
      %ge3A_139 = vector.broadcast %ge3A_138 : i32 to vector<16xi32>
      %ge3A_140 = arith.cmpi sge, %get3A_137, %ge3A_139 : vector<16xi32>
      %add3A_141 = arith.constant 88 : i32
      %add3A_142 = vector.broadcast %add3A_141 : i32 to vector<16xi32>
      %add3A_143 = arith.addi %get3A_137, %add3A_142 : vector<16xi32>
      %select_n3A_144 = arith.select %ge3A_140, %add3A_143, %get3A_137 : vector<16xi1>, vector<16xi32>
      %swap3A_145 = arith.constant 48 : index
      %swap3A_146 = tpu.vector_load %arg10[%swap3A_145] {strides = array<i32>} : memref<128xi32, #tpu.memory_space<vmem>>, vector<16xi32>,
      %swap3A_147 = vector.shape_cast %swap3A_146 : vector<16xi32> to vector<16xi32>
      %swap3A_148 = vector.shape_cast %select_n3A_144 : vector<16xi32> to vector<16xi32>
      tpu.vector_store %arg10[%swap3A_145], %swap3A_148 {strides = array<i32>} : memref<128xi32, #tpu.memory_space<vmem>>, vector<16xi32>,
      %get3A_149 = arith.constant 64 : index
      %get3A_150 = tpu.vector_load %arg7[%get3A_149] {strides = array<i32>} : memref<128xi32, #tpu.memory_space<vmem>>, vector<16xi32>,
      %get3A_151 = vector.shape_cast %get3A_150 : vector<16xi32> to vector<16xi32>
      %sub3A_152 = vector.broadcast %mul3A_0 : i32 to vector<16xi32>
      %sub3A_153 = arith.subi %get3A_151, %sub3A_152 : vector<16xi32>
      %ge3A_154 = arith.constant 0 : i32
      %ge3A_155 = vector.broadcast %ge3A_154 : i32 to vector<16xi32>
      %ge3A_156 = arith.cmpi sge, %sub3A_153, %ge3A_155 : vector<16xi32>
      %lt3A_157 = arith.constant 25000 : i32
      %lt3A_158 = vector.broadcast %lt3A_157 : i32 to vector<16xi32>
      %lt3A_159 = arith.cmpi slt, %sub3A_153, %lt3A_158 : vector<16xi32>
      %and3A_160 = arith.andi %ge3A_156, %lt3A_159 : vector<16xi1>
      %jit3A_161 = arith.constant 25088 : i32
      %broadcast_in_dim3A_162 = vector.broadcast %jit3A_161 : i32 to vector<16xi32>
      %select_n3A_163 = arith.select %and3A_160, %sub3A_153, %broadcast_in_dim3A_162 : vector<16xi1>, vector<16xi32>
      %swap3A_164 = arith.constant 64 : index
      %swap3A_165 = tpu.vector_load %arg9[%swap3A_164] {strides = array<i32>} : memref<128xi32, #tpu.memory_space<vmem>>, vector<16xi32>,
      %swap3A_166 = vector.shape_cast %swap3A_165 : vector<16xi32> to vector<16xi32>
      %swap3A_167 = vector.shape_cast %select_n3A_163 : vector<16xi32> to vector<16xi32>
      tpu.vector_store %arg9[%swap3A_164], %swap3A_167 {strides = array<i32>} : memref<128xi32, #tpu.memory_space<vmem>>, vector<16xi32>,
      %get3A_168 = arith.constant 64 : index
      %get3A_169 = tpu.vector_load %arg8[%get3A_168] {strides = array<i32>} : memref<128xi32, #tpu.memory_space<vmem>>, vector<16xi32>,
      %get3A_170 = vector.shape_cast %get3A_169 : vector<16xi32> to vector<16xi32>
      %ge3A_171 = arith.constant 25000 : i32
      %ge3A_172 = vector.broadcast %ge3A_171 : i32 to vector<16xi32>
      %ge3A_173 = arith.cmpi sge, %get3A_170, %ge3A_172 : vector<16xi32>
      %add3A_174 = arith.constant 88 : i32
      %add3A_175 = vector.broadcast %add3A_174 : i32 to vector<16xi32>
      %add3A_176 = arith.addi %get3A_170, %add3A_175 : vector<16xi32>
      %select_n3A_177 = arith.select %ge3A_173, %add3A_176, %get3A_170 : vector<16xi1>, vector<16xi32>
      %swap3A_178 = arith.constant 64 : index
      %swap3A_179 = tpu.vector_load %arg10[%swap3A_178] {strides = array<i32>} : memref<128xi32, #tpu.memory_space<vmem>>, vector<16xi32>,
      %swap3A_180 = vector.shape_cast %swap3A_179 : vector<16xi32> to vector<16xi32>
      %swap3A_181 = vector.shape_cast %select_n3A_177 : vector<16xi32> to vector<16xi32>
      tpu.vector_store %arg10[%swap3A_178], %swap3A_181 {strides = array<i32>} : memref<128xi32, #tpu.memory_space<vmem>>, vector<16xi32>,
      %get3A_182 = arith.constant 80 : index
      %get3A_183 = tpu.vector_load %arg7[%get3A_182] {strides = array<i32>} : memref<128xi32, #tpu.memory_space<vmem>>, vector<16xi32>,
      %get3A_184 = vector.shape_cast %get3A_183 : vector<16xi32> to vector<16xi32>
      %sub3A_185 = vector.broadcast %mul3A_0 : i32 to vector<16xi32>
      %sub3A_186 = arith.subi %get3A_184, %sub3A_185 : vector<16xi32>
      %ge3A_187 = arith.constant 0 : i32
      %ge3A_188 = vector.broadcast %ge3A_187 : i32 to vector<16xi32>
      %ge3A_189 = arith.cmpi sge, %sub3A_186, %ge3A_188 : vector<16xi32>
      %lt3A_190 = arith.constant 25000 : i32
      %lt3A_191 = vector.broadcast %lt3A_190 : i32 to vector<16xi32>
      %lt3A_192 = arith.cmpi slt, %sub3A_186, %lt3A_191 : vector<16xi32>
      %and3A_193 = arith.andi %ge3A_189, %lt3A_192 : vector<16xi1>
      %jit3A_194 = arith.constant 25088 : i32
      %broadcast_in_dim3A_195 = vector.broadcast %jit3A_194 : i32 to vector<16xi32>
      %select_n3A_196 = arith.select %and3A_193, %sub3A_186, %broadcast_in_dim3A_195 : vector<16xi1>, vector<16xi32>
      %swap3A_197 = arith.constant 80 : index
      %swap3A_198 = tpu.vector_load %arg9[%swap3A_197] {strides = array<i32>} : memref<128xi32, #tpu.memory_space<vmem>>, vector<16xi32>,
      %swap3A_199 = vector.shape_cast %swap3A_198 : vector<16xi32> to vector<16xi32>
      %swap3A_200 = vector.shape_cast %select_n3A_196 : vector<16xi32> to vector<16xi32>
      tpu.vector_store %arg9[%swap3A_197], %swap3A_200 {strides = array<i32>} : memref<128xi32, #tpu.memory_space<vmem>>, vector<16xi32>,
      %get3A_201 = arith.constant 80 : index
      %get3A_202 = tpu.vector_load %arg8[%get3A_201] {strides = array<i32>} : memref<128xi32, #tpu.memory_space<vmem>>, vector<16xi32>,
      %get3A_203 = vector.shape_cast %get3A_202 : vector<16xi32> to vector<16xi32>
      %ge3A_204 = arith.constant 25000 : i32
      %ge3A_205 = vector.broadcast %ge3A_204 : i32 to vector<16xi32>
      %ge3A_206 = arith.cmpi sge, %get3A_203, %ge3A_205 : vector<16xi32>
      %add3A_207 = arith.constant 88 : i32
      %add3A_208 = vector.broadcast %add3A_207 : i32 to vector<16xi32>
      %add3A_209 = arith.addi %get3A_203, %add3A_208 : vector<16xi32>
      %select_n3A_210 = arith.select %ge3A_206, %add3A_209, %get3A_203 : vector<16xi1>, vector<16xi32>
      %swap3A_211 = arith.constant 80 : index
      %swap3A_212 = tpu.vector_load %arg10[%swap3A_211] {strides = array<i32>} : memref<128xi32, #tpu.memory_space<vmem>>, vector<16xi32>,
      %swap3A_213 = vector.shape_cast %swap3A_212 : vector<16xi32> to vector<16xi32>
      %swap3A_214 = vector.shape_cast %select_n3A_210 : vector<16xi32> to vector<16xi32>
      tpu.vector_store %arg10[%swap3A_211], %swap3A_214 {strides = array<i32>} : memref<128xi32, #tpu.memory_space<vmem>>, vector<16xi32>,
      %get3A_215 = arith.constant 96 : index
      %get3A_216 = tpu.vector_load %arg7[%get3A_215] {strides = array<i32>} : memref<128xi32, #tpu.memory_space<vmem>>, vector<16xi32>,
      %get3A_217 = vector.shape_cast %get3A_216 : vector<16xi32> to vector<16xi32>
      %sub3A_218 = vector.broadcast %mul3A_0 : i32 to vector<16xi32>
      %sub3A_219 = arith.subi %get3A_217, %sub3A_218 : vector<16xi32>
      %ge3A_220 = arith.constant 0 : i32
      %ge3A_221 = vector.broadcast %ge3A_220 : i32 to vector<16xi32>
      %ge3A_222 = arith.cmpi sge, %sub3A_219, %ge3A_221 : vector<16xi32>
      %lt3A_223 = arith.constant 25000 : i32
      %lt3A_224 = vector.broadcast %lt3A_223 : i32 to vector<16xi32>
      %lt3A_225 = arith.cmpi slt, %sub3A_219, %lt3A_224 : vector<16xi32>
      %and3A_226 = arith.andi %ge3A_222, %lt3A_225 : vector<16xi1>
      %jit3A_227 = arith.constant 25088 : i32
      %broadcast_in_dim3A_228 = vector.broadcast %jit3A_227 : i32 to vector<16xi32>
      %select_n3A_229 = arith.select %and3A_226, %sub3A_219, %broadcast_in_dim3A_228 : vector<16xi1>, vector<16xi32>
      %swap3A_230 = arith.constant 96 : index
      %swap3A_231 = tpu.vector_load %arg9[%swap3A_230] {strides = array<i32>} : memref<128xi32, #tpu.memory_space<vmem>>, vector<16xi32>,
      %swap3A_232 = vector.shape_cast %swap3A_231 : vector<16xi32> to vector<16xi32>
      %swap3A_233 = vector.shape_cast %select_n3A_229 : vector<16xi32> to vector<16xi32>
      tpu.vector_store %arg9[%swap3A_230], %swap3A_233 {strides = array<i32>} : memref<128xi32, #tpu.memory_space<vmem>>, vector<16xi32>,
      %get3A_234 = arith.constant 96 : index
      %get3A_235 = tpu.vector_load %arg8[%get3A_234] {strides = array<i32>} : memref<128xi32, #tpu.memory_space<vmem>>, vector<16xi32>,
      %get3A_236 = vector.shape_cast %get3A_235 : vector<16xi32> to vector<16xi32>
      %ge3A_237 = arith.constant 25000 : i32
      %ge3A_238 = vector.broadcast %ge3A_237 : i32 to vector<16xi32>
      %ge3A_239 = arith.cmpi sge, %get3A_236, %ge3A_238 : vector<16xi32>
      %add3A_240 = arith.constant 88 : i32
      %add3A_241 = vector.broadcast %add3A_240 : i32 to vector<16xi32>
      %add3A_242 = arith.addi %get3A_236, %add3A_241 : vector<16xi32>
      %select_n3A_243 = arith.select %ge3A_239, %add3A_242, %get3A_236 : vector<16xi1>, vector<16xi32>
      %swap3A_244 = arith.constant 96 : index
      %swap3A_245 = tpu.vector_load %arg10[%swap3A_244] {strides = array<i32>} : memref<128xi32, #tpu.memory_space<vmem>>, vector<16xi32>,
      %swap3A_246 = vector.shape_cast %swap3A_245 : vector<16xi32> to vector<16xi32>
      %swap3A_247 = vector.shape_cast %select_n3A_243 : vector<16xi32> to vector<16xi32>
      tpu.vector_store %arg10[%swap3A_244], %swap3A_247 {strides = array<i32>} : memref<128xi32, #tpu.memory_space<vmem>>, vector<16xi32>,
      %get3A_248 = arith.constant 112 : index
      %get3A_249 = tpu.vector_load %arg7[%get3A_248] {strides = array<i32>} : memref<128xi32, #tpu.memory_space<vmem>>, vector<16xi32>,
      %get3A_250 = vector.shape_cast %get3A_249 : vector<16xi32> to vector<16xi32>
      %sub3A_251 = vector.broadcast %mul3A_0 : i32 to vector<16xi32>
      %sub3A_252 = arith.subi %get3A_250, %sub3A_251 : vector<16xi32>
      %ge3A_253 = arith.constant 0 : i32
      %ge3A_254 = vector.broadcast %ge3A_253 : i32 to vector<16xi32>
      %ge3A_255 = arith.cmpi sge, %sub3A_252, %ge3A_254 : vector<16xi32>
      %lt3A_256 = arith.constant 25000 : i32
      %lt3A_257 = vector.broadcast %lt3A_256 : i32 to vector<16xi32>
      %lt3A_258 = arith.cmpi slt, %sub3A_252, %lt3A_257 : vector<16xi32>
      %and3A_259 = arith.andi %ge3A_255, %lt3A_258 : vector<16xi1>
      %jit3A_260 = arith.constant 25088 : i32
      %broadcast_in_dim3A_261 = vector.broadcast %jit3A_260 : i32 to vector<16xi32>
      %select_n3A_262 = arith.select %and3A_259, %sub3A_252, %broadcast_in_dim3A_261 : vector<16xi1>, vector<16xi32>
      %swap3A_263 = arith.constant 112 : index
      %swap3A_264 = tpu.vector_load %arg9[%swap3A_263] {strides = array<i32>} : memref<128xi32, #tpu.memory_space<vmem>>, vector<16xi32>,
      %swap3A_265 = vector.shape_cast %swap3A_264 : vector<16xi32> to vector<16xi32>
      %swap3A_266 = vector.shape_cast %select_n3A_262 : vector<16xi32> to vector<16xi32>
      tpu.vector_store %arg9[%swap3A_263], %swap3A_266 {strides = array<i32>} : memref<128xi32, #tpu.memory_space<vmem>>, vector<16xi32>,
      %get3A_267 = arith.constant 112 : index
      %get3A_268 = tpu.vector_load %arg8[%get3A_267] {strides = array<i32>} : memref<128xi32, #tpu.memory_space<vmem>>, vector<16xi32>,
      %get3A_269 = vector.shape_cast %get3A_268 : vector<16xi32> to vector<16xi32>
      %ge3A_270 = arith.constant 25000 : i32
      %ge3A_271 = vector.broadcast %ge3A_270 : i32 to vector<16xi32>
      %ge3A_272 = arith.cmpi sge, %get3A_269, %ge3A_271 : vector<16xi32>
      %add3A_273 = arith.constant 88 : i32
      %add3A_274 = vector.broadcast %add3A_273 : i32 to vector<16xi32>
      %add3A_275 = arith.addi %get3A_269, %add3A_274 : vector<16xi32>
      %select_n3A_276 = arith.select %ge3A_272, %add3A_275, %get3A_269 : vector<16xi1>, vector<16xi32>
      %swap3A_277 = arith.constant 112 : index
      %swap3A_278 = tpu.vector_load %arg10[%swap3A_277] {strides = array<i32>} : memref<128xi32, #tpu.memory_space<vmem>>, vector<16xi32>,
      %swap3A_279 = vector.shape_cast %swap3A_278 : vector<16xi32> to vector<16xi32>
      %swap3A_280 = vector.shape_cast %select_n3A_276 : vector<16xi32> to vector<16xi32>
      tpu.vector_store %arg10[%swap3A_277], %swap3A_280 {strides = array<i32>} : memref<128xi32, #tpu.memory_space<vmem>>, vector<16xi32>,
      %dma_start3A = arith.constant 0 : i32
      %dma_start3A_281 = arith.constant 0 : i32
      %dma_start3A_282 = tpu.memref_slice %arg2[%dma_start3A, %dma_start3A_281] : memref<50176x64xf32, #tpu.memory_space<hbm>> -> memref<50176x64xf32, #tpu.memory_space<hbm>>
      tpu.enqueue_indirect_dma source(%dma_start3A_282 : memref<50176x64xf32, #tpu.memory_space<hbm>>) target(%arg11 : memref<128x64xf32, #tpu.memory_space<vmem>>) offsets(%arg10 : memref<128xi32, #tpu.memory_space<vmem>>) semaphore(%arg13 : memref<!tpu.dma_semaphore, #tpu.memory_space<semaphore_mem>>)
      %dma_wait3A = arith.constant 0 : i32
      %dma_wait3A_283 = arith.constant 0 : i32
      %dma_wait3A_284 = tpu.memref_slice %arg2[%dma_wait3A, %dma_wait3A_283] : memref<50176x64xf32, #tpu.memory_space<hbm>> -> memref<50176x64xf32, #tpu.memory_space<hbm>>
      tpu.wait_indirect_dma semaphore(%arg13 : memref<!tpu.dma_semaphore, #tpu.memory_space<semaphore_mem>>) src(%dma_wait3A_284 : memref<50176x64xf32, #tpu.memory_space<hbm>>) dst(%arg11 : memref<128x64xf32, #tpu.memory_space<vmem>>)
      "tpu.region"() ({
        %run_scoped3A = tpu.sem_alloc : memref<!tpu.dma_semaphore, #tpu.memory_space<semaphore_mem>>
        %dma_start3A_285 = arith.constant 0 : i32
        %dma_start3A_286 = arith.constant 0 : i32
        %dma_start3A_287 = tpu.memref_slice %arg12[%dma_start3A_285, %dma_start3A_286] : memref<25104x64xf32, #tpu.memory_space<vmem_shared>> -> memref<25104x64xf32, #tpu.memory_space<vmem_shared>>
        tpu.enqueue_indirect_dma source(%arg11 : memref<128x64xf32, #tpu.memory_space<vmem>>) target(%dma_start3A_287 : memref<25104x64xf32, #tpu.memory_space<vmem_shared>>) offsets(%arg9 : memref<128xi32, #tpu.memory_space<vmem>>) semaphore(%run_scoped3A : memref<!tpu.dma_semaphore, #tpu.memory_space<semaphore_mem>>) {add = true}
        %dma_wait3A_288 = arith.constant 0 : i32
        %dma_wait3A_289 = arith.constant 0 : i32
        %dma_wait3A_290 = tpu.memref_slice %arg12[%dma_wait3A_288, %dma_wait3A_289] : memref<25104x64xf32, #tpu.memory_space<vmem_shared>> -> memref<25104x64xf32, #tpu.memory_space<vmem_shared>>
        tpu.wait_indirect_dma semaphore(%run_scoped3A : memref<!tpu.dma_semaphore, #tpu.memory_space<semaphore_mem>>) src(%arg11 : memref<128x64xf32, #tpu.memory_space<vmem>>) dst(%dma_wait3A_290 : memref<25104x64xf32, #tpu.memory_space<vmem_shared>>)
        tpu.yield
      }) : () -> ()
    }
    %scan3A_10 = arith.constant 400 : i32
    %barrier3A_11 = arith.constant 0 : index
    tpu.barrier barrier_id(%barrier3A_11)
    %mul3A_12 = arith.constant 1568 : i32
    %mul3A_13 = arith.muli %arg1, %mul3A_12 : i32
    %mul3A_14 = arith.constant 25088 : i32
    %mul3A_15 = arith.muli %arg0, %mul3A_14 : i32
    %mul3A_16 = arith.constant 1568 : i32
    %mul3A_17 = arith.muli %arg1, %mul3A_16 : i32
    %add3A = arith.addi %mul3A_15, %mul3A_17 : i32
    "tpu.region"() ({
      %run_scoped3A = tpu.sem_alloc : memref<!tpu.dma_semaphore, #tpu.memory_space<semaphore_mem>>
      %dma_start3A = arith.constant 0 : i32
      %dma_start3A_18 = tpu.memref_slice %arg6[%add3A, %dma_start3A] : memref<50176x64xf32, #tpu.memory_space<hbm>> -> memref<1568x64xf32, #tpu.memory_space<hbm>>
      %dma_start3A_19 = arith.constant 0 : i32
      %dma_start3A_20 = tpu.memref_slice %arg12[%mul3A_13, %dma_start3A_19] : memref<25104x64xf32, #tpu.memory_space<vmem_shared>> -> memref<1568x64xf32, #tpu.memory_space<vmem_shared>>
      tpu.enqueue_dma source(%dma_start3A_20 : memref<1568x64xf32, #tpu.memory_space<vmem_shared>>) target(%dma_start3A_18 : memref<1568x64xf32, #tpu.memory_space<hbm>>) target_semaphore(%run_scoped3A : memref<!tpu.dma_semaphore, #tpu.memory_space<semaphore_mem>>)
      %dma_wait3A = arith.constant 0 : i32
      %dma_wait3A_21 = tpu.memref_slice %arg6[%add3A, %dma_wait3A] : memref<50176x64xf32, #tpu.memory_space<hbm>> -> memref<1568x64xf32, #tpu.memory_space<hbm>>
      %dma_wait3A_22 = arith.constant 0 : i32
      %dma_wait3A_23 = tpu.memref_slice %arg12[%mul3A_13, %dma_wait3A_22] : memref<25104x64xf32, #tpu.memory_space<vmem_shared>> -> memref<1568x64xf32, #tpu.memory_space<vmem_shared>>
      tpu.wait_dma2 semaphore(%run_scoped3A : memref<!tpu.dma_semaphore, #tpu.memory_space<semaphore_mem>>) src(%dma_wait3A_23 : memref<1568x64xf32, #tpu.memory_space<vmem_shared>>) dst(%dma_wait3A_21 : memref<1568x64xf32, #tpu.memory_space<hbm>>)
      tpu.yield
    }) : () -> ()
    return
  }
}

#map = affine_map<(d0, d1) -> (0, 0)>
#map1 = affine_map<(d0, d1) -> (0)>
module attributes {stable_mosaic.version = 14 : i64} {
  func.func @k(%arg0: i32, %arg1: i32, %arg2: memref<50176x64xf32, #tpu.memory_space<hbm>>, %arg3: memref<819200xi32, #tpu.memory_space<hbm>>, %arg4: memref<819200xi32, #tpu.memory_space<hbm>>, %arg5: memref<25088x64xf32, #tpu.memory_space<hbm>>, %arg6: memref<50176x64xf32, #tpu.memory_space<hbm>>, %arg7: memref<128xi32, #tpu.memory_space<vmem>>, %arg8: memref<128xi32, #tpu.memory_space<vmem>>, %arg9: memref<128xi32, #tpu.memory_space<vmem>>, %arg10: memref<128xi32, #tpu.memory_space<vmem>>, %arg11: memref<128x64xf32, #tpu.memory_space<vmem>>, %arg12: memref<25104x64xf32, #tpu.memory_space<vmem_shared>>, %arg13: memref<!tpu.dma_semaphore, #tpu.memory_space<semaphore_mem>>) attributes {dimension_semantics = [#tpu.dimension_semantics<core_parallel>, #tpu.dimension_semantics<subcore_parallel>], iteration_bounds = array<i64: 2, 16>, scalar_prefetch = 0 : i64, scratch_operands = 7 : i64, tpu.core_type = #tpu.core_type<sc_vector_subcore>, window_params = [{transform_indices = #map}, {transform_indices = #map1}, {transform_indices = #map1}, {transform_indices = #map}, {transform_indices = #map}]} {
    %mul3A = arith.constant 25000 : i32
    %mul3A_0 = arith.muli %arg0, %mul3A : i32
    %mul3A_1 = arith.constant 1568 : i32
    %mul3A_2 = arith.muli %arg1, %mul3A_1 : i32
    %mul3A_3 = arith.constant 1568 : i32
    %mul3A_4 = arith.muli %arg1, %mul3A_3 : i32
    "tpu.region"() ({
      %run_scoped3A = tpu.sem_alloc : memref<!tpu.dma_semaphore, #tpu.memory_space<semaphore_mem>>
      %dma_start3A = arith.constant 0 : i32
      %dma_start3A_18 = tpu.memref_slice %arg12[%mul3A_4, %dma_start3A] : memref<25104x64xf32, #tpu.memory_space<vmem_shared>> -> memref<1568x64xf32, #tpu.memory_space<vmem_shared>>
      %dma_start3A_19 = arith.constant 0 : i32
      %dma_start3A_20 = tpu.memref_slice %arg5[%mul3A_2, %dma_start3A_19] : memref<25088x64xf32, #tpu.memory_space<hbm>> -> memref<1568x64xf32, #tpu.memory_space<hbm>>
      tpu.enqueue_dma source(%dma_start3A_20 : memref<1568x64xf32, #tpu.memory_space<hbm>>) target(%dma_start3A_18 : memref<1568x64xf32, #tpu.memory_space<vmem_shared>>) target_semaphore(%run_scoped3A : memref<!tpu.dma_semaphore, #tpu.memory_space<semaphore_mem>>)
      %dma_wait3A = arith.constant 0 : i32
      %dma_wait3A_21 = tpu.memref_slice %arg12[%mul3A_4, %dma_wait3A] : memref<25104x64xf32, #tpu.memory_space<vmem_shared>> -> memref<1568x64xf32, #tpu.memory_space<vmem_shared>>
      %dma_wait3A_22 = arith.constant 0 : i32
      %dma_wait3A_23 = tpu.memref_slice %arg5[%mul3A_2, %dma_wait3A_22] : memref<25088x64xf32, #tpu.memory_space<hbm>> -> memref<1568x64xf32, #tpu.memory_space<hbm>>
      tpu.wait_dma2 semaphore(%run_scoped3A : memref<!tpu.dma_semaphore, #tpu.memory_space<semaphore_mem>>) src(%dma_wait3A_23 : memref<1568x64xf32, #tpu.memory_space<hbm>>) dst(%dma_wait3A_21 : memref<1568x64xf32, #tpu.memory_space<vmem_shared>>)
      tpu.yield
    }) : () -> ()
    %barrier3A = arith.constant 0 : index
    tpu.barrier barrier_id(%barrier3A)
    %mul3A_5 = arith.constant 51200 : i32
    %mul3A_6 = arith.muli %arg1, %mul3A_5 : i32
    %scan3A = arith.constant 0 : i32
    %scan3A_7 = arith.constant 400 : i32
    %scan3A_8 = arith.addi %scan3A, %scan3A_7 : i32
    %scan3A_9 = arith.constant 1 : i32
    scf.for %scan3A_18 = %scan3A to %scan3A_8 step %scan3A_9  : i32 {
      %mul3A_19 = arith.constant 1 : i32
      %mul3A_20 = arith.muli %scan3A_18, %mul3A_19 : i32
      %add3A_21 = arith.constant 0 : i32
      %add3A_22 = arith.addi %add3A_21, %mul3A_20 : i32
      %mul3A_23 = arith.constant 128 : i32
      %mul3A_24 = arith.muli %add3A_22, %mul3A_23 : i32
      %add3A_25 = arith.addi %mul3A_6, %mul3A_24 : i32
      "tpu.region"() ({
        %run_scoped3A = tpu.sem_alloc : memref<!tpu.dma_semaphore, #tpu.memory_space<semaphore_mem>>
        %dma_start3A_285 = tpu.memref_slice %arg3[%add3A_25] : memref<819200xi32, #tpu.memory_space<hbm>> -> memref<128xi32, #tpu.memory_space<hbm>>
        %dma_start3A_286 = tpu.memref_slice %arg3[%add3A_25] : memref<819200xi32, #tpu.memory_space<hbm>> -> memref<128xi32, #tpu.memory_space<hbm>>
        tpu.enqueue_dma source(%dma_start3A_286 : memref<128xi32, #tpu.memory_space<hbm>>) target(%arg7 : memref<128xi32, #tpu.memory_space<vmem>>) target_semaphore(%run_scoped3A : memref<!tpu.dma_semaphore, #tpu.memory_space<semaphore_mem>>)
        %dma_wait3A_287 = tpu.memref_slice %arg3[%add3A_25] : memref<819200xi32, #tpu.memory_space<hbm>> -> memref<128xi32, #tpu.memory_space<hbm>>
        %dma_wait3A_288 = tpu.memref_slice %arg3[%add3A_25] : memref<819200xi32, #tpu.memory_space<hbm>> -> memref<128xi32, #tpu.memory_space<hbm>>
        tpu.wait_dma2 semaphore(%run_scoped3A : memref<!tpu.dma_semaphore, #tpu.memory_space<semaphore_mem>>) src(%dma_wait3A_288 : memref<128xi32, #tpu.memory_space<hbm>>) dst(%arg7 : memref<128xi32, #tpu.memory_space<vmem>>)
        tpu.yield
      }) : () -> ()
      "tpu.region"() ({
        %run_scoped3A = tpu.sem_alloc : memref<!tpu.dma_semaphore, #tpu.memory_space<semaphore_mem>>
        %dma_start3A_285 = tpu.memref_slice %arg4[%add3A_25] : memref<819200xi32, #tpu.memory_space<hbm>> -> memref<128xi32, #tpu.memory_space<hbm>>
        %dma_start3A_286 = tpu.memref_slice %arg4[%add3A_25] : memref<819200xi32, #tpu.memory_space<hbm>> -> memref<128xi32, #tpu.memory_space<hbm>>
        tpu.enqueue_dma source(%dma_start3A_286 : memref<128xi32, #tpu.memory_space<hbm>>) target(%arg8 : memref<128xi32, #tpu.memory_space<vmem>>) target_semaphore(%run_scoped3A : memref<!tpu.dma_semaphore, #tpu.memory_space<semaphore_mem>>)
        %dma_wait3A_287 = tpu.memref_slice %arg4[%add3A_25] : memref<819200xi32, #tpu.memory_space<hbm>> -> memref<128xi32, #tpu.memory_space<hbm>>
        %dma_wait3A_288 = tpu.memref_slice %arg4[%add3A_25] : memref<819200xi32, #tpu.memory_space<hbm>> -> memref<128xi32, #tpu.memory_space<hbm>>
        tpu.wait_dma2 semaphore(%run_scoped3A : memref<!tpu.dma_semaphore, #tpu.memory_space<semaphore_mem>>) src(%dma_wait3A_288 : memref<128xi32, #tpu.memory_space<hbm>>) dst(%arg8 : memref<128xi32, #tpu.memory_space<vmem>>)
        tpu.yield
      }) : () -> ()
      %get3A = arith.constant 0 : index
      %get3A_26 = tpu.vector_load %arg7[%get3A] {strides = array<i32>} : memref<128xi32, #tpu.memory_space<vmem>>, vector<16xi32>,
      %get3A_27 = vector.shape_cast %get3A_26 : vector<16xi32> to vector<16xi32>
      %sub3A = vector.broadcast %mul3A_0 : i32 to vector<16xi32>
      %sub3A_28 = arith.subi %get3A_27, %sub3A : vector<16xi32>
      %ge3A = arith.constant 0 : i32
      %ge3A_29 = vector.broadcast %ge3A : i32 to vector<16xi32>
      %ge3A_30 = arith.cmpi sge, %sub3A_28, %ge3A_29 : vector<16xi32>
      %lt3A = arith.constant 25000 : i32
      %lt3A_31 = vector.broadcast %lt3A : i32 to vector<16xi32>
      %lt3A_32 = arith.cmpi slt, %sub3A_28, %lt3A_31 : vector<16xi32>
      %and3A = arith.andi %ge3A_30, %lt3A_32 : vector<16xi1>
      %jit3A = arith.constant 25088 : i32
      %broadcast_in_dim3A = vector.broadcast %jit3A : i32 to vector<16xi32>
      %select_n3A = arith.select %and3A, %sub3A_28, %broadcast_in_dim3A : vector<16xi1>, vector<16xi32>
      %swap3A = arith.constant 0 : index
      %swap3A_33 = tpu.vector_load %arg9[%swap3A] {strides = array<i32>} : memref<128xi32, #tpu.memory_space<vmem>>, vector<16xi32>,
      %swap3A_34 = vector.shape_cast %swap3A_33 : vector<16xi32> to vector<16xi32>
      %swap3A_35 = vector.shape_cast %select_n3A : vector<16xi32> to vector<16xi32>
      tpu.vector_store %arg9[%swap3A], %swap3A_35 {strides = array<i32>} : memref<128xi32, #tpu.memory_space<vmem>>, vector<16xi32>,
      %get3A_36 = arith.constant 0 : index
      %get3A_37 = tpu.vector_load %arg8[%get3A_36] {strides = array<i32>} : memref<128xi32, #tpu.memory_space<vmem>>, vector<16xi32>,
      %get3A_38 = vector.shape_cast %get3A_37 : vector<16xi32> to vector<16xi32>
      %ge3A_39 = arith.constant 25000 : i32
      %ge3A_40 = vector.broadcast %ge3A_39 : i32 to vector<16xi32>
      %ge3A_41 = arith.cmpi sge, %get3A_38, %ge3A_40 : vector<16xi32>
      %add3A_42 = arith.constant 88 : i32
      %add3A_43 = vector.broadcast %add3A_42 : i32 to vector<16xi32>
      %add3A_44 = arith.addi %get3A_38, %add3A_43 : vector<16xi32>
      %select_n3A_45 = arith.select %ge3A_41, %add3A_44, %get3A_38 : vector<16xi1>, vector<16xi32>
      %swap3A_46 = arith.constant 0 : index
      %swap3A_47 = tpu.vector_load %arg10[%swap3A_46] {strides = array<i32>} : memref<128xi32, #tpu.memory_space<vmem>>, vector<16xi32>,
      %swap3A_48 = vector.shape_cast %swap3A_47 : vector<16xi32> to vector<16xi32>
      %swap3A_49 = vector.shape_cast %select_n3A_45 : vector<16xi32> to vector<16xi32>
      tpu.vector_store %arg10[%swap3A_46], %swap3A_49 {strides = array<i32>} : memref<128xi32, #tpu.memory_space<vmem>>, vector<16xi32>,
      %get3A_50 = arith.constant 16 : index
      %get3A_51 = tpu.vector_load %arg7[%get3A_50] {strides = array<i32>} : memref<128xi32, #tpu.memory_space<vmem>>, vector<16xi32>,
      %get3A_52 = vector.shape_cast %get3A_51 : vector<16xi32> to vector<16xi32>
      %sub3A_53 = vector.broadcast %mul3A_0 : i32 to vector<16xi32>
      %sub3A_54 = arith.subi %get3A_52, %sub3A_53 : vector<16xi32>
      %ge3A_55 = arith.constant 0 : i32
      %ge3A_56 = vector.broadcast %ge3A_55 : i32 to vector<16xi32>
      %ge3A_57 = arith.cmpi sge, %sub3A_54, %ge3A_56 : vector<16xi32>
      %lt3A_58 = arith.constant 25000 : i32
      %lt3A_59 = vector.broadcast %lt3A_58 : i32 to vector<16xi32>
      %lt3A_60 = arith.cmpi slt, %sub3A_54, %lt3A_59 : vector<16xi32>
      %and3A_61 = arith.andi %ge3A_57, %lt3A_60 : vector<16xi1>
      %jit3A_62 = arith.constant 25088 : i32
      %broadcast_in_dim3A_63 = vector.broadcast %jit3A_62 : i32 to vector<16xi32>
      %select_n3A_64 = arith.select %and3A_61, %sub3A_54, %broadcast_in_dim3A_63 : vector<16xi1>, vector<16xi32>
      %swap3A_65 = arith.constant 16 : index
      %swap3A_66 = tpu.vector_load %arg9[%swap3A_65] {strides = array<i32>} : memref<128xi32, #tpu.memory_space<vmem>>, vector<16xi32>,
      %swap3A_67 = vector.shape_cast %swap3A_66 : vector<16xi32> to vector<16xi32>
      %swap3A_68 = vector.shape_cast %select_n3A_64 : vector<16xi32> to vector<16xi32>
      tpu.vector_store %arg9[%swap3A_65], %swap3A_68 {strides = array<i32>} : memref<128xi32, #tpu.memory_space<vmem>>, vector<16xi32>,
      %get3A_69 = arith.constant 16 : index
      %get3A_70 = tpu.vector_load %arg8[%get3A_69] {strides = array<i32>} : memref<128xi32, #tpu.memory_space<vmem>>, vector<16xi32>,
      %get3A_71 = vector.shape_cast %get3A_70 : vector<16xi32> to vector<16xi32>
      %ge3A_72 = arith.constant 25000 : i32
      %ge3A_73 = vector.broadcast %ge3A_72 : i32 to vector<16xi32>
      %ge3A_74 = arith.cmpi sge, %get3A_71, %ge3A_73 : vector<16xi32>
      %add3A_75 = arith.constant 88 : i32
      %add3A_76 = vector.broadcast %add3A_75 : i32 to vector<16xi32>
      %add3A_77 = arith.addi %get3A_71, %add3A_76 : vector<16xi32>
      %select_n3A_78 = arith.select %ge3A_74, %add3A_77, %get3A_71 : vector<16xi1>, vector<16xi32>
      %swap3A_79 = arith.constant 16 : index
      %swap3A_80 = tpu.vector_load %arg10[%swap3A_79] {strides = array<i32>} : memref<128xi32, #tpu.memory_space<vmem>>, vector<16xi32>,
      %swap3A_81 = vector.shape_cast %swap3A_80 : vector<16xi32> to vector<16xi32>
      %swap3A_82 = vector.shape_cast %select_n3A_78 : vector<16xi32> to vector<16xi32>
      tpu.vector_store %arg10[%swap3A_79], %swap3A_82 {strides = array<i32>} : memref<128xi32, #tpu.memory_space<vmem>>, vector<16xi32>,
      %get3A_83 = arith.constant 32 : index
      %get3A_84 = tpu.vector_load %arg7[%get3A_83] {strides = array<i32>} : memref<128xi32, #tpu.memory_space<vmem>>, vector<16xi32>,
      %get3A_85 = vector.shape_cast %get3A_84 : vector<16xi32> to vector<16xi32>
      %sub3A_86 = vector.broadcast %mul3A_0 : i32 to vector<16xi32>
      %sub3A_87 = arith.subi %get3A_85, %sub3A_86 : vector<16xi32>
      %ge3A_88 = arith.constant 0 : i32
      %ge3A_89 = vector.broadcast %ge3A_88 : i32 to vector<16xi32>
      %ge3A_90 = arith.cmpi sge, %sub3A_87, %ge3A_89 : vector<16xi32>
      %lt3A_91 = arith.constant 25000 : i32
      %lt3A_92 = vector.broadcast %lt3A_91 : i32 to vector<16xi32>
      %lt3A_93 = arith.cmpi slt, %sub3A_87, %lt3A_92 : vector<16xi32>
      %and3A_94 = arith.andi %ge3A_90, %lt3A_93 : vector<16xi1>
      %jit3A_95 = arith.constant 25088 : i32
      %broadcast_in_dim3A_96 = vector.broadcast %jit3A_95 : i32 to vector<16xi32>
      %select_n3A_97 = arith.select %and3A_94, %sub3A_87, %broadcast_in_dim3A_96 : vector<16xi1>, vector<16xi32>
      %swap3A_98 = arith.constant 32 : index
      %swap3A_99 = tpu.vector_load %arg9[%swap3A_98] {strides = array<i32>} : memref<128xi32, #tpu.memory_space<vmem>>, vector<16xi32>,
      %swap3A_100 = vector.shape_cast %swap3A_99 : vector<16xi32> to vector<16xi32>
      %swap3A_101 = vector.shape_cast %select_n3A_97 : vector<16xi32> to vector<16xi32>
      tpu.vector_store %arg9[%swap3A_98], %swap3A_101 {strides = array<i32>} : memref<128xi32, #tpu.memory_space<vmem>>, vector<16xi32>,
      %get3A_102 = arith.constant 32 : index
      %get3A_103 = tpu.vector_load %arg8[%get3A_102] {strides = array<i32>} : memref<128xi32, #tpu.memory_space<vmem>>, vector<16xi32>,
      %get3A_104 = vector.shape_cast %get3A_103 : vector<16xi32> to vector<16xi32>
      %ge3A_105 = arith.constant 25000 : i32
      %ge3A_106 = vector.broadcast %ge3A_105 : i32 to vector<16xi32>
      %ge3A_107 = arith.cmpi sge, %get3A_104, %ge3A_106 : vector<16xi32>
      %add3A_108 = arith.constant 88 : i32
      %add3A_109 = vector.broadcast %add3A_108 : i32 to vector<16xi32>
      %add3A_110 = arith.addi %get3A_104, %add3A_109 : vector<16xi32>
      %select_n3A_111 = arith.select %ge3A_107, %add3A_110, %get3A_104 : vector<16xi1>, vector<16xi32>
      %swap3A_112 = arith.constant 32 : index
      %swap3A_113 = tpu.vector_load %arg10[%swap3A_112] {strides = array<i32>} : memref<128xi32, #tpu.memory_space<vmem>>, vector<16xi32>,
      %swap3A_114 = vector.shape_cast %swap3A_113 : vector<16xi32> to vector<16xi32>
      %swap3A_115 = vector.shape_cast %select_n3A_111 : vector<16xi32> to vector<16xi32>
      tpu.vector_store %arg10[%swap3A_112], %swap3A_115 {strides = array<i32>} : memref<128xi32, #tpu.memory_space<vmem>>, vector<16xi32>,
      %get3A_116 = arith.constant 48 : index
      %get3A_117 = tpu.vector_load %arg7[%get3A_116] {strides = array<i32>} : memref<128xi32, #tpu.memory_space<vmem>>, vector<16xi32>,
      %get3A_118 = vector.shape_cast %get3A_117 : vector<16xi32> to vector<16xi32>
      %sub3A_119 = vector.broadcast %mul3A_0 : i32 to vector<16xi32>
      %sub3A_120 = arith.subi %get3A_118, %sub3A_119 : vector<16xi32>
      %ge3A_121 = arith.constant 0 : i32
      %ge3A_122 = vector.broadcast %ge3A_121 : i32 to vector<16xi32>
      %ge3A_123 = arith.cmpi sge, %sub3A_120, %ge3A_122 : vector<16xi32>
      %lt3A_124 = arith.constant 25000 : i32
      %lt3A_125 = vector.broadcast %lt3A_124 : i32 to vector<16xi32>
      %lt3A_126 = arith.cmpi slt, %sub3A_120, %lt3A_125 : vector<16xi32>
      %and3A_127 = arith.andi %ge3A_123, %lt3A_126 : vector<16xi1>
      %jit3A_128 = arith.constant 25088 : i32
      %broadcast_in_dim3A_129 = vector.broadcast %jit3A_128 : i32 to vector<16xi32>
      %select_n3A_130 = arith.select %and3A_127, %sub3A_120, %broadcast_in_dim3A_129 : vector<16xi1>, vector<16xi32>
      %swap3A_131 = arith.constant 48 : index
      %swap3A_132 = tpu.vector_load %arg9[%swap3A_131] {strides = array<i32>} : memref<128xi32, #tpu.memory_space<vmem>>, vector<16xi32>,
      %swap3A_133 = vector.shape_cast %swap3A_132 : vector<16xi32> to vector<16xi32>
      %swap3A_134 = vector.shape_cast %select_n3A_130 : vector<16xi32> to vector<16xi32>
      tpu.vector_store %arg9[%swap3A_131], %swap3A_134 {strides = array<i32>} : memref<128xi32, #tpu.memory_space<vmem>>, vector<16xi32>,
      %get3A_135 = arith.constant 48 : index
      %get3A_136 = tpu.vector_load %arg8[%get3A_135] {strides = array<i32>} : memref<128xi32, #tpu.memory_space<vmem>>, vector<16xi32>,
      %get3A_137 = vector.shape_cast %get3A_136 : vector<16xi32> to vector<16xi32>
      %ge3A_138 = arith.constant 25000 : i32
      %ge3A_139 = vector.broadcast %ge3A_138 : i32 to vector<16xi32>
      %ge3A_140 = arith.cmpi sge, %get3A_137, %ge3A_139 : vector<16xi32>
      %add3A_141 = arith.constant 88 : i32
      %add3A_142 = vector.broadcast %add3A_141 : i32 to vector<16xi32>
      %add3A_143 = arith.addi %get3A_137, %add3A_142 : vector<16xi32>
      %select_n3A_144 = arith.select %ge3A_140, %add3A_143, %get3A_137 : vector<16xi1>, vector<16xi32>
      %swap3A_145 = arith.constant 48 : index
      %swap3A_146 = tpu.vector_load %arg10[%swap3A_145] {strides = array<i32>} : memref<128xi32, #tpu.memory_space<vmem>>, vector<16xi32>,
      %swap3A_147 = vector.shape_cast %swap3A_146 : vector<16xi32> to vector<16xi32>
      %swap3A_148 = vector.shape_cast %select_n3A_144 : vector<16xi32> to vector<16xi32>
      tpu.vector_store %arg10[%swap3A_145], %swap3A_148 {strides = array<i32>} : memref<128xi32, #tpu.memory_space<vmem>>, vector<16xi32>,
      %get3A_149 = arith.constant 64 : index
      %get3A_150 = tpu.vector_load %arg7[%get3A_149] {strides = array<i32>} : memref<128xi32, #tpu.memory_space<vmem>>, vector<16xi32>,
      %get3A_151 = vector.shape_cast %get3A_150 : vector<16xi32> to vector<16xi32>
      %sub3A_152 = vector.broadcast %mul3A_0 : i32 to vector<16xi32>
      %sub3A_153 = arith.subi %get3A_151, %sub3A_152 : vector<16xi32>
      %ge3A_154 = arith.constant 0 : i32
      %ge3A_155 = vector.broadcast %ge3A_154 : i32 to vector<16xi32>
      %ge3A_156 = arith.cmpi sge, %sub3A_153, %ge3A_155 : vector<16xi32>
      %lt3A_157 = arith.constant 25000 : i32
      %lt3A_158 = vector.broadcast %lt3A_157 : i32 to vector<16xi32>
      %lt3A_159 = arith.cmpi slt, %sub3A_153, %lt3A_158 : vector<16xi32>
      %and3A_160 = arith.andi %ge3A_156, %lt3A_159 : vector<16xi1>
      %jit3A_161 = arith.constant 25088 : i32
      %broadcast_in_dim3A_162 = vector.broadcast %jit3A_161 : i32 to vector<16xi32>
      %select_n3A_163 = arith.select %and3A_160, %sub3A_153, %broadcast_in_dim3A_162 : vector<16xi1>, vector<16xi32>
      %swap3A_164 = arith.constant 64 : index
      %swap3A_165 = tpu.vector_load %arg9[%swap3A_164] {strides = array<i32>} : memref<128xi32, #tpu.memory_space<vmem>>, vector<16xi32>,
      %swap3A_166 = vector.shape_cast %swap3A_165 : vector<16xi32> to vector<16xi32>
      %swap3A_167 = vector.shape_cast %select_n3A_163 : vector<16xi32> to vector<16xi32>
      tpu.vector_store %arg9[%swap3A_164], %swap3A_167 {strides = array<i32>} : memref<128xi32, #tpu.memory_space<vmem>>, vector<16xi32>,
      %get3A_168 = arith.constant 64 : index
      %get3A_169 = tpu.vector_load %arg8[%get3A_168] {strides = array<i32>} : memref<128xi32, #tpu.memory_space<vmem>>, vector<16xi32>,
      %get3A_170 = vector.shape_cast %get3A_169 : vector<16xi32> to vector<16xi32>
      %ge3A_171 = arith.constant 25000 : i32
      %ge3A_172 = vector.broadcast %ge3A_171 : i32 to vector<16xi32>
      %ge3A_173 = arith.cmpi sge, %get3A_170, %ge3A_172 : vector<16xi32>
      %add3A_174 = arith.constant 88 : i32
      %add3A_175 = vector.broadcast %add3A_174 : i32 to vector<16xi32>
      %add3A_176 = arith.addi %get3A_170, %add3A_175 : vector<16xi32>
      %select_n3A_177 = arith.select %ge3A_173, %add3A_176, %get3A_170 : vector<16xi1>, vector<16xi32>
      %swap3A_178 = arith.constant 64 : index
      %swap3A_179 = tpu.vector_load %arg10[%swap3A_178] {strides = array<i32>} : memref<128xi32, #tpu.memory_space<vmem>>, vector<16xi32>,
      %swap3A_180 = vector.shape_cast %swap3A_179 : vector<16xi32> to vector<16xi32>
      %swap3A_181 = vector.shape_cast %select_n3A_177 : vector<16xi32> to vector<16xi32>
      tpu.vector_store %arg10[%swap3A_178], %swap3A_181 {strides = array<i32>} : memref<128xi32, #tpu.memory_space<vmem>>, vector<16xi32>,
      %get3A_182 = arith.constant 80 : index
      %get3A_183 = tpu.vector_load %arg7[%get3A_182] {strides = array<i32>} : memref<128xi32, #tpu.memory_space<vmem>>, vector<16xi32>,
      %get3A_184 = vector.shape_cast %get3A_183 : vector<16xi32> to vector<16xi32>
      %sub3A_185 = vector.broadcast %mul3A_0 : i32 to vector<16xi32>
      %sub3A_186 = arith.subi %get3A_184, %sub3A_185 : vector<16xi32>
      %ge3A_187 = arith.constant 0 : i32
      %ge3A_188 = vector.broadcast %ge3A_187 : i32 to vector<16xi32>
      %ge3A_189 = arith.cmpi sge, %sub3A_186, %ge3A_188 : vector<16xi32>
      %lt3A_190 = arith.constant 25000 : i32
      %lt3A_191 = vector.broadcast %lt3A_190 : i32 to vector<16xi32>
      %lt3A_192 = arith.cmpi slt, %sub3A_186, %lt3A_191 : vector<16xi32>
      %and3A_193 = arith.andi %ge3A_189, %lt3A_192 : vector<16xi1>
      %jit3A_194 = arith.constant 25088 : i32
      %broadcast_in_dim3A_195 = vector.broadcast %jit3A_194 : i32 to vector<16xi32>
      %select_n3A_196 = arith.select %and3A_193, %sub3A_186, %broadcast_in_dim3A_195 : vector<16xi1>, vector<16xi32>
      %swap3A_197 = arith.constant 80 : index
      %swap3A_198 = tpu.vector_load %arg9[%swap3A_197] {strides = array<i32>} : memref<128xi32, #tpu.memory_space<vmem>>, vector<16xi32>,
      %swap3A_199 = vector.shape_cast %swap3A_198 : vector<16xi32> to vector<16xi32>
      %swap3A_200 = vector.shape_cast %select_n3A_196 : vector<16xi32> to vector<16xi32>
      tpu.vector_store %arg9[%swap3A_197], %swap3A_200 {strides = array<i32>} : memref<128xi32, #tpu.memory_space<vmem>>, vector<16xi32>,
      %get3A_201 = arith.constant 80 : index
      %get3A_202 = tpu.vector_load %arg8[%get3A_201] {strides = array<i32>} : memref<128xi32, #tpu.memory_space<vmem>>, vector<16xi32>,
      %get3A_203 = vector.shape_cast %get3A_202 : vector<16xi32> to vector<16xi32>
      %ge3A_204 = arith.constant 25000 : i32
      %ge3A_205 = vector.broadcast %ge3A_204 : i32 to vector<16xi32>
      %ge3A_206 = arith.cmpi sge, %get3A_203, %ge3A_205 : vector<16xi32>
      %add3A_207 = arith.constant 88 : i32
      %add3A_208 = vector.broadcast %add3A_207 : i32 to vector<16xi32>
      %add3A_209 = arith.addi %get3A_203, %add3A_208 : vector<16xi32>
      %select_n3A_210 = arith.select %ge3A_206, %add3A_209, %get3A_203 : vector<16xi1>, vector<16xi32>
      %swap3A_211 = arith.constant 80 : index
      %swap3A_212 = tpu.vector_load %arg10[%swap3A_211] {strides = array<i32>} : memref<128xi32, #tpu.memory_space<vmem>>, vector<16xi32>,
      %swap3A_213 = vector.shape_cast %swap3A_212 : vector<16xi32> to vector<16xi32>
      %swap3A_214 = vector.shape_cast %select_n3A_210 : vector<16xi32> to vector<16xi32>
      tpu.vector_store %arg10[%swap3A_211], %swap3A_214 {strides = array<i32>} : memref<128xi32, #tpu.memory_space<vmem>>, vector<16xi32>,
      %get3A_215 = arith.constant 96 : index
      %get3A_216 = tpu.vector_load %arg7[%get3A_215] {strides = array<i32>} : memref<128xi32, #tpu.memory_space<vmem>>, vector<16xi32>,
      %get3A_217 = vector.shape_cast %get3A_216 : vector<16xi32> to vector<16xi32>
      %sub3A_218 = vector.broadcast %mul3A_0 : i32 to vector<16xi32>
      %sub3A_219 = arith.subi %get3A_217, %sub3A_218 : vector<16xi32>
      %ge3A_220 = arith.constant 0 : i32
      %ge3A_221 = vector.broadcast %ge3A_220 : i32 to vector<16xi32>
      %ge3A_222 = arith.cmpi sge, %sub3A_219, %ge3A_221 : vector<16xi32>
      %lt3A_223 = arith.constant 25000 : i32
      %lt3A_224 = vector.broadcast %lt3A_223 : i32 to vector<16xi32>
      %lt3A_225 = arith.cmpi slt, %sub3A_219, %lt3A_224 : vector<16xi32>
      %and3A_226 = arith.andi %ge3A_222, %lt3A_225 : vector<16xi1>
      %jit3A_227 = arith.constant 25088 : i32
      %broadcast_in_dim3A_228 = vector.broadcast %jit3A_227 : i32 to vector<16xi32>
      %select_n3A_229 = arith.select %and3A_226, %sub3A_219, %broadcast_in_dim3A_228 : vector<16xi1>, vector<16xi32>
      %swap3A_230 = arith.constant 96 : index
      %swap3A_231 = tpu.vector_load %arg9[%swap3A_230] {strides = array<i32>} : memref<128xi32, #tpu.memory_space<vmem>>, vector<16xi32>,
      %swap3A_232 = vector.shape_cast %swap3A_231 : vector<16xi32> to vector<16xi32>
      %swap3A_233 = vector.shape_cast %select_n3A_229 : vector<16xi32> to vector<16xi32>
      tpu.vector_store %arg9[%swap3A_230], %swap3A_233 {strides = array<i32>} : memref<128xi32, #tpu.memory_space<vmem>>, vector<16xi32>,
      %get3A_234 = arith.constant 96 : index
      %get3A_235 = tpu.vector_load %arg8[%get3A_234] {strides = array<i32>} : memref<128xi32, #tpu.memory_space<vmem>>, vector<16xi32>,
      %get3A_236 = vector.shape_cast %get3A_235 : vector<16xi32> to vector<16xi32>
      %ge3A_237 = arith.constant 25000 : i32
      %ge3A_238 = vector.broadcast %ge3A_237 : i32 to vector<16xi32>
      %ge3A_239 = arith.cmpi sge, %get3A_236, %ge3A_238 : vector<16xi32>
      %add3A_240 = arith.constant 88 : i32
      %add3A_241 = vector.broadcast %add3A_240 : i32 to vector<16xi32>
      %add3A_242 = arith.addi %get3A_236, %add3A_241 : vector<16xi32>
      %select_n3A_243 = arith.select %ge3A_239, %add3A_242, %get3A_236 : vector<16xi1>, vector<16xi32>
      %swap3A_244 = arith.constant 96 : index
      %swap3A_245 = tpu.vector_load %arg10[%swap3A_244] {strides = array<i32>} : memref<128xi32, #tpu.memory_space<vmem>>, vector<16xi32>,
      %swap3A_246 = vector.shape_cast %swap3A_245 : vector<16xi32> to vector<16xi32>
      %swap3A_247 = vector.shape_cast %select_n3A_243 : vector<16xi32> to vector<16xi32>
      tpu.vector_store %arg10[%swap3A_244], %swap3A_247 {strides = array<i32>} : memref<128xi32, #tpu.memory_space<vmem>>, vector<16xi32>,
      %get3A_248 = arith.constant 112 : index
      %get3A_249 = tpu.vector_load %arg7[%get3A_248] {strides = array<i32>} : memref<128xi32, #tpu.memory_space<vmem>>, vector<16xi32>,
      %get3A_250 = vector.shape_cast %get3A_249 : vector<16xi32> to vector<16xi32>
      %sub3A_251 = vector.broadcast %mul3A_0 : i32 to vector<16xi32>
      %sub3A_252 = arith.subi %get3A_250, %sub3A_251 : vector<16xi32>
      %ge3A_253 = arith.constant 0 : i32
      %ge3A_254 = vector.broadcast %ge3A_253 : i32 to vector<16xi32>
      %ge3A_255 = arith.cmpi sge, %sub3A_252, %ge3A_254 : vector<16xi32>
      %lt3A_256 = arith.constant 25000 : i32
      %lt3A_257 = vector.broadcast %lt3A_256 : i32 to vector<16xi32>
      %lt3A_258 = arith.cmpi slt, %sub3A_252, %lt3A_257 : vector<16xi32>
      %and3A_259 = arith.andi %ge3A_255, %lt3A_258 : vector<16xi1>
      %jit3A_260 = arith.constant 25088 : i32
      %broadcast_in_dim3A_261 = vector.broadcast %jit3A_260 : i32 to vector<16xi32>
      %select_n3A_262 = arith.select %and3A_259, %sub3A_252, %broadcast_in_dim3A_261 : vector<16xi1>, vector<16xi32>
      %swap3A_263 = arith.constant 112 : index
      %swap3A_264 = tpu.vector_load %arg9[%swap3A_263] {strides = array<i32>} : memref<128xi32, #tpu.memory_space<vmem>>, vector<16xi32>,
      %swap3A_265 = vector.shape_cast %swap3A_264 : vector<16xi32> to vector<16xi32>
      %swap3A_266 = vector.shape_cast %select_n3A_262 : vector<16xi32> to vector<16xi32>
      tpu.vector_store %arg9[%swap3A_263], %swap3A_266 {strides = array<i32>} : memref<128xi32, #tpu.memory_space<vmem>>, vector<16xi32>,
      %get3A_267 = arith.constant 112 : index
      %get3A_268 = tpu.vector_load %arg8[%get3A_267] {strides = array<i32>} : memref<128xi32, #tpu.memory_space<vmem>>, vector<16xi32>,
      %get3A_269 = vector.shape_cast %get3A_268 : vector<16xi32> to vector<16xi32>
      %ge3A_270 = arith.constant 25000 : i32
      %ge3A_271 = vector.broadcast %ge3A_270 : i32 to vector<16xi32>
      %ge3A_272 = arith.cmpi sge, %get3A_269, %ge3A_271 : vector<16xi32>
      %add3A_273 = arith.constant 88 : i32
      %add3A_274 = vector.broadcast %add3A_273 : i32 to vector<16xi32>
      %add3A_275 = arith.addi %get3A_269, %add3A_274 : vector<16xi32>
      %select_n3A_276 = arith.select %ge3A_272, %add3A_275, %get3A_269 : vector<16xi1>, vector<16xi32>
      %swap3A_277 = arith.constant 112 : index
      %swap3A_278 = tpu.vector_load %arg10[%swap3A_277] {strides = array<i32>} : memref<128xi32, #tpu.memory_space<vmem>>, vector<16xi32>,
      %swap3A_279 = vector.shape_cast %swap3A_278 : vector<16xi32> to vector<16xi32>
      %swap3A_280 = vector.shape_cast %select_n3A_276 : vector<16xi32> to vector<16xi32>
      tpu.vector_store %arg10[%swap3A_277], %swap3A_280 {strides = array<i32>} : memref<128xi32, #tpu.memory_space<vmem>>, vector<16xi32>,
      %dma_start3A = arith.constant 0 : i32
      %dma_start3A_281 = arith.constant 0 : i32
      %dma_start3A_282 = tpu.memref_slice %arg2[%dma_start3A, %dma_start3A_281] : memref<50176x64xf32, #tpu.memory_space<hbm>> -> memref<50176x64xf32, #tpu.memory_space<hbm>>
      tpu.enqueue_indirect_dma source(%dma_start3A_282 : memref<50176x64xf32, #tpu.memory_space<hbm>>) target(%arg11 : memref<128x64xf32, #tpu.memory_space<vmem>>) offsets(%arg10 : memref<128xi32, #tpu.memory_space<vmem>>) semaphore(%arg13 : memref<!tpu.dma_semaphore, #tpu.memory_space<semaphore_mem>>)
      %dma_wait3A = arith.constant 0 : i32
      %dma_wait3A_283 = arith.constant 0 : i32
      %dma_wait3A_284 = tpu.memref_slice %arg2[%dma_wait3A, %dma_wait3A_283] : memref<50176x64xf32, #tpu.memory_space<hbm>> -> memref<50176x64xf32, #tpu.memory_space<hbm>>
      tpu.wait_indirect_dma semaphore(%arg13 : memref<!tpu.dma_semaphore, #tpu.memory_space<semaphore_mem>>) src(%dma_wait3A_284 : memref<50176x64xf32, #tpu.memory_space<hbm>>) dst(%arg11 : memref<128x64xf32, #tpu.memory_space<vmem>>)
      "tpu.region"() ({
        %run_scoped3A = tpu.sem_alloc : memref<!tpu.dma_semaphore, #tpu.memory_space<semaphore_mem>>
        %dma_start3A_285 = arith.constant 0 : i32
        %dma_start3A_286 = arith.constant 0 : i32
        %dma_start3A_287 = tpu.memref_slice %arg12[%dma_start3A_285, %dma_start3A_286] : memref<25104x64xf32, #tpu.memory_space<vmem_shared>> -> memref<25104x64xf32, #tpu.memory_space<vmem_shared>>
        tpu.enqueue_indirect_dma source(%arg11 : memref<128x64xf32, #tpu.memory_space<vmem>>) target(%dma_start3A_287 : memref<25104x64xf32, #tpu.memory_space<vmem_shared>>) offsets(%arg9 : memref<128xi32, #tpu.memory_space<vmem>>) semaphore(%run_scoped3A : memref<!tpu.dma_semaphore, #tpu.memory_space<semaphore_mem>>) {add = true}
        %dma_wait3A_288 = arith.constant 0 : i32
        %dma_wait3A_289 = arith.constant 0 : i32
        %dma_wait3A_290 = tpu.memref_slice %arg12[%dma_wait3A_288, %dma_wait3A_289] : memref<25104x64xf32, #tpu.memory_space<vmem_shared>> -> memref<25104x64xf32, #tpu.memory_space<vmem_shared>>
        tpu.wait_indirect_dma semaphore(%run_scoped3A : memref<!tpu.dma_semaphore, #tpu.memory_space<semaphore_mem>>) src(%arg11 : memref<128x64xf32, #tpu.memory_space<vmem>>) dst(%dma_wait3A_290 : memref<25104x64xf32, #tpu.memory_space<vmem_shared>>)
        tpu.yield
      }) : () -> ()
    }
    %scan3A_10 = arith.constant 400 : i32
    %barrier3A_11 = arith.constant 0 : index
    tpu.barrier barrier_id(%barrier3A_11)
    %mul3A_12 = arith.constant 1568 : i32
    %mul3A_13 = arith.muli %arg1, %mul3A_12 : i32
    %mul3A_14 = arith.constant 25088 : i32
    %mul3A_15 = arith.muli %arg0, %mul3A_14 : i32
    %mul3A_16 = arith.constant 1568 : i32
    %mul3A_17 = arith.muli %arg1, %mul3A_16 : i32
    %add3A = arith.addi %mul3A_15, %mul3A_17 : i32
    "tpu.region"() ({
      %run_scoped3A = tpu.sem_alloc : memref<!tpu.dma_semaphore, #tpu.memory_space<semaphore_mem>>
      %dma_start3A = arith.constant 0 : i32
      %dma_start3A_18 = tpu.memref_slice %arg6[%add3A, %dma_start3A] : memref<50176x64xf32, #tpu.memory_space<hbm>> -> memref<1568x64xf32, #tpu.memory_space<hbm>>
      %dma_start3A_19 = arith.constant 0 : i32
      %dma_start3A_20 = tpu.memref_slice %arg12[%mul3A_13, %dma_start3A_19] : memref<25104x64xf32, #tpu.memory_space<vmem_shared>> -> memref<1568x64xf32, #tpu.memory_space<vmem_shared>>
      tpu.enqueue_dma source(%dma_start3A_20 : memref<1568x64xf32, #tpu.memory_space<vmem_shared>>) target(%dma_start3A_18 : memref<1568x64xf32, #tpu.memory_space<hbm>>) target_semaphore(%run_scoped3A : memref<!tpu.dma_semaphore, #tpu.memory_space<semaphore_mem>>)
      %dma_wait3A = arith.constant 0 : i32
      %dma_wait3A_21 = tpu.memref_slice %arg6[%add3A, %dma_wait3A] : memref<50176x64xf32, #tpu.memory_space<hbm>> -> memref<1568x64xf32, #tpu.memory_space<hbm>>
      %dma_wait3A_22 = arith.constant 0 : i32
      %dma_wait3A_23 = tpu.memref_slice %arg12[%mul3A_13, %dma_wait3A_22] : memref<25104x64xf32, #tpu.memory_space<vmem_shared>> -> memref<1568x64xf32, #tpu.memory_space<vmem_shared>>
      tpu.wait_dma2 semaphore(%run_scoped3A : memref<!tpu.dma_semaphore, #tpu.memory_space<semaphore_mem>>) src(%dma_wait3A_23 : memref<1568x64xf32, #tpu.memory_space<vmem_shared>>) dst(%dma_wait3A_21 : memref<1568x64xf32, #tpu.memory_space<hbm>>)
      tpu.yield
    }) : () -> ()
    return
  }
}

module attributes {stable_mosaic.version = 14 : i64} {
  func.func @body(%arg0: i32, %arg1: memref<512x16xf32, #tpu.memory_space<vmem>>, %arg2: memref<512x64xf32, #tpu.memory_space<vmem>>, %arg3: memref<512x16xf32, #tpu.memory_space<vmem>>, %arg4: memref<512x64xf32, #tpu.memory_space<vmem>>, %arg5: memref<512x64xf32, #tpu.memory_space<vmem>>) attributes {dimension_semantics = [#tpu.dimension_semantics<arbitrary>], iteration_bounds = array<i64: 98>, scalar_prefetch = 0 : i64, scratch_operands = 0 : i64, tpu.core_type = #tpu.core_type<tc>, window_params = [{transform_indices = @transform_0, window_bounds = array<i64: 512, 16>}, {transform_indices = @transform_1, window_bounds = array<i64: 512, 64>}, {transform_indices = @transform_2, window_bounds = array<i64: 512, 16>}, {transform_indices = @transform_3, window_bounds = array<i64: 512, 64>}, {transform_indices = @transform_4, window_bounds = array<i64: 512, 64>}]} {
    %get3A = arith.constant 0 : index
    %get3A_0 = arith.constant 0 : index
    %get3A_1 = vector.load %arg1[%get3A, %get3A_0] : memref<512x16xf32, #tpu.memory_space<vmem>>, vector<512x16xf32>
    %gt3A = arith.constant 0.000000e+00 : f32
    %gt3A_2 = vector.broadcast %gt3A : f32 to vector<512x16xf32>
    %gt3A_3 = arith.cmpf ogt, %get3A_1, %gt3A_2 : vector<512x16xf32>
    %rsqrt3A = math.rsqrt %get3A_1 : vector<512x16xf32>
    %jit3A = arith.constant 0.000000e+00 : f32
    %broadcast_in_dim3A = vector.broadcast %jit3A : f32 to vector<512x16xf32>
    %select_n3A = arith.select %gt3A_3, %rsqrt3A, %broadcast_in_dim3A : vector<512x16xi1>, vector<512x16xf32>
    %swap3A = arith.constant 0 : index
    %swap3A_4 = arith.constant 0 : index
    %swap3A_5 = vector.load %arg3[%swap3A, %swap3A_4] : memref<512x16xf32, #tpu.memory_space<vmem>>, vector<512x16xf32>
    tpu.vector_store %arg3[%swap3A, %swap3A_4], %select_n3A {strides = array<i32>} : memref<512x16xf32, #tpu.memory_space<vmem>>, vector<512x16xf32>,
    %get3A_6 = arith.constant 0 : index
    %get3A_7 = arith.constant 0 : index
    %get3A_8 = vector.load %arg2[%get3A_6, %get3A_7] : memref<512x64xf32, #tpu.memory_space<vmem>>, vector<512x64xf32>
    %slice3A = vector.extract_strided_slice %select_n3A {offsets = [0, 0], sizes = [512, 1], strides = [1, 1]} : vector<512x16xf32> to vector<512x1xf32>
    %mul3A = vector.broadcast %slice3A : vector<512x1xf32> to vector<512x64xf32>
    %mul3A_9 = arith.mulf %get3A_8, %mul3A : vector<512x64xf32>
    %swap3A_10 = arith.constant 0 : index
    %swap3A_11 = arith.constant 0 : index
    %swap3A_12 = vector.load %arg4[%swap3A_10, %swap3A_11] : memref<512x64xf32, #tpu.memory_space<vmem>>, vector<512x64xf32>
    tpu.vector_store %arg4[%swap3A_10, %swap3A_11], %mul3A_9 {strides = array<i32>} : memref<512x64xf32, #tpu.memory_space<vmem>>, vector<512x64xf32>,
    %mul3A_13 = arith.constant 2.500000e-01 : f32
    %mul3A_14 = vector.broadcast %mul3A_13 : f32 to vector<512x64xf32>
    %mul3A_15 = arith.mulf %mul3A_14, %get3A_8 : vector<512x64xf32>
    %swap3A_16 = arith.constant 0 : index
    %swap3A_17 = arith.constant 0 : index
    %swap3A_18 = vector.load %arg5[%swap3A_16, %swap3A_17] : memref<512x64xf32, #tpu.memory_space<vmem>>, vector<512x64xf32>
    tpu.vector_store %arg5[%swap3A_16, %swap3A_17], %mul3A_15 {strides = array<i32>} : memref<512x64xf32, #tpu.memory_space<vmem>>, vector<512x64xf32>,
    return
  }
  func.func @transform_0(%arg0: i32) -> (i32, i32) {
    %c0_i32 = arith.constant 0 : i32
    %c0_i32_0 = arith.constant 0 : i32
    return %arg0, %c0_i32 : i32, i32
  }
  func.func @transform_1(%arg0: i32) -> (i32, i32) {
    %c0_i32 = arith.constant 0 : i32
    %c0_i32_0 = arith.constant 0 : i32
    return %arg0, %c0_i32 : i32, i32
  }
  func.func @transform_2(%arg0: i32) -> (i32, i32) {
    %c0_i32 = arith.constant 0 : i32
    %c0_i32_0 = arith.constant 0 : i32
    return %arg0, %c0_i32 : i32, i32
  }
  func.func @transform_3(%arg0: i32) -> (i32, i32) {
    %c0_i32 = arith.constant 0 : i32
    %c0_i32_0 = arith.constant 0 : i32
    return %arg0, %c0_i32 : i32, i32
  }
  func.func @transform_4(%arg0: i32) -> (i32, i32) {
    %c0_i32 = arith.constant 0 : i32
    %c0_i32_0 = arith.constant 0 : i32
    return %arg0, %c0_i32 : i32, i32
  }
}

module attributes {stable_mosaic.version = 14 : i64} {
  func.func @body_last(%arg0: i32, %arg1: memref<512x64xf32, #tpu.memory_space<vmem>>, %arg2: memref<512x16xf32, #tpu.memory_space<vmem>>, %arg3: memref<512x64xf32, #tpu.memory_space<vmem>>, %arg4: memref<512x64xf32, #tpu.memory_space<vmem>>) attributes {dimension_semantics = [#tpu.dimension_semantics<arbitrary>], iteration_bounds = array<i64: 98>, scalar_prefetch = 0 : i64, scratch_operands = 0 : i64, tpu.core_type = #tpu.core_type<tc>, window_params = [{transform_indices = @transform_0, window_bounds = array<i64: 512, 64>}, {transform_indices = @transform_1, window_bounds = array<i64: 512, 16>}, {transform_indices = @transform_2, window_bounds = array<i64: 512, 64>}, {transform_indices = @transform_3, window_bounds = array<i64: 512, 64>}]} {
    %get3A = arith.constant 0 : index
    %get3A_0 = arith.constant 0 : index
    %get3A_1 = vector.load %arg2[%get3A, %get3A_0] : memref<512x16xf32, #tpu.memory_space<vmem>>, vector<512x16xf32>
    %slice3A = vector.extract_strided_slice %get3A_1 {offsets = [0, 0], sizes = [512, 1], strides = [1, 1]} : vector<512x16xf32> to vector<512x1xf32>
    %get3A_2 = arith.constant 0 : index
    %get3A_3 = arith.constant 0 : index
    %get3A_4 = vector.load %arg1[%get3A_2, %get3A_3] : memref<512x64xf32, #tpu.memory_space<vmem>>, vector<512x64xf32>
    %mul3A = vector.broadcast %slice3A : vector<512x1xf32> to vector<512x64xf32>
    %mul3A_5 = arith.mulf %get3A_4, %mul3A : vector<512x64xf32>
    %get3A_6 = arith.constant 0 : index
    %get3A_7 = arith.constant 0 : index
    %get3A_8 = vector.load %arg3[%get3A_6, %get3A_7] : memref<512x64xf32, #tpu.memory_space<vmem>>, vector<512x64xf32>
    %mul3A_9 = arith.constant 2.500000e-01 : f32
    %mul3A_10 = vector.broadcast %mul3A_9 : f32 to vector<512x64xf32>
    %mul3A_11 = arith.mulf %mul3A_10, %mul3A_5 : vector<512x64xf32>
    %add3A = arith.addf %get3A_8, %mul3A_11 : vector<512x64xf32>
    %swap3A = arith.constant 0 : index
    %swap3A_12 = arith.constant 0 : index
    %swap3A_13 = vector.load %arg4[%swap3A, %swap3A_12] : memref<512x64xf32, #tpu.memory_space<vmem>>, vector<512x64xf32>
    tpu.vector_store %arg4[%swap3A, %swap3A_12], %add3A {strides = array<i32>} : memref<512x64xf32, #tpu.memory_space<vmem>>, vector<512x64xf32>,
    return
  }
  func.func @transform_0(%arg0: i32) -> (i32, i32) {
    %c0_i32 = arith.constant 0 : i32
    %c0_i32_0 = arith.constant 0 : i32
    return %arg0, %c0_i32 : i32, i32
  }
  func.func @transform_1(%arg0: i32) -> (i32, i32) {
    %c0_i32 = arith.constant 0 : i32
    %c0_i32_0 = arith.constant 0 : i32
    return %arg0, %c0_i32 : i32, i32
  }
  func.func @transform_2(%arg0: i32) -> (i32, i32) {
    %c0_i32 = arith.constant 0 : i32
    %c0_i32_0 = arith.constant 0 : i32
    return %arg0, %c0_i32 : i32, i32
  }
  func.func @transform_3(%arg0: i32) -> (i32, i32) {
    %c0_i32 = arith.constant 0 : i32
    %c0_i32_0 = arith.constant 0 : i32
    return %arg0, %c0_i32 : i32, i32
  }
}

module attributes {stable_mosaic.version = 14 : i64} {
  func.func @body_mid(%arg0: i32, %arg1: memref<512x64xf32, #tpu.memory_space<vmem>>, %arg2: memref<512x16xf32, #tpu.memory_space<vmem>>, %arg3: memref<512x64xf32, #tpu.memory_space<vmem>>, %arg4: memref<512x64xf32, #tpu.memory_space<vmem>>, %arg5: memref<512x64xf32, #tpu.memory_space<vmem>>) attributes {dimension_semantics = [#tpu.dimension_semantics<arbitrary>], iteration_bounds = array<i64: 98>, scalar_prefetch = 0 : i64, scratch_operands = 0 : i64, tpu.core_type = #tpu.core_type<tc>, window_params = [{transform_indices = @transform_0, window_bounds = array<i64: 512, 64>}, {transform_indices = @transform_1, window_bounds = array<i64: 512, 16>}, {transform_indices = @transform_2, window_bounds = array<i64: 512, 64>}, {transform_indices = @transform_3, window_bounds = array<i64: 512, 64>}, {transform_indices = @transform_4, window_bounds = array<i64: 512, 64>}]} {
    %get3A = arith.constant 0 : index
    %get3A_0 = arith.constant 0 : index
    %get3A_1 = vector.load %arg2[%get3A, %get3A_0] : memref<512x16xf32, #tpu.memory_space<vmem>>, vector<512x16xf32>
    %slice3A = vector.extract_strided_slice %get3A_1 {offsets = [0, 0], sizes = [512, 1], strides = [1, 1]} : vector<512x16xf32> to vector<512x1xf32>
    %get3A_2 = arith.constant 0 : index
    %get3A_3 = arith.constant 0 : index
    %get3A_4 = vector.load %arg1[%get3A_2, %get3A_3] : memref<512x64xf32, #tpu.memory_space<vmem>>, vector<512x64xf32>
    %mul3A = vector.broadcast %slice3A : vector<512x1xf32> to vector<512x64xf32>
    %mul3A_5 = arith.mulf %get3A_4, %mul3A : vector<512x64xf32>
    %get3A_6 = arith.constant 0 : index
    %get3A_7 = arith.constant 0 : index
    %get3A_8 = vector.load %arg3[%get3A_6, %get3A_7] : memref<512x64xf32, #tpu.memory_space<vmem>>, vector<512x64xf32>
    %mul3A_9 = arith.constant 2.500000e-01 : f32
    %mul3A_10 = vector.broadcast %mul3A_9 : f32 to vector<512x64xf32>
    %mul3A_11 = arith.mulf %mul3A_10, %mul3A_5 : vector<512x64xf32>
    %add3A = arith.addf %get3A_8, %mul3A_11 : vector<512x64xf32>
    %swap3A = arith.constant 0 : index
    %swap3A_12 = arith.constant 0 : index
    %swap3A_13 = vector.load %arg4[%swap3A, %swap3A_12] : memref<512x64xf32, #tpu.memory_space<vmem>>, vector<512x64xf32>
    tpu.vector_store %arg4[%swap3A, %swap3A_12], %add3A {strides = array<i32>} : memref<512x64xf32, #tpu.memory_space<vmem>>, vector<512x64xf32>,
    %mul3A_14 = vector.broadcast %slice3A : vector<512x1xf32> to vector<512x64xf32>
    %mul3A_15 = arith.mulf %mul3A_5, %mul3A_14 : vector<512x64xf32>
    %swap3A_16 = arith.constant 0 : index
    %swap3A_17 = arith.constant 0 : index
    %swap3A_18 = vector.load %arg5[%swap3A_16, %swap3A_17] : memref<512x64xf32, #tpu.memory_space<vmem>>, vector<512x64xf32>
    tpu.vector_store %arg5[%swap3A_16, %swap3A_17], %mul3A_15 {strides = array<i32>} : memref<512x64xf32, #tpu.memory_space<vmem>>, vector<512x64xf32>,
    return
  }
  func.func @transform_0(%arg0: i32) -> (i32, i32) {
    %c0_i32 = arith.constant 0 : i32
    %c0_i32_0 = arith.constant 0 : i32
    return %arg0, %c0_i32 : i32, i32
  }
  func.func @transform_1(%arg0: i32) -> (i32, i32) {
    %c0_i32 = arith.constant 0 : i32
    %c0_i32_0 = arith.constant 0 : i32
    return %arg0, %c0_i32 : i32, i32
  }
  func.func @transform_2(%arg0: i32) -> (i32, i32) {
    %c0_i32 = arith.constant 0 : i32
    %c0_i32_0 = arith.constant 0 : i32
    return %arg0, %c0_i32 : i32, i32
  }
  func.func @transform_3(%arg0: i32) -> (i32, i32) {
    %c0_i32 = arith.constant 0 : i32
    %c0_i32_0 = arith.constant 0 : i32
    return %arg0, %c0_i32 : i32, i32
  }
  func.func @transform_4(%arg0: i32) -> (i32, i32) {
    %c0_i32 = arith.constant 0 : i32
    %c0_i32_0 = arith.constant 0 : i32
    return %arg0, %c0_i32 : i32, i32
  }
}

</mosaic_0001>

<sc_bundles>
// kernel: kernel.10.cloned.1.call-start
scs
__scs_entry_jumppad:
0x0: {  	(pc) =	sbr.rel $0x88, $3  }
0x1: {  	(tag) =	ssettag $0x0;
	lr =	simm.s32 $0x1  }
0x2: {  	[smem:$0x3F9E] =	sst lr;
	_ =	strace $0xD0000000  }
0x3: {  	_ = 	snop  }
0x4: {  	_ = 	snop  }
0x5: {  	_ = 	snop  }
0x6: {  	_ = 	snop  }
0x7: {  	_ = 	snop  }
__scs_overlays_trampoline_lowered:
0x8: {  	[smem:$0x3FAD] =	sst s0  }
0x9: {  	[smem:$0x3FAE] =	sst s1  }
0xa: {  	[smem:$0x3FAF] =	sst s2  }
0xb: {  	[smem:$0x3FB0] =	sst s3  }
0xc: {  	[smem:$0x3FB1] =	sst s4  }
0xd: {  	[smem:$0x3FB2] =	sst s5  }
0xe: {  	[smem:$0x3FB3] =	sst s6  }
0xf: {  	[smem:$0x3FB4] =	sst s7  }
0x10: {  	[smem:$0x3FB5] =	sst s8  }
0x11: {  	[smem:$0x3FB6] =	sst s9;
	s0 =	simm.s32 @!p0 $0x0  }
0x12: {  	s1 =	sld [smem:$0x3F9C];
	s0 =	simm.s32 @p0 $0x1  }
0x13: {  	[smem:$0x3FB7] =	sst s0;
	s0 =	simm.s32 @!p1 $0x0  }
0x14: {  	s2 =	sld [smem:$0x3F9B];
	s0 =	simm.s32 @p1 $0x1  }
0x15: {  	[smem:$0x3FB8] =	sst s0;
	s0 =	simm.s32 @!p2 $0x0  }
0x16: {  	s3 =	sld [smem:$0x3FDB];
	s0 =	simm.s32 @p2 $0x1  }
0x17: {  	s4 =	simm.s32 $0x1BF5;
	[smem:$0x3FBA] =	sst s0  }
0x18: {  	s0 =	sld [smem:$0x3F9D];
	_ =	swait.ge [sflag:s4], $0x0  }
0x19: {  	s7 =	sld [smem:$0x3F9E]  }
0x1a: {  	s8 =	sadd.s32 $0xFFFFE003, lr  }
0x1b: {  	s9 =	sadd.s32 $0xFFFFFEF7, lr;
	s5 =	simm.s32 $0xFFFFFFFF;
	p2 =	slt.u32 s8, $0xFFFFF086  }
0x1c: {  	p1 =	slt.u32 s9, $0xF7A;
	s5 =	simm.s32 @!p2 $0x0  }
0x1d: {  	s5 =	simm.s32 @p1 $0x1;
	p0 =	seq.s32 s7, s2  }
0x1e: {  	s7 =	smul.u32 @!p0 $0xF7A, s2;
	p2 =	seq.s32 @!p0 s5, $0x0  }
0x1f: {  	s9 =	smul.u32 $0xF7A, s1;
	s8 =	simm.s32 @!p0 $0x1BF5;
	p2 =	por !p2, p0  }
0x20: {  	[sflag:s8] =	ssyncset.s32 @!p0 $0xFFFFF086;
	s6 =	sadd.s32 @!p0 s3, s7;
	s7 =	simm.s32 @!p0 $0x108  }
0x21: {  	s3 =	sadd.s32 s3, s9;
	s6 =	sadd.s32 @!p0 $0x88, s6;
	s7 =	simm.s32 @p2 $0x1082  }
0x22: {  	[simem:s7], [sflag:s8] =	dma.local @!p0 [hbm:s6], $0xF7A  }
0x23: {  	s9 =	sor.u32 $0xD0000000, s2;
	s6 =	simm.s32 $0x108;
	_ =	swait.ge @!p0 [sflag:s8], $0x0  }
0x24: {  	s3 =	sadd.s32 $0x88, s3;
	s6 =	simm.s32 @!p1 $0x1082;
	[sflag:s4] =	ssyncset.s32 $0xFFFFF086  }
0x25: {  	[simem:s6], [sflag:s4] =	dma.local [hbm:s3], $0xF7A  }
0x26: {  	[smem:$0x3F9E] =	sst s1;
	(tag) =	ssettag s2;
	_ =	strace s9  }
0x27: {  	s1 =	sld [smem:$0x3FAE]  }
0x28: {  	s2 =	sld [smem:$0x3FAF]  }
0x29: {  	s4 =	sld [smem:$0x3FB1]  }
0x2a: {  	p0 =	seq.s32 s5, $0x0;
	s5 =	sld [smem:$0x3FB2]  }
0x2b: {  	s6 =	sld [smem:$0x3FB3]  }
0x2c: {  	s7 =	sld [smem:$0x3FB4]  }
0x2d: {  	s3 =	simm.s32 $0x108;
	s8 =	sld [smem:$0x3FB5]  }
0x2e: {  	s3 =	simm.s32 @!p0 $0x1082;
	s9 =	sld [smem:$0x3FB6]  }
0x2f: {  	lr =	sadd.s32 s0, s3;
	s0 =	sld [smem:$0x3FAD]  }
0x30: {  	s3 =	sld [smem:$0x3FB0]  }
0x31: {  	[smem:$0x3FB9] =	sst s10  }
0x32: {  	s10 =	sld [smem:$0x3FB7];
	_ =	sdelay $0x3  }
0x33: {  	p0 =	seq.s32 s10, $0x1;
	s10 =	sld [smem:$0x3FB9];
	_ =	sdelay $0x3  }
0x34: {  	[smem:$0x3FB9] =	sst s10  }
0x35: {  	s10 =	sld [smem:$0x3FB8];
	_ =	sdelay $0x3  }
0x36: {  	p1 =	seq.s32 s10, $0x1;
	s10 =	sld [smem:$0x3FB9];
	_ =	sdelay $0x3  }
0x37: {  	[smem:$0x3FB9] =	sst s10  }
0x38: {  	s10 =	sld [smem:$0x3FBA]  }
0x39: {  	_ = 	snop;
	(pc) =	sbr.ind lr, $3  }
0x3a: {  	_ = 	snop  }
0x3b: {  	_ = 	snop  }
0x3c: {  	p2 =	seq.s32 s10, $0x1;
	s10 =	sld [smem:$0x3FB9]  }
0x3d: {  	_ =	shalt  }
0x3e: {  	_ =	shalt  }
0x3f: {  	_ =	shalt  }
0x40: {  	_ =	shalt  }
0x41: {  	_ =	shalt  }
0x42: {  	_ =	shalt  }
0x43: {  	_ =	shalt  }
0x44: {  	_ =	shalt  }
0x45: {  	_ =	shalt  }
0x46: {  	_ =	shalt  }
0x47: {  	_ =	shalt  }
0x48: {  	_ =	shalt  }
0x49: {  	_ =	shalt  }
0x4a: {  	_ =	shalt  }
0x4b: {  	_ =	shalt  }
0x4c: {  	_ =	shalt  }
0x4d: {  	_ =	shalt  }
0x4e: {  	_ =	shalt  }
0x4f: {  	_ =	shalt  }
0x50: {  	_ =	shalt  }
0x51: {  	_ =	shalt  }
0x52: {  	_ =	shalt  }
0x53: {  	_ =	shalt  }
0x54: {  	_ =	shalt  }
0x55: {  	_ =	shalt  }
0x56: {  	_ =	shalt  }
0x57: {  	_ =	shalt  }
0x58: {  	_ =	shalt  }
0x59: {  	_ =	shalt  }
0x5a: {  	_ =	shalt  }
0x5b: {  	_ =	shalt  }
0x5c: {  	_ =	shalt  }
0x5d: {  	_ =	shalt  }
0x5e: {  	_ =	shalt  }
0x5f: {  	_ =	shalt  }
0x60: {  	_ =	shalt  }
0x61: {  	_ =	shalt  }
0x62: {  	_ =	shalt  }
0x63: {  	_ =	shalt  }
0x64: {  	_ =	shalt  }
0x65: {  	_ =	shalt  }
0x66: {  	_ =	shalt  }
0x67: {  	_ =	shalt  }
0x68: {  	_ =	shalt  }
0x69: {  	_ =	shalt  }
0x6a: {  	_ =	shalt  }
0x6b: {  	_ =	shalt  }
0x6c: {  	_ =	shalt  }
0x6d: {  	_ =	shalt  }
0x6e: {  	_ =	shalt  }
0x6f: {  	_ =	shalt  }
0x70: {  	_ =	shalt  }
0x71: {  	_ =	shalt  }
0x72: {  	_ =	shalt  }
0x73: {  	_ =	shalt  }
0x74: {  	_ =	shalt  }
0x75: {  	_ =	shalt  }
0x76: {  	_ =	shalt  }
0x77: {  	_ =	shalt  }
0x78: {  	_ =	shalt  }
0x79: {  	_ =	shalt  }
0x7a: {  	_ =	shalt  }
0x7b: {  	_ =	shalt  }
0x7c: {  	_ =	shalt  }
0x7d: {  	_ =	shalt  }
0x7e: {  	_ =	shalt  }
0x7f: {  	_ =	shalt  }
0x80: {  	_ =	shalt  }
0x81: {  	_ =	shalt  }
0x82: {  	_ =	shalt  }
0x83: {  	_ =	shalt  }
0x84: {  	_ =	shalt  }
0x85: {  	_ =	shalt  }
0x86: {  	_ =	shalt  }
0x87: {  	_ =	shalt  }
.Lfunc_end0:
.L_simem_size_0:
called_computation_lowered:
.L_overlay_start_0:
0x88: {  	s2 =	sld [smem:$0x3FD9]  }
0x89: {  	s3 =	sld [smem:$0x3FFE];
	_ =	sdelay $0x1  }
0x8a: {  	s1 =	srdreg.scid  }
0x8b: {  	s0 =	sand.u32 $0x1, s1  }
0x8c: {  	s14 =	sshll.u32 s0, $0xA;
	s2 =	sadd.s32 s3, s2  }
0x8d: {  	s2 =	sadd.s32 s2, s14  }
0x8e: {  	[smem:$0x3FC5] =	sst s2  }
0x8f: {  	_ = 	snop  }
0x90: {  	s2 =	sld [smem:$0x3FD0];
	_ =	sdelay $0x2  }
0x91: {  	s15 =	simm.s32 $0xA;
	s4 =	simm.s32 $0x10  }
0x92: {  	[smem:s4], [sflag:s15] =	dma.local [hbm:s2], $0x1  }
0x93: {  	_ =	swait.eq [sflag:s15], $0x1  }
0x94: {  	[sflag:s15] =	ssyncset.done $0x0  }
0x95: {  	s16 =	sld [smem:$0x10];
	[sflag:s15] =	ssyncadd.s32 $0xFFFFFFFF  }
0x96: {  	s17 =	sld [smem:$0x11];
	(tm) =	ssettm $0x1  }
0x97: {  	s18 =	sld [smem:$0x3FFB];
	_ =	sdelay $0x3  }
0x98: {  	_ =	strace s18  }
0x99: {  	s4 =	sld [smem:$0x3FFC];
	_ =	sdelay $0x3  }
0x9a: {  	_ =	strace s4  }
0x9b: {  	s4 =	sld [smem:$0x3FFD];
	_ =	sdelay $0x3  }
0x9c: {  	_ =	strace s4  }
0x9d: {  	_ =	strace $0x8FFFFFFF  }
0x9e: {  	s19 =	sld [smem:$0x3FDB];
	_ =	sdelay $0x1  }
0x9f: {  	s5 =	simm.s32 $_scs_section_size  }
0xa0: {  	s6 =	simm.s32 $_size__tile_overlayer_lowered;
	s7 =	simm.s32 $_tile_overlayer_lowered  }
0xa1: {  	s22 =	simm.s32 $0x1BFF;
	s21 =	sshll.u32 s7, $0x1;
	s4 =	sadd.s32 s5, s19  }
0xa2: {  	s8 =	simm.s32 $0x0;
	s20 =	sshll.u32 s6, $0x1;
	s6 =	sadd.s32 s21, s4  }
0xa3: {  	[timem:s8], [sflag:s22] =	dma.local [hbm:s6], s20  }
0xa4: {  	_ =	swait.ge [sflag:s22], s20  }
0xa5: {  	s5 =	ssub.s32 $0x0, s20;
	[sflag:s22] =	ssyncset.done $0x0  }
0xa6: {  	[sflag:s22] =	ssyncadd.s32 s5;
	_ =	sdelay $0x1  }
0xa7: {  	s23 =	simm.s32 $0x1B8B  }
0xa8: {  	_ =	swait.ge [sflag:s23], $0x1  }
0xa9: {  	[sflag:s23] =	ssyncset.done $0x0  }
0xaa: {  	s25 =	simm.s32 $0x1B8E;
	s24 =	sld [smem:$0x3FFE];
	[sflag:s23] =	ssyncadd.s32 $0xFFFFFFFF  }
0xab: {  	s26 =	simm.s32 $execute0_lowered;
	[smem:$0x3FD2] =	sst s25  }
0xac: {  	s6 =	sshll.u32 s26, $0x1;
	_ =	strace $0x80000046;
	[dreg:$0x1] =	wrdreg $0xFFFFFFFF  }
0xad: {  	s28 =	simm.s32 $_size_execute0_lowered;
	s4 =	sadd.s32 s4, s6;
	[dreg:$0x0] =	wrdreg $0x0  }
0xae: {  	s6 =	sshll.u32 s28, $0x1;
	[dreg:$0x2] =	wrdreg s4  }
0xaf: {  	[dreg:$0x3] =	wrdreg s6  }
0xb0: {  	[dreg:$0x4] =	wrdreg $0xC0  }
0xb1: {  	_ =	task [dreg:s8], $0x5FFFF  }
0xb2: {  	[dreg:$0x1] =	wrdreg $0xFFFFFFFF  }
0xb3: {  	[dreg:$0x0] =	wrdreg $0x60  }
0xb4: {  	[dreg:$0x2] =	wrdreg s16  }
0xb5: {  	[dreg:$0x3] =	wrdreg s24  }
0xb6: {  	[dreg:$0x4] =	wrdreg s17  }
0xb7: {  	[dreg:$0x5] =	wrdreg $0x9000  }
0xb8: {  	[dreg:$0x6] =	wrdreg $0x9  }
0xb9: {  	_ =	task.clear_ibuf [dreg:s8], $0x7FFFF;
	_ =	strace $0x90000046  }
0xba: {  	s29 =	simm.s32 $0x9;
	_ =	strace $0x80000048  }
0xbb: {  	_ =	swait.ge [sflag:s29], $0x1  }
0xbc: {  	[sflag:s29] =	ssyncadd.s32 $0xFFFFFFFF  }
0xbd: {  	_ =	strace $0x90000048  }
0xbe: {  	_ =	sfence  }
0xbf: {  	s30 =	sld [smem:$0x0];
	_ =	sdelay $0x2  }
0xc0: {  	s31 =	sshll.u32 s1, $0xD;
	s1 =	sshrl.u32 s1, $0x2  }
0xc1: {  	s3 =	sand.u32 $0x4000, s31;
	s1 =	sadd.s32 s1, s30  }
0xc2: {  	s0 =	sor.u32 s3, s0;
	s1 =	sshll.u32 s1, $0x11  }
0xc3: {  	s0 =	sor.u32 s1, s0  }
0xc4: {  	s0 =	sadd.s32 $0x8F2B, s0  }
0xc5: {  	[sflag:s0] =	ssyncadd.remote.s32 $0x1  }
0xc6: {  	_ =	sfence.sel $0xFFFF  }
0xc7: {  	[dreg:$0x0] =	wrdreg $0xFFFFFFFF;
	(pc) =	sbr.abs _section_cstart, $3  }
0xc8: {  	[dreg:$0x1] =	wrdreg $0xFFFFFFFF  }
0xc9: {  	_ =	task.clear_ibuf [dreg:s8], $0x2FFFF;
	_ =	strace $0x9FFFFFFF  }
0xca: {  	(tm) =	ssettm $0x7FFFFFFF  }
0xcb: {  	_ =	shalt  }
tec
execute0_lowered:
.L_overlay_start_1:
0x0: {  	(tag) =	ssettag $0x1  }
0x1: {  	s9 =	rddreg [dreg:$0x0]  }
0x2: {  	s5 =	rddreg [dreg:$0x1]  }
0x3: {  	s7 =	rddreg [dreg:$0x2]  }
0x4: {  	s2 =	rddreg [dreg:$0x3]  }
0x5: {  	s0 =	rddreg [dreg:$0x4];
	s1 =	stileid.u32  }
0x6: {  	s3 =	simm.s32 $0x0;
	s4 =	srdreg.scid;
	s6 =	smul.u32 $0x6200, s1  }
0x7: {  	[smem:$0x7FF] =	sst s3;
	s13 =	smul.u32 $0xC40, s1  }
0x8: {  	s8 =	sand.u32 $0x1, s4;
	s4 =	sadd.s32 $0x2200, s5;
	s31 =	smul.u32 $0x1900, s1  }
0x9: {  	s29 =	sshll.u32 s1, $0x6;
	_ =	strace $0x80000047;
	s26 =	smul.u32 $0xC400, s8  }
0xa: {  	s10 =	ssub.s32 $0x2, s8;
	s28 =	smul.u32 $0x61A8, s8;
	s11 =	sshrl.u32 s6, $0x3  }
0xb: {  	s12 =	sshrl.u32 s10, $0x1;
	s14 =	sadd.s32 s6, s2;
	s6 =	sor.u32 $0x1C01, s29  }
0xc: {  	s9 =	sadd.s32 s31, s9;
	s5 =	sadd.s32 s11, s5;
	s10 =	ssub.s32 s10, s12  }
0xd: {  	s30 =	sadd.s32 s13, s26;
	s11 =	simm.s32 $0x1;
	s12 =	simm.s32 $0x100  }
0xe: {  	s13 =	simm.s32 $0x80;
	s5 =	sadd.s32 $0x2400, s5;
	s7 =	sadd.s32 s7, s30  }
0xf: {  	v0 =	vmov s28;
	s8 =	smax.u32 s10, $0x1;
	s10 =	sshrl.u32 s14, $0x3;
	s14 =	simm.s32 $0x0  }
.LBB2_1:
0x10: {  	[spmem:s10], [sflag:s6] =	dma.local [hbm:s5], $0xC40  }
0x11: {  	_ =	swait.ge [sflag:s11], $0xC40  }
0x12: {  	[sflag:s11] =	ssyncset.done $0x0  }
0x13: {  	[sflag:s11] =	ssyncadd.s32 $0xFFFFF3C0  }
0x14: {  	[tilespmem:s12], [sflag:$0x1] =	stream.linear.gather [hbm4b:s4+s3], $0x800, $0x38;
	[tilespmem:$0x6B10] =	vst v63  }
0x15: {  	_ =	swait.ge [sflag:s11], $0x800  }
0x16: {  	[sflag:s11] =	ssyncset.done $0x0  }
0x17: {  	[sflag:s11] =	ssyncadd.s32 $0xFFFFF800  }
0x18: {  	s15 =	sadd.s32 $0x0, s9;
	[bflag:$0x0] =	sbarrier.arrive $0xFFFF  }
0x19: {  	[tilespmem:s3], [sflag:$0x1] =	stream.linear.gather [hbm4b:s15+s3], $0x80, $0x38;
	[tilespmem:$0x6B10] =	vst v63  }
0x1a: {  	_ =	swait.ge [sflag:s11], $0x80  }
0x1b: {  	s17 =	simm.s32 $0x10;
	s16 =	simm.s32 $0x20;
	[sflag:s11] =	ssyncset.done $0x0  }
0x1c: {  	s18 =	simm.s32 $0x40;
	s15 =	simm.s32 $0x30;
	[sflag:s11] =	ssyncadd.s32 $0xFFFFFF80  }
.LBB2_2:
0x1d: {  	p0 =	sne.s32 s18, $0x18F0;
	v1 =	vld [tilespmem:$0x60];
	s19 =	smov.u32 s18;
	s18 =	sadd.s32 $0x10, s18  }
0x1e: {  	v2 =	vld [tilespmem:$0x40]  }
0x1f: {  	v3 =	vld [tilespmem:$0x10]  }
0x20: {  	v4 =	vld [tilespmem:$0x20]  }
0x21: {  	v5 =	vld [tilespmem:$0x30]  }
0x22: {  	v6 =	vld [tilespmem:$0x0]  }
0x23: {  	v2 =	vsub.s32 v2, v0;
	v7 =	vld [tilespmem:$0x50]  }
0x24: {  	v1 =	vsub.s32 v1, v0;
	v3 =	vsub.s32 v3, v0;
	vm0 =	vlt.u32 v2, $0x61A8;
	v8 =	vld [tilespmem:$0x70]  }
0x25: {  	vm1 =	vlt.u32 v3, $0x61A8;
	v4 =	vsub.s32 v4, v0;
	v2 =	vnsel vm0, $0x6200, v2  }
0x26: {  	vm0 =	vlt.u32 v1, $0x61A8;
	v3 =	vnsel vm1, $0x6200, v3;
	v5 =	vsub.s32 v5, v0;
	[tilespmem:$0xC0] =	vst v2  }
0x27: {  	vm1 =	vlt.u32 v4, $0x61A8;
	v1 =	vnsel vm0, $0x6200, v1;
	v2 =	vsub.s32 v6, v0;
	[tilespmem:$0x90] =	vst v3  }
0x28: {  	v3 =	vnsel vm1, $0x6200, v4;
	vm0 =	vlt.u32 v5, $0x61A8;
	v4 =	vsub.s32 v7, v0;
	[tilespmem:$0xE0] =	vst v1  }
0x29: {  	vm1 =	vlt.u32 v2, $0x61A8;
	v1 =	vnsel vm0, $0x6200, v5;
	[tilespmem:$0xA0] =	vst v3;
	vm0 =	vlt.u32 v4, $0x61A8  }
0x2a: {  	v2 =	vnsel vm1, $0x6200, v2;
	v3 =	vsub.s32 v8, v0;
	[tilespmem:$0xB0] =	vst v1;
	v1 =	vnsel vm0, $0x6200, v4  }
0x2b: {  	vm0 =	vlt.u32 v3, $0x61A8;
	[tilespmem:$0xD0] =	vst v1  }
0x2c: {  	v1 =	vnsel vm0, $0x6200, v3;
	[tilespmem:$0x80] =	vst v2  }
0x2d: {  	[tilespmem:$0xF0] =	vst v1  }
0x2e: {  	[spmem:s2] =	stream.indirect.scatter.add.f32 [tilespmem:s12], [sflag:$0x1], $0x10, s13, s13, $0xb8;
	[tilespmem:$0x6B10] =	vst v63  }
0x2f: {  	_ =	swait.ge [sflag:s11], $0x800  }
0x30: {  	[sflag:s11] =	ssyncset.done $0x0  }
.Ltmp0:
0x31: {  	s17 =	sadd.s32 s17, s9;
	[sflag:s11] =	ssyncadd.s32 $0xFFFFF800;
	(pc) =	sbr.rel @p0 .LBB2_2-.Ltmp0, $4  }
0x32: {  	[tilespmem:s3], [sflag:$0x1] =	stream.linear.gather [hbm4b:s17+s3], $0x80, $0x38;
	[tilespmem:$0x6B10] =	vst v63  }
0x33: {  	s17 =	smov.u32 s16;
	s16 =	smov.u32 s15;
	_ =	swait.ge [sflag:s11], $0x80  }
0x34: {  	s15 =	smov.u32 s19;
	[sflag:s11] =	ssyncset.done $0x0  }
0x35: {  	[sflag:s11] =	ssyncadd.s32 $0xFFFFFF80  }
0x36: {  	v1 =	vld [tilespmem:$0x40]  }
0x37: {  	v2 =	vld [tilespmem:$0x10]  }
0x38: {  	v3 =	vld [tilespmem:$0x60]  }
0x39: {  	v4 =	vld [tilespmem:$0x20]  }
0x3a: {  	v5 =	vld [tilespmem:$0x30]  }
0x3b: {  	v6 =	vld [tilespmem:$0x50];
	v1 =	vsub.s32 v1, v0  }
0x3c: {  	v7 =	vld [tilespmem:$0x0];
	v2 =	vsub.s32 v2, v0;
	vm0 =	vlt.u32 v1, $0x61A8  }
0x3d: {  	v8 =	vld [tilespmem:$0x70];
	v3 =	vsub.s32 v3, v0;
	vm1 =	vlt.u32 v2, $0x61A8;
	v1 =	vnsel vm0, $0x6200, v1  }
0x3e: {  	v4 =	vsub.s32 v4, v0;
	vm10 =	vlt.u32 v3, $0x61A8;
	v2 =	vnsel vm1, $0x6200, v2;
	[tilespmem:$0xC0] =	vst v1  }
0x3f: {  	vm11 =	vlt.u32 v4, $0x61A8;
	v1 =	vsub.s32 v5, v0;
	[tilespmem:$0x90] =	vst v2;
	v2 =	vnsel vm10, $0x6200, v3  }
0x40: {  	v45 =	vsub.s32 v6, v0;
	v3 =	vnsel vm11, $0x6200, v4;
	vm12 =	vlt.u32 v1, $0x61A8;
	[tilespmem:$0xE0] =	vst v2  }
0x41: {  	vm13 =	vlt.u32 v45, $0x61A8;
	v2 =	vsub.s32 v7, v0;
	[tilespmem:$0xA0] =	vst v3;
	v1 =	vnsel vm12, $0x6200, v1  }
0x42: {  	v3 =	vsub.s32 v8, v0;
	vm14 =	vlt.u32 v2, $0x61A8;
	[tilespmem:$0xB0] =	vst v1;
	v1 =	vnsel vm13, $0x6200, v45  }
0x43: {  	vm15 =	vlt.u32 v3, $0x61A8;
	v2 =	vnsel vm14, $0x6200, v2;
	[tilespmem:$0xD0] =	vst v1  }
0x44: {  	[tilespmem:$0x80] =	vst v2;
	v1 =	vnsel vm15, $0x6200, v3  }
0x45: {  	[tilespmem:$0xF0] =	vst v1  }
0x46: {  	[spmem:s2] =	stream.indirect.scatter.add.f32 [tilespmem:s12], [sflag:$0x1], $0x10, s13, s13, $0xb8;
	[tilespmem:$0x6B10] =	vst v63  }
0x47: {  	_ =	swait.ge [sflag:s11], $0x800  }
0x48: {  	[sflag:s11] =	ssyncset.done $0x0  }
0x49: {  	s17 =	sadd.s32 s17, s9;
	[sflag:s11] =	ssyncadd.s32 $0xFFFFF800  }
0x4a: {  	[tilespmem:s3], [sflag:$0x1] =	stream.linear.gather [hbm4b:s17+s3], $0x80, $0x38;
	[tilespmem:$0x6B10] =	vst v63  }
0x4b: {  	_ =	swait.ge [sflag:s11], $0x80  }
0x4c: {  	[sflag:s11] =	ssyncset.done $0x0  }
0x4d: {  	[sflag:s11] =	ssyncadd.s32 $0xFFFFFF80  }
0x4e: {  	v1 =	vld [tilespmem:$0x40]  }
0x4f: {  	v2 =	vld [tilespmem:$0x10]  }
0x50: {  	v3 =	vld [tilespmem:$0x60]  }
0x51: {  	v46 =	vld [tilespmem:$0x20]  }
0x52: {  	v47 =	vld [tilespmem:$0x30]  }
0x53: {  	v48 =	vld [tilespmem:$0x50];
	v1 =	vsub.s32 v1, v0  }
0x54: {  	v49 =	vld [tilespmem:$0x0];
	v2 =	vsub.s32 v2, v0;
	vm4 =	vlt.u32 v1, $0x61A8  }
0x55: {  	v50 =	vld [tilespmem:$0x70];
	v3 =	vsub.s32 v3, v0;
	vm5 =	vlt.u32 v2, $0x61A8;
	v1 =	vnsel vm4, $0x6200, v1  }
0x56: {  	v4 =	vsub.s32 v46, v0;
	vm6 =	vlt.u32 v3, $0x61A8;
	v2 =	vnsel vm5, $0x6200, v2;
	[tilespmem:$0xC0] =	vst v1  }
0x57: {  	vm7 =	vlt.u32 v4, $0x61A8;
	v1 =	vsub.s32 v47, v0;
	[tilespmem:$0x90] =	vst v2;
	v2 =	vnsel vm6, $0x6200, v3  }
0x58: {  	v51 =	vsub.s32 v48, v0;
	v3 =	vnsel vm7, $0x6200, v4;
	vm8 =	vlt.u32 v1, $0x61A8;
	[tilespmem:$0xE0] =	vst v2  }
0x59: {  	vm9 =	vlt.u32 v51, $0x61A8;
	v2 =	vsub.s32 v49, v0;
	[tilespmem:$0xA0] =	vst v3;
	v1 =	vnsel vm8, $0x6200, v1  }
0x5a: {  	v3 =	vsub.s32 v50, v0;
	vm10 =	vlt.u32 v2, $0x61A8;
	[tilespmem:$0xB0] =	vst v1;
	v1 =	vnsel vm9, $0x6200, v51  }
0x5b: {  	vm11 =	vlt.u32 v3, $0x61A8;
	v2 =	vnsel vm10, $0x6200, v2;
	[tilespmem:$0xD0] =	vst v1  }
0x5c: {  	[tilespmem:$0x80] =	vst v2;
	v1 =	vnsel vm11, $0x6200, v3  }
0x5d: {  	[tilespmem:$0xF0] =	vst v1  }
0x5e: {  	[spmem:s2] =	stream.indirect.scatter.add.f32 [tilespmem:s12], [sflag:$0x1], $0x10, s13, s13, $0xb8;
	[tilespmem:$0x6B10] =	vst v63  }
0x5f: {  	_ =	swait.ge [sflag:s11], $0x800  }
0x60: {  	[sflag:s11] =	ssyncset.done $0x0  }
0x61: {  	s16 =	sadd.s32 s16, s9;
	[sflag:s11] =	ssyncadd.s32 $0xFFFFF800  }
0x62: {  	[tilespmem:s3], [sflag:$0x1] =	stream.linear.gather [hbm4b:s16+s3], $0x80, $0x38;
	[tilespmem:$0x6B10] =	vst v63  }
0x63: {  	_ =	swait.ge [sflag:s11], $0x80  }
0x64: {  	[sflag:s11] =	ssyncset.done $0x0  }
0x65: {  	[sflag:s11] =	ssyncadd.s32 $0xFFFFFF80  }
0x66: {  	v1 =	vld [tilespmem:$0x40]  }
0x67: {  	v2 =	vld [tilespmem:$0x10]  }
0x68: {  	v3 =	vld [tilespmem:$0x60]  }
0x69: {  	v52 =	vld [tilespmem:$0x20]  }
0x6a: {  	v53 =	vld [tilespmem:$0x30]  }
0x6b: {  	v54 =	vld [tilespmem:$0x50];
	v1 =	vsub.s32 v1, v0  }
0x6c: {  	v55 =	vld [tilespmem:$0x0];
	v2 =	vsub.s32 v2, v0;
	vm12 =	vlt.u32 v1, $0x61A8  }
0x6d: {  	v56 =	vld [tilespmem:$0x70];
	v3 =	vsub.s32 v3, v0;
	vm13 =	vlt.u32 v2, $0x61A8;
	v1 =	vnsel vm12, $0x6200, v1  }
0x6e: {  	v4 =	vsub.s32 v52, v0;
	vm14 =	vlt.u32 v3, $0x61A8;
	v2 =	vnsel vm13, $0x6200, v2;
	[tilespmem:$0xC0] =	vst v1  }
0x6f: {  	vm15 =	vlt.u32 v4, $0x61A8;
	v1 =	vsub.s32 v53, v0;
	[tilespmem:$0x90] =	vst v2;
	v2 =	vnsel vm14, $0x6200, v3  }
0x70: {  	v57 =	vsub.s32 v54, v0;
	v3 =	vnsel vm15, $0x6200, v4;
	vm4 =	vlt.u32 v1, $0x61A8;
	[tilespmem:$0xE0] =	vst v2  }
0x71: {  	vm5 =	vlt.u32 v57, $0x61A8;
	v2 =	vsub.s32 v55, v0;
	[tilespmem:$0xA0] =	vst v3;
	v1 =	vnsel vm4, $0x6200, v1  }
0x72: {  	v3 =	vsub.s32 v56, v0;
	vm6 =	vlt.u32 v2, $0x61A8;
	[tilespmem:$0xB0] =	vst v1;
	v1 =	vnsel vm5, $0x6200, v57  }
0x73: {  	vm7 =	vlt.u32 v3, $0x61A8;
	v2 =	vnsel vm6, $0x6200, v2;
	[tilespmem:$0xD0] =	vst v1  }
0x74: {  	[tilespmem:$0x80] =	vst v2;
	v1 =	vnsel vm7, $0x6200, v3  }
0x75: {  	[tilespmem:$0xF0] =	vst v1  }
0x76: {  	[spmem:s2] =	stream.indirect.scatter.add.f32 [tilespmem:s12], [sflag:$0x1], $0x10, s13, s13, $0xb8;
	[tilespmem:$0x6B10] =	vst v63  }
0x77: {  	_ =	swait.ge [sflag:s11], $0x800  }
0x78: {  	[sflag:s11] =	ssyncset.done $0x0  }
0x79: {  	s15 =	sadd.s32 s15, s9;
	[sflag:s11] =	ssyncadd.s32 $0xFFFFF800  }
0x7a: {  	[tilespmem:s3], [sflag:$0x1] =	stream.linear.gather [hbm4b:s15+s3], $0x80, $0x38;
	[tilespmem:$0x6B10] =	vst v63  }
0x7b: {  	_ =	swait.ge [sflag:s11], $0x80  }
0x7c: {  	[sflag:s11] =	ssyncset.done $0x0  }
0x7d: {  	[sflag:s11] =	ssyncadd.s32 $0xFFFFFF80  }
0x7e: {  	v1 =	vld [tilespmem:$0x40]  }
0x7f: {  	v2 =	vld [tilespmem:$0x10]  }
0x80: {  	v3 =	vld [tilespmem:$0x60]  }
0x81: {  	v58 =	vld [tilespmem:$0x20]  }
0x82: {  	v59 =	vld [tilespmem:$0x30]  }
0x83: {  	v60 =	vld [tilespmem:$0x50];
	v1 =	vsub.s32 v1, v0  }
0x84: {  	v61 =	vld [tilespmem:$0x0];
	v2 =	vsub.s32 v2, v0;
	vm8 =	vlt.u32 v1, $0x61A8  }
0x85: {  	v62 =	vld [tilespmem:$0x70];
	v3 =	vsub.s32 v3, v0;
	vm9 =	vlt.u32 v2, $0x61A8;
	v1 =	vnsel vm8, $0x6200, v1  }
0x86: {  	v4 =	vsub.s32 v58, v0;
	vm10 =	vlt.u32 v3, $0x61A8;
	v2 =	vnsel vm9, $0x6200, v2;
	[tilespmem:$0xC0] =	vst v1  }
0x87: {  	vm11 =	vlt.u32 v4, $0x61A8;
	v1 =	vsub.s32 v59, v0;
	[tilespmem:$0x90] =	vst v2;
	v2 =	vnsel vm10, $0x6200, v3  }
0x88: {  	v63 =	vsub.s32 v60, v0;
	v3 =	vnsel vm11, $0x6200, v4;
	vm12 =	vlt.u32 v1, $0x61A8;
	[tilespmem:$0xE0] =	vst v2  }
0x89: {  	vm13 =	vlt.u32 v63, $0x61A8;
	v2 =	vsub.s32 v61, v0;
	[tilespmem:$0xA0] =	vst v3;
	v1 =	vnsel vm12, $0x6200, v1  }
0x8a: {  	v3 =	vsub.s32 v62, v0;
	vm14 =	vlt.u32 v2, $0x61A8;
	[tilespmem:$0xB0] =	vst v1;
	v1 =	vnsel vm13, $0x6200, v63  }
0x8b: {  	vm15 =	vlt.u32 v3, $0x61A8;
	v2 =	vnsel vm14, $0x6200, v2;
	[tilespmem:$0xD0] =	vst v1  }
0x8c: {  	[tilespmem:$0x80] =	vst v2;
	v1 =	vnsel vm15, $0x6200, v3  }
0x8d: {  	[tilespmem:$0xF0] =	vst v1  }
0x8e: {  	[spmem:s2] =	stream.indirect.scatter.add.f32 [tilespmem:s12], [sflag:$0x1], $0x10, s13, s13, $0xb8;
	[tilespmem:$0x6B10] =	vst v63  }
0x8f: {  	_ =	swait.ge [sflag:s11], $0x800  }
0x90: {  	s14 =	sadd.s32 $0x1, s14;
	[sflag:s11] =	ssyncset.done $0x0  }
0x91: {  	p0 =	sne.s32 s14, s8;
	[sflag:s11] =	ssyncadd.s32 $0xFFFFF800  }
.Ltmp1:
0x92: {  	[bflag:$0x0] =	sbarrier.arrive $0xFFFF;
	(pc) =	sbr.rel @p0 .LBB2_1-.Ltmp1, $4  }
0x93: {  	[hbm:s7], [sflag:s6] =	dma.local [spmem:s10], $0xC40  }
0x94: {  	_ =	swait.ge [sflag:s11], $0xC40  }
0x95: {  	[sflag:s11] =	ssyncset.done $0x0  }
0x96: {  	[sflag:s11] =	ssyncadd.s32 $0xFFFFF3C0  }
0x97: {  	_ =	sfence.sel $0x180000  }
0x98: {  	[bflag:$0x0] =	sbarrier.arrive $0xFFFF  }
0x99: {  	p0 =	sne.s32 s1, $0x0;
	_ =	strace $0x90000047  }
0x9a: {  	s0 =	sadd.s32 @!p0 $0x100000, s0;
	[bflag:$0x2] =	sbarrier.arrive $0xFFFF  }
0x9b: {  	[sflag:s0] =	ssyncadd.tile.s32 @!p0 $0x1;
	_ =	shalt  }
.Lfunc_end2:
_tile_overlayer_lowered:
.L_overlay_start_2:
0x9c: {  	(tag) =	ssettag $0x2  }
0x9d: {  	s0 =	rddreg [dreg:$0x0];
	s2 =	stileid.u32  }
0x9e: {  	s1 =	rddreg [dreg:$0x1];
	p0 =	sne.s32 s2, $0x0  }
0x9f: {  	s3 =	rddreg [dreg:$0x2];
	[bflag:$0x3] =	sbarrier.arrive $0xFFFF;
	s2 =	simm.s32 @!p0 $0x1C01  }
0xa0: {  	[timem:s3], [sflag:s2] =	dma.local @!p0 [hbm:s0], s1  }
0xa1: {  	s0 =	simm.s32 @!p0 $0x1  }
0xa2: {  	_ =	swait.ge @!p0 [sflag:s0], s1  }
0xa3: {  	s1 =	ssub.s32 @!p0 $0x0, s1;
	[sflag:s0] =	ssyncset.done @!p0 $0x0  }
0xa4: {  	[sflag:s0] =	ssyncadd.s32 @!p0 s1  }
0xa5: {  	[bflag:$0x3] =	sbarrier.arrive $0xFFFF  }
0xa6: {  	_ =	shalt  }

// kernel: kernel.13.cloned.1.call-start
scs
__scs_entry_jumppad:
0x0: {  	(pc) =	sbr.rel $0x88, $3  }
0x1: {  	(tag) =	ssettag $0x0;
	lr =	simm.s32 $0x1  }
0x2: {  	[smem:$0x3F9E] =	sst lr;
	_ =	strace $0xD0000000  }
0x3: {  	_ = 	snop  }
0x4: {  	_ = 	snop  }
0x5: {  	_ = 	snop  }
0x6: {  	_ = 	snop  }
0x7: {  	_ = 	snop  }
__scs_overlays_trampoline_lowered:
0x8: {  	[smem:$0x3FAD] =	sst s0  }
0x9: {  	[smem:$0x3FAE] =	sst s1  }
0xa: {  	[smem:$0x3FAF] =	sst s2  }
0xb: {  	[smem:$0x3FB0] =	sst s3  }
0xc: {  	[smem:$0x3FB1] =	sst s4  }
0xd: {  	[smem:$0x3FB2] =	sst s5  }
0xe: {  	[smem:$0x3FB3] =	sst s6  }
0xf: {  	[smem:$0x3FB4] =	sst s7  }
0x10: {  	[smem:$0x3FB5] =	sst s8  }
0x11: {  	[smem:$0x3FB6] =	sst s9;
	s0 =	simm.s32 @!p0 $0x0  }
0x12: {  	s1 =	sld [smem:$0x3F9C];
	s0 =	simm.s32 @p0 $0x1  }
0x13: {  	[smem:$0x3FB7] =	sst s0;
	s0 =	simm.s32 @!p1 $0x0  }
0x14: {  	s2 =	sld [smem:$0x3F9B];
	s0 =	simm.s32 @p1 $0x1  }
0x15: {  	[smem:$0x3FB8] =	sst s0;
	s0 =	simm.s32 @!p2 $0x0  }
0x16: {  	s3 =	sld [smem:$0x3FDB];
	s0 =	simm.s32 @p2 $0x1  }
0x17: {  	s4 =	simm.s32 $0x1BF5;
	[smem:$0x3FBA] =	sst s0  }
0x18: {  	s0 =	sld [smem:$0x3F9D];
	_ =	swait.ge [sflag:s4], $0x0  }
0x19: {  	s7 =	sld [smem:$0x3F9E]  }
0x1a: {  	s8 =	sadd.s32 $0xFFFFE003, lr  }
0x1b: {  	s9 =	sadd.s32 $0xFFFFFEF7, lr;
	s5 =	simm.s32 $0xFFFFFFFF;
	p2 =	slt.u32 s8, $0xFFFFF086  }
0x1c: {  	p1 =	slt.u32 s9, $0xF7A;
	s5 =	simm.s32 @!p2 $0x0  }
0x1d: {  	s5 =	simm.s32 @p1 $0x1;
	p0 =	seq.s32 s7, s2  }
0x1e: {  	s7 =	smul.u32 @!p0 $0xF7A, s2;
	p2 =	seq.s32 @!p0 s5, $0x0  }
0x1f: {  	s9 =	smul.u32 $0xF7A, s1;
	s8 =	simm.s32 @!p0 $0x1BF5;
	p2 =	por !p2, p0  }
0x20: {  	[sflag:s8] =	ssyncset.s32 @!p0 $0xFFFFF086;
	s6 =	sadd.s32 @!p0 s3, s7;
	s7 =	simm.s32 @!p0 $0x108  }
0x21: {  	s3 =	sadd.s32 s3, s9;
	s6 =	sadd.s32 @!p0 $0x88, s6;
	s7 =	simm.s32 @p2 $0x1082  }
0x22: {  	[simem:s7], [sflag:s8] =	dma.local @!p0 [hbm:s6], $0xF7A  }
0x23: {  	s9 =	sor.u32 $0xD0000000, s2;
	s6 =	simm.s32 $0x108;
	_ =	swait.ge @!p0 [sflag:s8], $0x0  }
0x24: {  	s3 =	sadd.s32 $0x88, s3;
	s6 =	simm.s32 @!p1 $0x1082;
	[sflag:s4] =	ssyncset.s32 $0xFFFFF086  }
0x25: {  	[simem:s6], [sflag:s4] =	dma.local [hbm:s3], $0xF7A  }
0x26: {  	[smem:$0x3F9E] =	sst s1;
	(tag) =	ssettag s2;
	_ =	strace s9  }
0x27: {  	s1 =	sld [smem:$0x3FAE]  }
0x28: {  	s2 =	sld [smem:$0x3FAF]  }
0x29: {  	s4 =	sld [smem:$0x3FB1]  }
0x2a: {  	p0 =	seq.s32 s5, $0x0;
	s5 =	sld [smem:$0x3FB2]  }
0x2b: {  	s6 =	sld [smem:$0x3FB3]  }
0x2c: {  	s7 =	sld [smem:$0x3FB4]  }
0x2d: {  	s3 =	simm.s32 $0x108;
	s8 =	sld [smem:$0x3FB5]  }
0x2e: {  	s3 =	simm.s32 @!p0 $0x1082;
	s9 =	sld [smem:$0x3FB6]  }
0x2f: {  	lr =	sadd.s32 s0, s3;
	s0 =	sld [smem:$0x3FAD]  }
0x30: {  	s3 =	sld [smem:$0x3FB0]  }
0x31: {  	[smem:$0x3FB9] =	sst s10  }
0x32: {  	s10 =	sld [smem:$0x3FB7];
	_ =	sdelay $0x3  }
0x33: {  	p0 =	seq.s32 s10, $0x1;
	s10 =	sld [smem:$0x3FB9];
	_ =	sdelay $0x3  }
0x34: {  	[smem:$0x3FB9] =	sst s10  }
0x35: {  	s10 =	sld [smem:$0x3FB8];
	_ =	sdelay $0x3  }
0x36: {  	p1 =	seq.s32 s10, $0x1;
	s10 =	sld [smem:$0x3FB9];
	_ =	sdelay $0x3  }
0x37: {  	[smem:$0x3FB9] =	sst s10  }
0x38: {  	s10 =	sld [smem:$0x3FBA]  }
0x39: {  	_ = 	snop;
	(pc) =	sbr.ind lr, $3  }
0x3a: {  	_ = 	snop  }
0x3b: {  	_ = 	snop  }
0x3c: {  	p2 =	seq.s32 s10, $0x1;
	s10 =	sld [smem:$0x3FB9]  }
0x3d: {  	_ =	shalt  }
0x3e: {  	_ =	shalt  }
0x3f: {  	_ =	shalt  }
0x40: {  	_ =	shalt  }
0x41: {  	_ =	shalt  }
0x42: {  	_ =	shalt  }
0x43: {  	_ =	shalt  }
0x44: {  	_ =	shalt  }
0x45: {  	_ =	shalt  }
0x46: {  	_ =	shalt  }
0x47: {  	_ =	shalt  }
0x48: {  	_ =	shalt  }
0x49: {  	_ =	shalt  }
0x4a: {  	_ =	shalt  }
0x4b: {  	_ =	shalt  }
0x4c: {  	_ =	shalt  }
0x4d: {  	_ =	shalt  }
0x4e: {  	_ =	shalt  }
0x4f: {  	_ =	shalt  }
0x50: {  	_ =	shalt  }
0x51: {  	_ =	shalt  }
0x52: {  	_ =	shalt  }
0x53: {  	_ =	shalt  }
0x54: {  	_ =	shalt  }
0x55: {  	_ =	shalt  }
0x56: {  	_ =	shalt  }
0x57: {  	_ =	shalt  }
0x58: {  	_ =	shalt  }
0x59: {  	_ =	shalt  }
0x5a: {  	_ =	shalt  }
0x5b: {  	_ =	shalt  }
0x5c: {  	_ =	shalt  }
0x5d: {  	_ =	shalt  }
0x5e: {  	_ =	shalt  }
0x5f: {  	_ =	shalt  }
0x60: {  	_ =	shalt  }
0x61: {  	_ =	shalt  }
0x62: {  	_ =	shalt  }
0x63: {  	_ =	shalt  }
0x64: {  	_ =	shalt  }
0x65: {  	_ =	shalt  }
0x66: {  	_ =	shalt  }
0x67: {  	_ =	shalt  }
0x68: {  	_ =	shalt  }
0x69: {  	_ =	shalt  }
0x6a: {  	_ =	shalt  }
0x6b: {  	_ =	shalt  }
0x6c: {  	_ =	shalt  }
0x6d: {  	_ =	shalt  }
0x6e: {  	_ =	shalt  }
0x6f: {  	_ =	shalt  }
0x70: {  	_ =	shalt  }
0x71: {  	_ =	shalt  }
0x72: {  	_ =	shalt  }
0x73: {  	_ =	shalt  }
0x74: {  	_ =	shalt  }
0x75: {  	_ =	shalt  }
0x76: {  	_ =	shalt  }
0x77: {  	_ =	shalt  }
0x78: {  	_ =	shalt  }
0x79: {  	_ =	shalt  }
0x7a: {  	_ =	shalt  }
0x7b: {  	_ =	shalt  }
0x7c: {  	_ =	shalt  }
0x7d: {  	_ =	shalt  }
0x7e: {  	_ =	shalt  }
0x7f: {  	_ =	shalt  }
0x80: {  	_ =	shalt  }
0x81: {  	_ =	shalt  }
0x82: {  	_ =	shalt  }
0x83: {  	_ =	shalt  }
0x84: {  	_ =	shalt  }
0x85: {  	_ =	shalt  }
0x86: {  	_ =	shalt  }
0x87: {  	_ =	shalt  }
.Lfunc_end0:
.L_simem_size_0:
called_computation.1_lowered:
.L_overlay_start_0:
0x88: {  	s2 =	sld [smem:$0x3FD9]  }
0x89: {  	s3 =	sld [smem:$0x3FFE];
	_ =	sdelay $0x1  }
0x8a: {  	s1 =	srdreg.scid  }
0x8b: {  	s0 =	sand.u32 $0x1, s1  }
0x8c: {  	s14 =	sshll.u32 s0, $0xA;
	s2 =	sadd.s32 s3, s2  }
0x8d: {  	s2 =	sadd.s32 s2, s14  }
0x8e: {  	[smem:$0x3FC5] =	sst s2  }
0x8f: {  	_ = 	snop  }
0x90: {  	s2 =	sld [smem:$0x3FD0];
	_ =	sdelay $0x2  }
0x91: {  	s15 =	simm.s32 $0xA;
	s4 =	simm.s32 $0x10  }
0x92: {  	[smem:s4], [sflag:s15] =	dma.local [hbm:s2], $0x1  }
0x93: {  	_ =	swait.eq [sflag:s15], $0x1  }
0x94: {  	[sflag:s15] =	ssyncset.done $0x0  }
0x95: {  	s16 =	sld [smem:$0x10];
	[sflag:s15] =	ssyncadd.s32 $0xFFFFFFFF  }
0x96: {  	s17 =	sld [smem:$0x11];
	(tm) =	ssettm $0x1  }
0x97: {  	s18 =	sld [smem:$0x3FFB];
	_ =	sdelay $0x3  }
0x98: {  	_ =	strace s18  }
0x99: {  	s4 =	sld [smem:$0x3FFC];
	_ =	sdelay $0x3  }
0x9a: {  	_ =	strace s4  }
0x9b: {  	s4 =	sld [smem:$0x3FFD];
	_ =	sdelay $0x3  }
0x9c: {  	_ =	strace s4  }
0x9d: {  	_ =	strace $0x8FFFFFFF  }
0x9e: {  	s19 =	sld [smem:$0x3FDB];
	_ =	sdelay $0x1  }
0x9f: {  	s5 =	simm.s32 $_scs_section_size  }
0xa0: {  	s6 =	simm.s32 $_size__tile_overlayer_lowered;
	s7 =	simm.s32 $_tile_overlayer_lowered  }
0xa1: {  	s22 =	simm.s32 $0x1BFF;
	s21 =	sshll.u32 s7, $0x1;
	s4 =	sadd.s32 s5, s19  }
0xa2: {  	s8 =	simm.s32 $0x0;
	s20 =	sshll.u32 s6, $0x1;
	s6 =	sadd.s32 s21, s4  }
0xa3: {  	[timem:s8], [sflag:s22] =	dma.local [hbm:s6], s20  }
0xa4: {  	_ =	swait.ge [sflag:s22], s20  }
0xa5: {  	s5 =	ssub.s32 $0x0, s20;
	[sflag:s22] =	ssyncset.done $0x0  }
0xa6: {  	[sflag:s22] =	ssyncadd.s32 s5;
	_ =	sdelay $0x1  }
0xa7: {  	s23 =	simm.s32 $0x1B8B  }
0xa8: {  	_ =	swait.ge [sflag:s23], $0x1  }
0xa9: {  	[sflag:s23] =	ssyncset.done $0x0  }
0xaa: {  	s25 =	simm.s32 $0x1B8E;
	s24 =	sld [smem:$0x3FFE];
	[sflag:s23] =	ssyncadd.s32 $0xFFFFFFFF  }
0xab: {  	s26 =	simm.s32 $execute0_lowered;
	[smem:$0x3FD2] =	sst s25  }
0xac: {  	s6 =	sshll.u32 s26, $0x1;
	_ =	strace $0x80000049;
	[dreg:$0x1] =	wrdreg $0xFFFFFFFF  }
0xad: {  	s28 =	simm.s32 $_size_execute0_lowered;
	s4 =	sadd.s32 s4, s6;
	[dreg:$0x0] =	wrdreg $0x0  }
0xae: {  	s6 =	sshll.u32 s28, $0x1;
	[dreg:$0x2] =	wrdreg s4  }
0xaf: {  	[dreg:$0x3] =	wrdreg s6  }
0xb0: {  	[dreg:$0x4] =	wrdreg $0xC0  }
0xb1: {  	_ =	task [dreg:s8], $0x5FFFF  }
0xb2: {  	[dreg:$0x1] =	wrdreg $0xFFFFFFFF  }
0xb3: {  	[dreg:$0x0] =	wrdreg $0x60  }
0xb4: {  	[dreg:$0x2] =	wrdreg s24  }
0xb5: {  	[dreg:$0x3] =	wrdreg s16  }
0xb6: {  	[dreg:$0x4] =	wrdreg s17  }
0xb7: {  	[dreg:$0x5] =	wrdreg $0x22000  }
0xb8: {  	[dreg:$0x6] =	wrdreg $0x9  }
0xb9: {  	_ =	task.clear_ibuf [dreg:s8], $0x7FFFF;
	_ =	strace $0x90000049  }
0xba: {  	s29 =	simm.s32 $0x9;
	_ =	strace $0x8000004B  }
0xbb: {  	_ =	swait.ge [sflag:s29], $0x1  }
0xbc: {  	[sflag:s29] =	ssyncadd.s32 $0xFFFFFFFF  }
0xbd: {  	_ =	strace $0x9000004B  }
0xbe: {  	_ =	sfence  }
0xbf: {  	s30 =	sld [smem:$0x0];
	_ =	sdelay $0x2  }
0xc0: {  	s31 =	sshll.u32 s1, $0xD;
	s1 =	sshrl.u32 s1, $0x2  }
0xc1: {  	s3 =	sand.u32 $0x4000, s31;
	s1 =	sadd.s32 s1, s30  }
0xc2: {  	s0 =	sor.u32 s3, s0;
	s1 =	sshll.u32 s1, $0x11  }
0xc3: {  	s0 =	sor.u32 s1, s0  }
0xc4: {  	s0 =	sadd.s32 $0x8F2B, s0  }
0xc5: {  	[sflag:s0] =	ssyncadd.remote.s32 $0x1  }
0xc6: {  	_ =	sfence.sel $0xFFFF  }
0xc7: {  	[dreg:$0x0] =	wrdreg $0xFFFFFFFF;
	(pc) =	sbr.abs _section_cstart, $3  }
0xc8: {  	[dreg:$0x1] =	wrdreg $0xFFFFFFFF  }
0xc9: {  	_ =	task.clear_ibuf [dreg:s8], $0x2FFFF;
	_ =	strace $0x9FFFFFFF  }
0xca: {  	(tm) =	ssettm $0x7FFFFFFF  }
0xcb: {  	_ =	shalt  }
tec
execute0_lowered:
.L_overlay_start_1:
0x0: {  	(tag) =	ssettag $0x1  }
0x1: {  	s5 =	rddreg [dreg:$0x0]  }
0x2: {  	s10 =	rddreg [dreg:$0x1]  }
0x3: {  	s6 =	rddreg [dreg:$0x2]  }
0x4: {  	s2 =	rddreg [dreg:$0x3]  }
0x5: {  	s0 =	rddreg [dreg:$0x4];
	s3 =	simm.s32 $0x0;
	s1 =	stileid.u32  }
0x6: {  	s4 =	srdreg.scid;
	s15 =	simm.s32 $0x200;
	s8 =	smul.u32 $0x3100, s1  }
0x7: {  	s17 =	simm.s32 $0x100;
	s18 =	simm.s32 $0x0;
	s11 =	smul.u32 $0x1900, s1  }
0x8: {  	[smem:$0x7FF] =	sst s3;
	s7 =	sand.u32 $0x1, s4;
	s13 =	smul.u32 $0x18800, s1  }
0x9: {  	s4 =	sadd.s32 $0x27800, s5;
	s30 =	sshll.u32 s1, $0x6;
	s9 =	smul.u32 $0x31000, s7  }
0xa: {  	_ =	strace $0x8000004A;
	s12 =	ssub.s32 $0x2, s7;
	s16 =	smul.u32 $0x61A8, s7  }
0xb: {  	s28 =	sshrl.u32 s12, $0x1;
	s14 =	sadd.s32 s11, s5;
	s29 =	sshrl.u32 s13, $0x3  }
0xc: {  	s31 =	sadd.s32 s13, s2;
	s10 =	sadd.s32 s11, s10;
	s13 =	simm.s32 $0x80  }
0xd: {  	s8 =	sadd.s32 s8, s9;
	s9 =	ssub.s32 s12, s28;
	s11 =	sshrl.u32 s31, $0x3  }
0xe: {  	s12 =	simm.s32 $0x2;
	v0 =	vmov s16;
	s16 =	simm.s32 $0x1;
	s8 =	sadd.s32 s8, s5  }
0xf: {  	s5 =	sadd.s32 s6, s29;
	s6 =	sor.u32 $0x1C02, s30;
	s7 =	sadd.s32 $0x89800, s8  }
0x10: {  	s8 =	smax.u32 s9, $0x1;
	s9 =	sadd.s32 $0xE800, s14;
	s14 =	simm.s32 $0x180  }
.LBB2_1:
0x11: {  	[spmem:s11], [sflag:s6] =	dma.local [hbm:s5], $0x3100  }
0x12: {  	_ =	swait.ge [sflag:s12], $0x3100  }
0x13: {  	[sflag:s12] =	ssyncset.done $0x0  }
0x14: {  	[sflag:s12] =	ssyncadd.s32 $0xFFFFCF00  }
0x15: {  	s19 =	sadd.s32 $0x0, s10;
	[bflag:$0x0] =	sbarrier.arrive $0xFFFF  }
0x16: {  	[tilespmem:s3], [sflag:$0x2] =	stream.linear.gather [hbm4b:s19+s3], $0x80, $0x38;
	[tilespmem:$0x1AA40] =	vst v63  }
0x17: {  	_ =	swait.ge [sflag:s12], $0x80  }
0x18: {  	[sflag:s12] =	ssyncset.done $0x0  }
0x19: {  	s31 =	sadd.s32 $0x0, s9;
	[sflag:s12] =	ssyncadd.s32 $0xFFFFFF80  }
0x1a: {  	[tilespmem:s13], [sflag:$0x2] =	stream.linear.gather [hbm4b:s31+s3], $0x80, $0x38;
	[tilespmem:$0x1AA40] =	vst v63  }
0x1b: {  	_ =	swait.ge [sflag:s12], $0x80  }
0x1c: {  	[sflag:s12] =	ssyncset.done $0x0  }
0x1d: {  	[sflag:s12] =	ssyncadd.s32 $0xFFFFFF80  }
0x1e: {  	v1 =	vld [tilespmem:$0x60]  }
0x1f: {  	v4 =	vld [tilespmem:$0xD0]  }
0x20: {  	v3 =	vld [tilespmem:$0x70]  }
0x21: {  	v2 =	vld [tilespmem:$0xF0]  }
0x22: {  	v5 =	vld [tilespmem:$0x80]  }
0x23: {  	v6 =	vld [tilespmem:$0x30]  }
0x24: {  	v12 =	vld [tilespmem:$0x10];
	v1 =	vsub.s32 v1, v0;
	vm1 =	vgt.s32 v4, $0x61A7;
	v11 =	vadd.s32 $0x58, v4  }
0x25: {  	v8 =	vld [tilespmem:$0x50];
	v3 =	vsub.s32 v3, v0;
	vm0 =	vlt.u32 v1, $0x61A8;
	v4 =	vsel vm1, v11, v4  }
0x26: {  	v7 =	vld [tilespmem:$0x40];
	v9 =	vadd.s32 $0x58, v2;
	vm15 =	vlt.u32 v3, $0x61A8;
	v1 =	vnsel vm0, $0x6200, v1;
	[tilespmem:$0x1D0] =	vst v4  }
0x27: {  	v10 =	vld [tilespmem:$0x90];
	vm4 =	vgt.s32 v2, $0x61A7;
	vm2 =	vgt.s32 v5, $0x61A7;
	[tilespmem:$0x160] =	vst v1;
	v1 =	vnsel vm15, $0x6200, v3  }
0x28: {  	v6 =	vsub.s32 v6, v0;
	v3 =	vadd.s32 $0x58, v5;
	[tilespmem:$0x170] =	vst v1;
	v1 =	vsel vm4, v9, v2;
	v2 =	vld [tilespmem:$0x0]  }
0x29: {  	v54 =	vld [tilespmem:$0xA0];
	v58 =	vsub.s32 v12, v0;
	vm6 =	vlt.u32 v6, $0x61A8;
	v3 =	vsel vm2, v3, v5;
	[tilespmem:$0x1F0] =	vst v1  }
0x2a: {  	vm9 =	vlt.u32 v58, $0x61A8;
	v6 =	vnsel vm6, $0x6200, v6;
	v1 =	vld [tilespmem:$0xC0];
	[tilespmem:$0x180] =	vst v3;
	v3 =	vsub.s32 v8, v0  }
0x2b: {  	v55 =	vld [tilespmem:$0xB0];
	v53 =	vsub.s32 v7, v0;
	v59 =	vnsel vm9, $0x6200, v58;
	[tilespmem:$0x130] =	vst v6;
	vm7 =	vlt.u32 v3, $0x61A8  }
0x2c: {  	v56 =	vld [tilespmem:$0xE0];
	vm8 =	vgt.s32 v10, $0x61A7;
	vm5 =	vlt.u32 v53, $0x61A8;
	[tilespmem:$0x110] =	vst v59;
	v3 =	vnsel vm7, $0x6200, v3  }
0x2d: {  	v57 =	vadd.s32 $0x58, v10;
	v5 =	vnsel vm5, $0x6200, v53;
	[tilespmem:$0x150] =	vst v3;
	v3 =	vld [tilespmem:$0x20];
	v2 =	vsub.s32 v2, v0  }
0x2e: {  	vm12 =	vgt.s32 v54, $0x61A7;
	[tilespmem:$0x140] =	vst v5;
	v8 =	vsel vm8, v57, v10;
	vm11 =	vlt.u32 v2, $0x61A8  }
0x2f: {  	[tilespmem:$0x190] =	vst v8;
	vm10 =	vgt.s32 v1, $0x61A7;
	v63 =	vadd.s32 $0x58, v1;
	v2 =	vnsel vm11, $0x6200, v2  }
0x30: {  	v60 =	vadd.s32 $0x58, v54;
	vm13 =	vgt.s32 v55, $0x61A7;
	v1 =	vsel vm10, v63, v1;
	[tilespmem:$0x100] =	vst v2  }
0x31: {  	v61 =	vadd.s32 $0x58, v55;
	vm14 =	vgt.s32 v56, $0x61A7;
	v2 =	vsel vm12, v60, v54;
	[tilespmem:$0x1C0] =	vst v1  }
0x32: {  	v62 =	vadd.s32 $0x58, v56;
	[tilespmem:$0x1A0] =	vst v2;
	v2 =	vsel vm13, v61, v55;
	v3 =	vsub.s32 v3, v0  }
0x33: {  	[tilespmem:$0x1B0] =	vst v2;
	v2 =	vsel vm14, v62, v56;
	vm15 =	vlt.u32 v3, $0x61A8  }
0x34: {  	[tilespmem:$0x1E0] =	vst v2;
	v2 =	vnsel vm15, $0x6200, v3  }
0x35: {  	s20 =	simm.s32 $0x20;
	s19 =	simm.s32 $0x10;
	[tilespmem:$0x120] =	vst v2  }
0x36: {  	[tilespmem:s15], [sflag:$0x1] =	stream.indirect.gather [hbm4b:s4+s13], $0x40, s14, s13, $0xb8;
	[tilespmem:$0x1AA40] =	vst v63  }
.LBB2_2:
0x37: {  	p0 =	sne.s32 s20, $0x18F0  }
0x38: {  	_ =	swait.ge [sflag:s16], $0x2000;
	s21 =	smov.u32 s20;
	s20 =	sadd.s32 $0x10, s20  }
0x39: {  	[sflag:s16] =	ssyncset.done $0x0  }
0x3a: {  	[sflag:s16] =	ssyncadd.s32 $0xFFFFE000  }
0x3b: {  	[spmem:s2] =	stream.indirect.scatter.add.f32 [tilespmem:s15], [sflag:$0x2], $0x40, s17, s13, $0xb8;
	[tilespmem:$0x1AA40] =	vst v63  }
0x3c: {  	_ =	swait.ge [sflag:s12], $0x2000  }
0x3d: {  	[sflag:s12] =	ssyncset.done $0x0  }
0x3e: {  	s22 =	sadd.s32 s19, s10;
	[sflag:s12] =	ssyncadd.s32 $0xFFFFE000  }
0x3f: {  	[tilespmem:s3], [sflag:$0x2] =	stream.linear.gather [hbm4b:s22+s3], $0x80, $0x38;
	[tilespmem:$0x1AA40] =	vst v63  }
0x40: {  	_ =	swait.ge [sflag:s12], $0x80  }
0x41: {  	[sflag:s12] =	ssyncset.done $0x0  }
0x42: {  	s22 =	sadd.s32 s19, s9;
	s19 =	smov.u32 s21;
	[sflag:s12] =	ssyncadd.s32 $0xFFFFFF80  }
0x43: {  	[tilespmem:s13], [sflag:$0x2] =	stream.linear.gather [hbm4b:s22+s3], $0x80, $0x38;
	[tilespmem:$0x1AA40] =	vst v63  }
0x44: {  	_ =	swait.ge [sflag:s12], $0x80  }
0x45: {  	[sflag:s12] =	ssyncset.done $0x0  }
0x46: {  	[sflag:s12] =	ssyncadd.s32 $0xFFFFFF80  }
0x47: {  	v1 =	vld [tilespmem:$0x80]  }
0x48: {  	v2 =	vld [tilespmem:$0x60]  }
0x49: {  	v3 =	vld [tilespmem:$0xF0]  }
0x4a: {  	v4 =	vld [tilespmem:$0x70]  }
0x4b: {  	v5 =	vld [tilespmem:$0xD0]  }
0x4c: {  	v6 =	vld [tilespmem:$0x30]  }
0x4d: {  	v7 =	vld [tilespmem:$0x40]  }
0x4e: {  	v8 =	vld [tilespmem:$0x50];
	v9 =	vadd.s32 $0x58, v3  }
0x4f: {  	v2 =	vsub.s32 v2, v0;
	v10 =	vld [tilespmem:$0x90];
	v4 =	vsub.s32 v4, v0  }
0x50: {  	vm1 =	vlt.u32 v2, $0x61A8;
	v11 =	vld [tilespmem:$0xC0];
	vm0 =	vgt.s32 v5, $0x61A7;
	v12 =	vadd.s32 $0x58, v5  }
0x51: {  	v14 =	vadd.s32 $0x58, v1;
	v2 =	vnsel vm1, $0x6200, v2;
	vm1 =	vlt.u32 v4, $0x61A8;
	v13 =	vld [tilespmem:$0x0]  }
0x52: {  	v5 =	vsel vm0, v12, v5;
	vm0 =	vgt.s32 v3, $0x61A7;
	v15 =	vld [tilespmem:$0xA0];
	[tilespmem:$0x160] =	vst v2;
	v2 =	vnsel vm1, $0x6200, v4  }
0x53: {  	vm1 =	vgt.s32 v1, $0x61A7;
	v4 =	vld [tilespmem:$0x10];
	[tilespmem:$0x170] =	vst v2;
	v2 =	vsel vm0, v9, v3  }
0x54: {  	v7 =	vsub.s32 v7, v0;
	v1 =	vsel vm1, v14, v1;
	v3 =	vsub.s32 v6, v0;
	v6 =	vld [tilespmem:$0xB0];
	[tilespmem:$0x1F0] =	vst v2  }
0x55: {  	vm1 =	vlt.u32 v7, $0x61A8;
	vm0 =	vlt.u32 v3, $0x61A8;
	[tilespmem:$0x180] =	vst v1;
	v1 =	vsub.s32 v8, v0;
	v2 =	vld [tilespmem:$0xE0]  }
0x56: {  	v7 =	vnsel vm1, $0x6200, v7;
	v3 =	vnsel vm0, $0x6200, v3;
	v8 =	vld [tilespmem:$0x20];
	vm0 =	vlt.u32 v1, $0x61A8;
	[tilespmem:$0x1D0] =	vst v5  }
0x57: {  	vm1 =	vgt.s32 v10, $0x61A7;
	v5 =	vadd.s32 $0x58, v10;
	[tilespmem:$0x140] =	vst v7;
	v1 =	vnsel vm0, $0x6200, v1  }
0x58: {  	v5 =	vsel vm1, v5, v10;
	vm0 =	vgt.s32 v11, $0x61A7;
	v4 =	vsub.s32 v4, v0;
	[tilespmem:$0x150] =	vst v1  }
0x59: {  	v1 =	vsub.s32 v13, v0;
	vm1 =	vlt.u32 v4, $0x61A8;
	[tilespmem:$0x130] =	vst v3;
	v3 =	vadd.s32 $0x58, v11  }
0x5a: {  	vm2 =	vlt.u32 v1, $0x61A8;
	v4 =	vnsel vm1, $0x6200, v4;
	[tilespmem:$0x190] =	vst v5;
	v3 =	vsel vm0, v3, v11  }
0x5b: {  	v1 =	vnsel vm2, $0x6200, v1;
	vm0 =	vgt.s32 v15, $0x61A7;
	[tilespmem:$0x110] =	vst v4;
	v4 =	vadd.s32 $0x58, v15  }
0x5c: {  	[tilespmem:$0x100] =	vst v1;
	v1 =	vsel vm0, v4, v15;
	vm0 =	vgt.s32 v6, $0x61A7;
	v4 =	vadd.s32 $0x58, v6  }
0x5d: {  	[tilespmem:$0x1A0] =	vst v1;
	v1 =	vsel vm0, v4, v6;
	vm0 =	vgt.s32 v2, $0x61A7;
	v4 =	vadd.s32 $0x58, v2  }
.Ltmp0:
0x5e: {  	v5 =	vsub.s32 v8, v0;
	[tilespmem:$0x1B0] =	vst v1;
	v1 =	vsel vm0, v4, v2;
	(pc) =	sbr.rel @p0 .LBB2_2-.Ltmp0, $4  }
0x5f: {  	vm0 =	vlt.u32 v5, $0x61A8;
	[tilespmem:$0x1E0] =	vst v1  }
0x60: {  	v1 =	vnsel vm0, $0x6200, v5;
	[tilespmem:$0x1C0] =	vst v3  }
0x61: {  	[tilespmem:$0x120] =	vst v1  }
0x62: {  	[tilespmem:s15], [sflag:$0x1] =	stream.indirect.gather [hbm4b:s4+s13], $0x40, s14, s13, $0xb8;
	[tilespmem:$0x1AA40] =	vst v63  }
0x63: {  	_ =	swait.ge [sflag:s16], $0x2000  }
0x64: {  	[sflag:s16] =	ssyncset.done $0x0  }
0x65: {  	[sflag:s16] =	ssyncadd.s32 $0xFFFFE000  }
0x66: {  	[spmem:s2] =	stream.indirect.scatter.add.f32 [tilespmem:s15], [sflag:$0x2], $0x40, s17, s13, $0xb8;
	[tilespmem:$0x1AA40] =	vst v63  }
0x67: {  	_ =	swait.ge [sflag:s12], $0x2000  }
0x68: {  	[sflag:s12] =	ssyncset.done $0x0  }
0x69: {  	s20 =	sadd.s32 s19, s10;
	[sflag:s12] =	ssyncadd.s32 $0xFFFFE000  }
0x6a: {  	[tilespmem:s3], [sflag:$0x2] =	stream.linear.gather [hbm4b:s20+s3], $0x80, $0x38;
	[tilespmem:$0x1AA40] =	vst v63  }
0x6b: {  	_ =	swait.ge [sflag:s12], $0x80  }
0x6c: {  	[sflag:s12] =	ssyncset.done $0x0  }
0x6d: {  	s31 =	sadd.s32 s19, s9;
	[sflag:s12] =	ssyncadd.s32 $0xFFFFFF80  }
0x6e: {  	[tilespmem:s13], [sflag:$0x2] =	stream.linear.gather [hbm4b:s31+s3], $0x80, $0x38;
	[tilespmem:$0x1AA40] =	vst v63  }
0x6f: {  	_ =	swait.ge [sflag:s12], $0x80  }
0x70: {  	[sflag:s12] =	ssyncset.done $0x0  }
0x71: {  	[sflag:s12] =	ssyncadd.s32 $0xFFFFFF80  }
0x72: {  	v1 =	vld [tilespmem:$0x60]  }
0x73: {  	v4 =	vld [tilespmem:$0xD0]  }
0x74: {  	v3 =	vld [tilespmem:$0x70]  }
0x75: {  	v2 =	vld [tilespmem:$0xF0]  }
0x76: {  	v5 =	vld [tilespmem:$0x80]  }
0x77: {  	v6 =	vld [tilespmem:$0x30]  }
0x78: {  	v12 =	vld [tilespmem:$0x10];
	v1 =	vsub.s32 v1, v0;
	vm1 =	vgt.s32 v4, $0x61A7;
	v11 =	vadd.s32 $0x58, v4  }
0x79: {  	v8 =	vld [tilespmem:$0x50];
	v3 =	vsub.s32 v3, v0;
	vm0 =	vlt.u32 v1, $0x61A8;
	v4 =	vsel vm1, v11, v4  }
0x7a: {  	v7 =	vld [tilespmem:$0x40];
	v9 =	vadd.s32 $0x58, v2;
	vm15 =	vlt.u32 v3, $0x61A8;
	v1 =	vnsel vm0, $0x6200, v1;
	[tilespmem:$0x1D0] =	vst v4  }
0x7b: {  	v10 =	vld [tilespmem:$0x90];
	vm4 =	vgt.s32 v2, $0x61A7;
	vm2 =	vgt.s32 v5, $0x61A7;
	[tilespmem:$0x160] =	vst v1;
	v1 =	vnsel vm15, $0x6200, v3  }
0x7c: {  	v6 =	vsub.s32 v6, v0;
	v3 =	vadd.s32 $0x58, v5;
	[tilespmem:$0x170] =	vst v1;
	v1 =	vsel vm4, v9, v2;
	v2 =	vld [tilespmem:$0x0]  }
0x7d: {  	v54 =	vld [tilespmem:$0xA0];
	v58 =	vsub.s32 v12, v0;
	vm6 =	vlt.u32 v6, $0x61A8;
	v3 =	vsel vm2, v3, v5;
	[tilespmem:$0x1F0] =	vst v1  }
0x7e: {  	vm9 =	vlt.u32 v58, $0x61A8;
	v6 =	vnsel vm6, $0x6200, v6;
	v1 =	vld [tilespmem:$0xC0];
	[tilespmem:$0x180] =	vst v3;
	v3 =	vsub.s32 v8, v0  }
0x7f: {  	v55 =	vld [tilespmem:$0xB0];
	v53 =	vsub.s32 v7, v0;
	v59 =	vnsel vm9, $0x6200, v58;
	[tilespmem:$0x130] =	vst v6;
	vm7 =	vlt.u32 v3, $0x61A8  }
0x80: {  	v56 =	vld [tilespmem:$0xE0];
	vm8 =	vgt.s32 v10, $0x61A7;
	vm5 =	vlt.u32 v53, $0x61A8;
	[tilespmem:$0x110] =	vst v59;
	v3 =	vnsel vm7, $0x6200, v3  }
0x81: {  	v57 =	vadd.s32 $0x58, v10;
	v5 =	vnsel vm5, $0x6200, v53;
	[tilespmem:$0x150] =	vst v3;
	v3 =	vld [tilespmem:$0x20];
	v2 =	vsub.s32 v2, v0  }
0x82: {  	vm12 =	vgt.s32 v54, $0x61A7;
	[tilespmem:$0x140] =	vst v5;
	v8 =	vsel vm8, v57, v10;
	vm11 =	vlt.u32 v2, $0x61A8  }
0x83: {  	[tilespmem:$0x190] =	vst v8;
	vm10 =	vgt.s32 v1, $0x61A7;
	v63 =	vadd.s32 $0x58, v1;
	v2 =	vnsel vm11, $0x6200, v2  }
0x84: {  	v60 =	vadd.s32 $0x58, v54;
	vm13 =	vgt.s32 v55, $0x61A7;
	v1 =	vsel vm10, v63, v1;
	[tilespmem:$0x100] =	vst v2  }
0x85: {  	v61 =	vadd.s32 $0x58, v55;
	vm14 =	vgt.s32 v56, $0x61A7;
	v2 =	vsel vm12, v60, v54;
	[tilespmem:$0x1C0] =	vst v1  }
0x86: {  	v62 =	vadd.s32 $0x58, v56;
	[tilespmem:$0x1A0] =	vst v2;
	v2 =	vsel vm13, v61, v55;
	v3 =	vsub.s32 v3, v0  }
0x87: {  	[tilespmem:$0x1B0] =	vst v2;
	v2 =	vsel vm14, v62, v56;
	vm15 =	vlt.u32 v3, $0x61A8  }
0x88: {  	[tilespmem:$0x1E0] =	vst v2;
	v2 =	vnsel vm15, $0x6200, v3  }
0x89: {  	[tilespmem:$0x120] =	vst v2  }
0x8a: {  	[tilespmem:s15], [sflag:$0x1] =	stream.indirect.gather [hbm4b:s4+s13], $0x40, s14, s13, $0xb8;
	[tilespmem:$0x1AA40] =	vst v63  }
0x8b: {  	_ =	swait.ge [sflag:s16], $0x2000  }
0x8c: {  	[sflag:s16] =	ssyncset.done $0x0  }
0x8d: {  	[sflag:s16] =	ssyncadd.s32 $0xFFFFE000  }
0x8e: {  	[spmem:s2] =	stream.indirect.scatter.add.f32 [tilespmem:s15], [sflag:$0x2], $0x40, s17, s13, $0xb8;
	[tilespmem:$0x1AA40] =	vst v63  }
0x8f: {  	_ =	swait.ge [sflag:s12], $0x2000  }
0x90: {  	s18 =	sadd.s32 $0x1, s18;
	[sflag:s12] =	ssyncset.done $0x0  }
0x91: {  	p0 =	sne.s32 s18, s8;
	[sflag:s12] =	ssyncadd.s32 $0xFFFFE000  }
.Ltmp1:
0x92: {  	[bflag:$0x0] =	sbarrier.arrive $0xFFFF;
	(pc) =	sbr.rel @p0 .LBB2_1-.Ltmp1, $4  }
0x93: {  	[hbm:s7], [sflag:s6] =	dma.local [spmem:s11], $0x3100  }
0x94: {  	_ =	swait.ge [sflag:s12], $0x3100  }
0x95: {  	[sflag:s12] =	ssyncset.done $0x0  }
0x96: {  	[sflag:s12] =	ssyncadd.s32 $0xFFFFCF00  }
0x97: {  	_ =	sfence.sel $0x180000  }
0x98: {  	[bflag:$0x0] =	sbarrier.arrive $0xFFFF  }
0x99: {  	p0 =	sne.s32 s1, $0x0;
	_ =	strace $0x9000004A  }
0x9a: {  	s0 =	sadd.s32 @!p0 $0x100000, s0;
	[bflag:$0x2] =	sbarrier.arrive $0xFFFF  }
0x9b: {  	[sflag:s0] =	ssyncadd.tile.s32 @!p0 $0x1;
	_ =	shalt  }
.Lfunc_end2:
_tile_overlayer_lowered:
.L_overlay_start_2:
0x9c: {  	(tag) =	ssettag $0x2  }
0x9d: {  	s0 =	rddreg [dreg:$0x0];
	s2 =	stileid.u32  }
0x9e: {  	s1 =	rddreg [dreg:$0x1];
	p0 =	sne.s32 s2, $0x0  }
0x9f: {  	s3 =	rddreg [dreg:$0x2];
	[bflag:$0x3] =	sbarrier.arrive $0xFFFF;
	s2 =	simm.s32 @!p0 $0x1C02  }
0xa0: {  	[timem:s3], [sflag:s2] =	dma.local @!p0 [hbm:s0], s1  }
0xa1: {  	s0 =	simm.s32 @!p0 $0x2  }
0xa2: {  	_ =	swait.ge @!p0 [sflag:s0], s1  }
0xa3: {  	s1 =	ssub.s32 @!p0 $0x0, s1;
	[sflag:s0] =	ssyncset.done @!p0 $0x0  }
0xa4: {  	[sflag:s0] =	ssyncadd.s32 @!p0 s1  }
0xa5: {  	[bflag:$0x3] =	sbarrier.arrive $0xFFFF  }
0xa6: {  	_ =	shalt  }

// kernel: kernel.16.cloned.1.call-start
scs
__scs_entry_jumppad:
0x0: {  	(pc) =	sbr.rel $0x88, $3  }
0x1: {  	(tag) =	ssettag $0x0;
	lr =	simm.s32 $0x1  }
0x2: {  	[smem:$0x3F9E] =	sst lr;
	_ =	strace $0xD0000000  }
0x3: {  	_ = 	snop  }
0x4: {  	_ = 	snop  }
0x5: {  	_ = 	snop  }
0x6: {  	_ = 	snop  }
0x7: {  	_ = 	snop  }
__scs_overlays_trampoline_lowered:
0x8: {  	[smem:$0x3FAD] =	sst s0  }
0x9: {  	[smem:$0x3FAE] =	sst s1  }
0xa: {  	[smem:$0x3FAF] =	sst s2  }
0xb: {  	[smem:$0x3FB0] =	sst s3  }
0xc: {  	[smem:$0x3FB1] =	sst s4  }
0xd: {  	[smem:$0x3FB2] =	sst s5  }
0xe: {  	[smem:$0x3FB3] =	sst s6  }
0xf: {  	[smem:$0x3FB4] =	sst s7  }
0x10: {  	[smem:$0x3FB5] =	sst s8  }
0x11: {  	[smem:$0x3FB6] =	sst s9;
	s0 =	simm.s32 @!p0 $0x0  }
0x12: {  	s1 =	sld [smem:$0x3F9C];
	s0 =	simm.s32 @p0 $0x1  }
0x13: {  	[smem:$0x3FB7] =	sst s0;
	s0 =	simm.s32 @!p1 $0x0  }
0x14: {  	s2 =	sld [smem:$0x3F9B];
	s0 =	simm.s32 @p1 $0x1  }
0x15: {  	[smem:$0x3FB8] =	sst s0;
	s0 =	simm.s32 @!p2 $0x0  }
0x16: {  	s3 =	sld [smem:$0x3FDB];
	s0 =	simm.s32 @p2 $0x1  }
0x17: {  	s4 =	simm.s32 $0x1BF5;
	[smem:$0x3FBA] =	sst s0  }
0x18: {  	s0 =	sld [smem:$0x3F9D];
	_ =	swait.ge [sflag:s4], $0x0  }
0x19: {  	s7 =	sld [smem:$0x3F9E]  }
0x1a: {  	s8 =	sadd.s32 $0xFFFFE003, lr  }
0x1b: {  	s9 =	sadd.s32 $0xFFFFFEF7, lr;
	s5 =	simm.s32 $0xFFFFFFFF;
	p2 =	slt.u32 s8, $0xFFFFF086  }
0x1c: {  	p1 =	slt.u32 s9, $0xF7A;
	s5 =	simm.s32 @!p2 $0x0  }
0x1d: {  	s5 =	simm.s32 @p1 $0x1;
	p0 =	seq.s32 s7, s2  }
0x1e: {  	s7 =	smul.u32 @!p0 $0xF7A, s2;
	p2 =	seq.s32 @!p0 s5, $0x0  }
0x1f: {  	s9 =	smul.u32 $0xF7A, s1;
	s8 =	simm.s32 @!p0 $0x1BF5;
	p2 =	por !p2, p0  }
0x20: {  	[sflag:s8] =	ssyncset.s32 @!p0 $0xFFFFF086;
	s6 =	sadd.s32 @!p0 s3, s7;
	s7 =	simm.s32 @!p0 $0x108  }
0x21: {  	s3 =	sadd.s32 s3, s9;
	s6 =	sadd.s32 @!p0 $0x88, s6;
	s7 =	simm.s32 @p2 $0x1082  }
0x22: {  	[simem:s7], [sflag:s8] =	dma.local @!p0 [hbm:s6], $0xF7A  }
0x23: {  	s9 =	sor.u32 $0xD0000000, s2;
	s6 =	simm.s32 $0x108;
	_ =	swait.ge @!p0 [sflag:s8], $0x0  }
0x24: {  	s3 =	sadd.s32 $0x88, s3;
	s6 =	simm.s32 @!p1 $0x1082;
	[sflag:s4] =	ssyncset.s32 $0xFFFFF086  }
0x25: {  	[simem:s6], [sflag:s4] =	dma.local [hbm:s3], $0xF7A  }
0x26: {  	[smem:$0x3F9E] =	sst s1;
	(tag) =	ssettag s2;
	_ =	strace s9  }
0x27: {  	s1 =	sld [smem:$0x3FAE]  }
0x28: {  	s2 =	sld [smem:$0x3FAF]  }
0x29: {  	s4 =	sld [smem:$0x3FB1]  }
0x2a: {  	p0 =	seq.s32 s5, $0x0;
	s5 =	sld [smem:$0x3FB2]  }
0x2b: {  	s6 =	sld [smem:$0x3FB3]  }
0x2c: {  	s7 =	sld [smem:$0x3FB4]  }
0x2d: {  	s3 =	simm.s32 $0x108;
	s8 =	sld [smem:$0x3FB5]  }
0x2e: {  	s3 =	simm.s32 @!p0 $0x1082;
	s9 =	sld [smem:$0x3FB6]  }
0x2f: {  	lr =	sadd.s32 s0, s3;
	s0 =	sld [smem:$0x3FAD]  }
0x30: {  	s3 =	sld [smem:$0x3FB0]  }
0x31: {  	[smem:$0x3FB9] =	sst s10  }
0x32: {  	s10 =	sld [smem:$0x3FB7];
	_ =	sdelay $0x3  }
0x33: {  	p0 =	seq.s32 s10, $0x1;
	s10 =	sld [smem:$0x3FB9];
	_ =	sdelay $0x3  }
0x34: {  	[smem:$0x3FB9] =	sst s10  }
0x35: {  	s10 =	sld [smem:$0x3FB8];
	_ =	sdelay $0x3  }
0x36: {  	p1 =	seq.s32 s10, $0x1;
	s10 =	sld [smem:$0x3FB9];
	_ =	sdelay $0x3  }
0x37: {  	[smem:$0x3FB9] =	sst s10  }
0x38: {  	s10 =	sld [smem:$0x3FBA]  }
0x39: {  	_ = 	snop;
	(pc) =	sbr.ind lr, $3  }
0x3a: {  	_ = 	snop  }
0x3b: {  	_ = 	snop  }
0x3c: {  	p2 =	seq.s32 s10, $0x1;
	s10 =	sld [smem:$0x3FB9]  }
0x3d: {  	_ =	shalt  }
0x3e: {  	_ =	shalt  }
0x3f: {  	_ =	shalt  }
0x40: {  	_ =	shalt  }
0x41: {  	_ =	shalt  }
0x42: {  	_ =	shalt  }
0x43: {  	_ =	shalt  }
0x44: {  	_ =	shalt  }
0x45: {  	_ =	shalt  }
0x46: {  	_ =	shalt  }
0x47: {  	_ =	shalt  }
0x48: {  	_ =	shalt  }
0x49: {  	_ =	shalt  }
0x4a: {  	_ =	shalt  }
0x4b: {  	_ =	shalt  }
0x4c: {  	_ =	shalt  }
0x4d: {  	_ =	shalt  }
0x4e: {  	_ =	shalt  }
0x4f: {  	_ =	shalt  }
0x50: {  	_ =	shalt  }
0x51: {  	_ =	shalt  }
0x52: {  	_ =	shalt  }
0x53: {  	_ =	shalt  }
0x54: {  	_ =	shalt  }
0x55: {  	_ =	shalt  }
0x56: {  	_ =	shalt  }
0x57: {  	_ =	shalt  }
0x58: {  	_ =	shalt  }
0x59: {  	_ =	shalt  }
0x5a: {  	_ =	shalt  }
0x5b: {  	_ =	shalt  }
0x5c: {  	_ =	shalt  }
0x5d: {  	_ =	shalt  }
0x5e: {  	_ =	shalt  }
0x5f: {  	_ =	shalt  }
0x60: {  	_ =	shalt  }
0x61: {  	_ =	shalt  }
0x62: {  	_ =	shalt  }
0x63: {  	_ =	shalt  }
0x64: {  	_ =	shalt  }
0x65: {  	_ =	shalt  }
0x66: {  	_ =	shalt  }
0x67: {  	_ =	shalt  }
0x68: {  	_ =	shalt  }
0x69: {  	_ =	shalt  }
0x6a: {  	_ =	shalt  }
0x6b: {  	_ =	shalt  }
0x6c: {  	_ =	shalt  }
0x6d: {  	_ =	shalt  }
0x6e: {  	_ =	shalt  }
0x6f: {  	_ =	shalt  }
0x70: {  	_ =	shalt  }
0x71: {  	_ =	shalt  }
0x72: {  	_ =	shalt  }
0x73: {  	_ =	shalt  }
0x74: {  	_ =	shalt  }
0x75: {  	_ =	shalt  }
0x76: {  	_ =	shalt  }
0x77: {  	_ =	shalt  }
0x78: {  	_ =	shalt  }
0x79: {  	_ =	shalt  }
0x7a: {  	_ =	shalt  }
0x7b: {  	_ =	shalt  }
0x7c: {  	_ =	shalt  }
0x7d: {  	_ =	shalt  }
0x7e: {  	_ =	shalt  }
0x7f: {  	_ =	shalt  }
0x80: {  	_ =	shalt  }
0x81: {  	_ =	shalt  }
0x82: {  	_ =	shalt  }
0x83: {  	_ =	shalt  }
0x84: {  	_ =	shalt  }
0x85: {  	_ =	shalt  }
0x86: {  	_ =	shalt  }
0x87: {  	_ =	shalt  }
.Lfunc_end0:
.L_simem_size_0:
called_computation.2_lowered:
.L_overlay_start_0:
0x88: {  	s2 =	sld [smem:$0x3FD9]  }
0x89: {  	s3 =	sld [smem:$0x3FFE];
	_ =	sdelay $0x1  }
0x8a: {  	s1 =	srdreg.scid  }
0x8b: {  	s0 =	sand.u32 $0x1, s1  }
0x8c: {  	s14 =	sshll.u32 s0, $0xA;
	s2 =	sadd.s32 s3, s2  }
0x8d: {  	s2 =	sadd.s32 s2, s14  }
0x8e: {  	[smem:$0x3FC5] =	sst s2  }
0x8f: {  	_ = 	snop  }
0x90: {  	s2 =	sld [smem:$0x3FD0];
	_ =	sdelay $0x2  }
0x91: {  	s15 =	simm.s32 $0xA;
	s4 =	simm.s32 $0x10  }
0x92: {  	[smem:s4], [sflag:s15] =	dma.local [hbm:s2], $0x1  }
0x93: {  	_ =	swait.eq [sflag:s15], $0x1  }
0x94: {  	[sflag:s15] =	ssyncset.done $0x0  }
0x95: {  	s16 =	sld [smem:$0x10];
	[sflag:s15] =	ssyncadd.s32 $0xFFFFFFFF  }
0x96: {  	s17 =	sld [smem:$0x11];
	(tm) =	ssettm $0x1  }
0x97: {  	s18 =	sld [smem:$0x3FFB];
	_ =	sdelay $0x3  }
0x98: {  	_ =	strace s18  }
0x99: {  	s4 =	sld [smem:$0x3FFC];
	_ =	sdelay $0x3  }
0x9a: {  	_ =	strace s4  }
0x9b: {  	s4 =	sld [smem:$0x3FFD];
	_ =	sdelay $0x3  }
0x9c: {  	_ =	strace s4  }
0x9d: {  	_ =	strace $0x8FFFFFFF  }
0x9e: {  	s19 =	sld [smem:$0x3FDB];
	_ =	sdelay $0x1  }
0x9f: {  	s5 =	simm.s32 $_scs_section_size  }
0xa0: {  	s6 =	simm.s32 $_size__tile_overlayer_lowered;
	s7 =	simm.s32 $_tile_overlayer_lowered  }
0xa1: {  	s22 =	simm.s32 $0x1BFF;
	s21 =	sshll.u32 s7, $0x1;
	s4 =	sadd.s32 s5, s19  }
0xa2: {  	s8 =	simm.s32 $0x0;
	s20 =	sshll.u32 s6, $0x1;
	s6 =	sadd.s32 s21, s4  }
0xa3: {  	[timem:s8], [sflag:s22] =	dma.local [hbm:s6], s20  }
0xa4: {  	_ =	swait.ge [sflag:s22], s20  }
0xa5: {  	s5 =	ssub.s32 $0x0, s20;
	[sflag:s22] =	ssyncset.done $0x0  }
0xa6: {  	[sflag:s22] =	ssyncadd.s32 s5;
	_ =	sdelay $0x1  }
0xa7: {  	s23 =	simm.s32 $0x1B8B  }
0xa8: {  	_ =	swait.ge [sflag:s23], $0x1  }
0xa9: {  	[sflag:s23] =	ssyncset.done $0x0  }
0xaa: {  	s25 =	simm.s32 $0x1B8E;
	s24 =	sld [smem:$0x3FFE];
	[sflag:s23] =	ssyncadd.s32 $0xFFFFFFFF  }
0xab: {  	s26 =	simm.s32 $execute0_lowered;
	[smem:$0x3FD2] =	sst s25  }
0xac: {  	s6 =	sshll.u32 s26, $0x1;
	_ =	strace $0x8000004C;
	[dreg:$0x1] =	wrdreg $0xFFFFFFFF  }
0xad: {  	s28 =	simm.s32 $_size_execute0_lowered;
	s4 =	sadd.s32 s4, s6;
	[dreg:$0x0] =	wrdreg $0x0  }
0xae: {  	s6 =	sshll.u32 s28, $0x1;
	[dreg:$0x2] =	wrdreg s4  }
0xaf: {  	[dreg:$0x3] =	wrdreg s6  }
0xb0: {  	[dreg:$0x4] =	wrdreg $0xC0  }
0xb1: {  	_ =	task [dreg:s8], $0x5FFFF  }
0xb2: {  	[dreg:$0x1] =	wrdreg $0xFFFFFFFF  }
0xb3: {  	[dreg:$0x0] =	wrdreg $0x60  }
0xb4: {  	[dreg:$0x2] =	wrdreg s24  }
0xb5: {  	[dreg:$0x3] =	wrdreg s16  }
0xb6: {  	[dreg:$0x4] =	wrdreg s17  }
0xb7: {  	[dreg:$0x5] =	wrdreg $0x22000  }
0xb8: {  	[dreg:$0x6] =	wrdreg $0x9  }
0xb9: {  	_ =	task.clear_ibuf [dreg:s8], $0x7FFFF;
	_ =	strace $0x9000004C  }
0xba: {  	s29 =	simm.s32 $0x9;
	_ =	strace $0x8000004E  }
0xbb: {  	_ =	swait.ge [sflag:s29], $0x1  }
0xbc: {  	[sflag:s29] =	ssyncadd.s32 $0xFFFFFFFF  }
0xbd: {  	_ =	strace $0x9000004E  }
0xbe: {  	_ =	sfence  }
0xbf: {  	s30 =	sld [smem:$0x0];
	_ =	sdelay $0x2  }
0xc0: {  	s31 =	sshll.u32 s1, $0xD;
	s1 =	sshrl.u32 s1, $0x2  }
0xc1: {  	s3 =	sand.u32 $0x4000, s31;
	s1 =	sadd.s32 s1, s30  }
0xc2: {  	s0 =	sor.u32 s3, s0;
	s1 =	sshll.u32 s1, $0x11  }
0xc3: {  	s0 =	sor.u32 s1, s0  }
0xc4: {  	s0 =	sadd.s32 $0x8F2B, s0  }
0xc5: {  	[sflag:s0] =	ssyncadd.remote.s32 $0x1  }
0xc6: {  	_ =	sfence.sel $0xFFFF  }
0xc7: {  	[dreg:$0x0] =	wrdreg $0xFFFFFFFF;
	(pc) =	sbr.abs _section_cstart, $3  }
0xc8: {  	[dreg:$0x1] =	wrdreg $0xFFFFFFFF  }
0xc9: {  	_ =	task.clear_ibuf [dreg:s8], $0x2FFFF;
	_ =	strace $0x9FFFFFFF  }
0xca: {  	(tm) =	ssettm $0x7FFFFFFF  }
0xcb: {  	_ =	shalt  }
tec
execute0_lowered:
.L_overlay_start_1:
0x0: {  	(tag) =	ssettag $0x1  }
0x1: {  	s5 =	rddreg [dreg:$0x0]  }
0x2: {  	s10 =	rddreg [dreg:$0x1]  }
0x3: {  	s6 =	rddreg [dreg:$0x2]  }
0x4: {  	s2 =	rddreg [dreg:$0x3]  }
0x5: {  	s0 =	rddreg [dreg:$0x4];
	s3 =	simm.s32 $0x0;
	s1 =	stileid.u32  }
0x6: {  	s4 =	srdreg.scid;
	s15 =	simm.s32 $0x200;
	s8 =	smul.u32 $0x3100, s1  }
0x7: {  	s17 =	simm.s32 $0x100;
	s18 =	simm.s32 $0x0;
	s11 =	smul.u32 $0x1900, s1  }
0x8: {  	[smem:$0x7FF] =	sst s3;
	s7 =	sand.u32 $0x1, s4;
	s13 =	smul.u32 $0x18800, s1  }
0x9: {  	s4 =	sadd.s32 $0xEB800, s5;
	s30 =	sshll.u32 s1, $0x6;
	s9 =	smul.u32 $0x31000, s7  }
0xa: {  	_ =	strace $0x8000004D;
	s12 =	ssub.s32 $0x2, s7;
	s16 =	smul.u32 $0x61A8, s7  }
0xb: {  	s28 =	sshrl.u32 s12, $0x1;
	s14 =	sadd.s32 s11, s5;
	s29 =	sshrl.u32 s13, $0x3  }
0xc: {  	s31 =	sadd.s32 s13, s2;
	s10 =	sadd.s32 s11, s10;
	s13 =	simm.s32 $0x80  }
0xd: {  	s8 =	sadd.s32 s8, s9;
	s9 =	ssub.s32 s12, s28;
	s11 =	sshrl.u32 s31, $0x3  }
0xe: {  	s12 =	simm.s32 $0x2;
	v0 =	vmov s16;
	s16 =	simm.s32 $0x1;
	s8 =	sadd.s32 s8, s5  }
0xf: {  	s5 =	sadd.s32 s6, s29;
	s6 =	sor.u32 $0x1C02, s30;
	s7 =	sadd.s32 $0x14D800, s8  }
0x10: {  	s8 =	smax.u32 s9, $0x1;
	s9 =	sadd.s32 $0xE800, s14;
	s14 =	simm.s32 $0x180  }
.LBB2_1:
0x11: {  	[spmem:s11], [sflag:s6] =	dma.local [hbm:s5], $0x3100  }
0x12: {  	_ =	swait.ge [sflag:s12], $0x3100  }
0x13: {  	[sflag:s12] =	ssyncset.done $0x0  }
0x14: {  	[sflag:s12] =	ssyncadd.s32 $0xFFFFCF00  }
0x15: {  	s19 =	sadd.s32 $0x0, s10;
	[bflag:$0x0] =	sbarrier.arrive $0xFFFF  }
0x16: {  	[tilespmem:s3], [sflag:$0x2] =	stream.linear.gather [hbm4b:s19+s3], $0x80, $0x38;
	[tilespmem:$0x1AA40] =	vst v63  }
0x17: {  	_ =	swait.ge [sflag:s12], $0x80  }
0x18: {  	[sflag:s12] =	ssyncset.done $0x0  }
0x19: {  	s31 =	sadd.s32 $0x0, s9;
	[sflag:s12] =	ssyncadd.s32 $0xFFFFFF80  }
0x1a: {  	[tilespmem:s13], [sflag:$0x2] =	stream.linear.gather [hbm4b:s31+s3], $0x80, $0x38;
	[tilespmem:$0x1AA40] =	vst v63  }
0x1b: {  	_ =	swait.ge [sflag:s12], $0x80  }
0x1c: {  	[sflag:s12] =	ssyncset.done $0x0  }
0x1d: {  	[sflag:s12] =	ssyncadd.s32 $0xFFFFFF80  }
0x1e: {  	v1 =	vld [tilespmem:$0x60]  }
0x1f: {  	v4 =	vld [tilespmem:$0xD0]  }
0x20: {  	v3 =	vld [tilespmem:$0x70]  }
0x21: {  	v2 =	vld [tilespmem:$0xF0]  }
0x22: {  	v5 =	vld [tilespmem:$0x80]  }
0x23: {  	v6 =	vld [tilespmem:$0x30]  }
0x24: {  	v12 =	vld [tilespmem:$0x10];
	v1 =	vsub.s32 v1, v0;
	vm1 =	vgt.s32 v4, $0x61A7;
	v11 =	vadd.s32 $0x58, v4  }
0x25: {  	v8 =	vld [tilespmem:$0x50];
	v3 =	vsub.s32 v3, v0;
	vm0 =	vlt.u32 v1, $0x61A8;
	v4 =	vsel vm1, v11, v4  }
0x26: {  	v7 =	vld [tilespmem:$0x40];
	v9 =	vadd.s32 $0x58, v2;
	vm15 =	vlt.u32 v3, $0x61A8;
	v1 =	vnsel vm0, $0x6200, v1;
	[tilespmem:$0x1D0] =	vst v4  }
0x27: {  	v10 =	vld [tilespmem:$0x90];
	vm4 =	vgt.s32 v2, $0x61A7;
	vm2 =	vgt.s32 v5, $0x61A7;
	[tilespmem:$0x160] =	vst v1;
	v1 =	vnsel vm15, $0x6200, v3  }
0x28: {  	v6 =	vsub.s32 v6, v0;
	v3 =	vadd.s32 $0x58, v5;
	[tilespmem:$0x170] =	vst v1;
	v1 =	vsel vm4, v9, v2;
	v2 =	vld [tilespmem:$0x0]  }
0x29: {  	v54 =	vld [tilespmem:$0xA0];
	v58 =	vsub.s32 v12, v0;
	vm6 =	vlt.u32 v6, $0x61A8;
	v3 =	vsel vm2, v3, v5;
	[tilespmem:$0x1F0] =	vst v1  }
0x2a: {  	vm9 =	vlt.u32 v58, $0x61A8;
	v6 =	vnsel vm6, $0x6200, v6;
	v1 =	vld [tilespmem:$0xC0];
	[tilespmem:$0x180] =	vst v3;
	v3 =	vsub.s32 v8, v0  }
0x2b: {  	v55 =	vld [tilespmem:$0xB0];
	v53 =	vsub.s32 v7, v0;
	v59 =	vnsel vm9, $0x6200, v58;
	[tilespmem:$0x130] =	vst v6;
	vm7 =	vlt.u32 v3, $0x61A8  }
0x2c: {  	v56 =	vld [tilespmem:$0xE0];
	vm8 =	vgt.s32 v10, $0x61A7;
	vm5 =	vlt.u32 v53, $0x61A8;
	[tilespmem:$0x110] =	vst v59;
	v3 =	vnsel vm7, $0x6200, v3  }
0x2d: {  	v57 =	vadd.s32 $0x58, v10;
	v5 =	vnsel vm5, $0x6200, v53;
	[tilespmem:$0x150] =	vst v3;
	v3 =	vld [tilespmem:$0x20];
	v2 =	vsub.s32 v2, v0  }
0x2e: {  	vm12 =	vgt.s32 v54, $0x61A7;
	[tilespmem:$0x140] =	vst v5;
	v8 =	vsel vm8, v57, v10;
	vm11 =	vlt.u32 v2, $0x61A8  }
0x2f: {  	[tilespmem:$0x190] =	vst v8;
	vm10 =	vgt.s32 v1, $0x61A7;
	v63 =	vadd.s32 $0x58, v1;
	v2 =	vnsel vm11, $0x6200, v2  }
0x30: {  	v60 =	vadd.s32 $0x58, v54;
	vm13 =	vgt.s32 v55, $0x61A7;
	v1 =	vsel vm10, v63, v1;
	[tilespmem:$0x100] =	vst v2  }
0x31: {  	v61 =	vadd.s32 $0x58, v55;
	vm14 =	vgt.s32 v56, $0x61A7;
	v2 =	vsel vm12, v60, v54;
	[tilespmem:$0x1C0] =	vst v1  }
0x32: {  	v62 =	vadd.s32 $0x58, v56;
	[tilespmem:$0x1A0] =	vst v2;
	v2 =	vsel vm13, v61, v55;
	v3 =	vsub.s32 v3, v0  }
0x33: {  	[tilespmem:$0x1B0] =	vst v2;
	v2 =	vsel vm14, v62, v56;
	vm15 =	vlt.u32 v3, $0x61A8  }
0x34: {  	[tilespmem:$0x1E0] =	vst v2;
	v2 =	vnsel vm15, $0x6200, v3  }
0x35: {  	s20 =	simm.s32 $0x20;
	s19 =	simm.s32 $0x10;
	[tilespmem:$0x120] =	vst v2  }
0x36: {  	[tilespmem:s15], [sflag:$0x1] =	stream.indirect.gather [hbm4b:s4+s13], $0x40, s14, s13, $0xb8;
	[tilespmem:$0x1AA40] =	vst v63  }
.LBB2_2:
0x37: {  	p0 =	sne.s32 s20, $0x18F0  }
0x38: {  	_ =	swait.ge [sflag:s16], $0x2000;
	s21 =	smov.u32 s20;
	s20 =	sadd.s32 $0x10, s20  }
0x39: {  	[sflag:s16] =	ssyncset.done $0x0  }
0x3a: {  	[sflag:s16] =	ssyncadd.s32 $0xFFFFE000  }
0x3b: {  	[spmem:s2] =	stream.indirect.scatter.add.f32 [tilespmem:s15], [sflag:$0x2], $0x40, s17, s13, $0xb8;
	[tilespmem:$0x1AA40] =	vst v63  }
0x3c: {  	_ =	swait.ge [sflag:s12], $0x2000  }
0x3d: {  	[sflag:s12] =	ssyncset.done $0x0  }
0x3e: {  	s22 =	sadd.s32 s19, s10;
	[sflag:s12] =	ssyncadd.s32 $0xFFFFE000  }
0x3f: {  	[tilespmem:s3], [sflag:$0x2] =	stream.linear.gather [hbm4b:s22+s3], $0x80, $0x38;
	[tilespmem:$0x1AA40] =	vst v63  }
0x40: {  	_ =	swait.ge [sflag:s12], $0x80  }
0x41: {  	[sflag:s12] =	ssyncset.done $0x0  }
0x42: {  	s22 =	sadd.s32 s19, s9;
	s19 =	smov.u32 s21;
	[sflag:s12] =	ssyncadd.s32 $0xFFFFFF80  }
0x43: {  	[tilespmem:s13], [sflag:$0x2] =	stream.linear.gather [hbm4b:s22+s3], $0x80, $0x38;
	[tilespmem:$0x1AA40] =	vst v63  }
0x44: {  	_ =	swait.ge [sflag:s12], $0x80  }
0x45: {  	[sflag:s12] =	ssyncset.done $0x0  }
0x46: {  	[sflag:s12] =	ssyncadd.s32 $0xFFFFFF80  }
0x47: {  	v1 =	vld [tilespmem:$0x80]  }
0x48: {  	v2 =	vld [tilespmem:$0x60]  }
0x49: {  	v3 =	vld [tilespmem:$0xF0]  }
0x4a: {  	v4 =	vld [tilespmem:$0x70]  }
0x4b: {  	v5 =	vld [tilespmem:$0xD0]  }
0x4c: {  	v6 =	vld [tilespmem:$0x30]  }
0x4d: {  	v7 =	vld [tilespmem:$0x40]  }
0x4e: {  	v8 =	vld [tilespmem:$0x50];
	v9 =	vadd.s32 $0x58, v3  }
0x4f: {  	v2 =	vsub.s32 v2, v0;
	v10 =	vld [tilespmem:$0x90];
	v4 =	vsub.s32 v4, v0  }
0x50: {  	vm1 =	vlt.u32 v2, $0x61A8;
	v11 =	vld [tilespmem:$0xC0];
	vm0 =	vgt.s32 v5, $0x61A7;
	v12 =	vadd.s32 $0x58, v5  }
0x51: {  	v14 =	vadd.s32 $0x58, v1;
	v2 =	vnsel vm1, $0x6200, v2;
	vm1 =	vlt.u32 v4, $0x61A8;
	v13 =	vld [tilespmem:$0x0]  }
0x52: {  	v5 =	vsel vm0, v12, v5;
	vm0 =	vgt.s32 v3, $0x61A7;
	v15 =	vld [tilespmem:$0xA0];
	[tilespmem:$0x160] =	vst v2;
	v2 =	vnsel vm1, $0x6200, v4  }
0x53: {  	vm1 =	vgt.s32 v1, $0x61A7;
	v4 =	vld [tilespmem:$0x10];
	[tilespmem:$0x170] =	vst v2;
	v2 =	vsel vm0, v9, v3  }
0x54: {  	v7 =	vsub.s32 v7, v0;
	v1 =	vsel vm1, v14, v1;
	v3 =	vsub.s32 v6, v0;
	v6 =	vld [tilespmem:$0xB0];
	[tilespmem:$0x1F0] =	vst v2  }
0x55: {  	vm1 =	vlt.u32 v7, $0x61A8;
	vm0 =	vlt.u32 v3, $0x61A8;
	[tilespmem:$0x180] =	vst v1;
	v1 =	vsub.s32 v8, v0;
	v2 =	vld [tilespmem:$0xE0]  }
0x56: {  	v7 =	vnsel vm1, $0x6200, v7;
	v3 =	vnsel vm0, $0x6200, v3;
	v8 =	vld [tilespmem:$0x20];
	vm0 =	vlt.u32 v1, $0x61A8;
	[tilespmem:$0x1D0] =	vst v5  }
0x57: {  	vm1 =	vgt.s32 v10, $0x61A7;
	v5 =	vadd.s32 $0x58, v10;
	[tilespmem:$0x140] =	vst v7;
	v1 =	vnsel vm0, $0x6200, v1  }
0x58: {  	v5 =	vsel vm1, v5, v10;
	vm0 =	vgt.s32 v11, $0x61A7;
	v4 =	vsub.s32 v4, v0;
	[tilespmem:$0x150] =	vst v1  }
0x59: {  	v1 =	vsub.s32 v13, v0;
	vm1 =	vlt.u32 v4, $0x61A8;
	[tilespmem:$0x130] =	vst v3;
	v3 =	vadd.s32 $0x58, v11  }
0x5a: {  	vm2 =	vlt.u32 v1, $0x61A8;
	v4 =	vnsel vm1, $0x6200, v4;
	[tilespmem:$0x190] =	vst v5;
	v3 =	vsel vm0, v3, v11  }
0x5b: {  	v1 =	vnsel vm2, $0x6200, v1;
	vm0 =	vgt.s32 v15, $0x61A7;
	[tilespmem:$0x110] =	vst v4;
	v4 =	vadd.s32 $0x58, v15  }
0x5c: {  	[tilespmem:$0x100] =	vst v1;
	v1 =	vsel vm0, v4, v15;
	vm0 =	vgt.s32 v6, $0x61A7;
	v4 =	vadd.s32 $0x58, v6  }
0x5d: {  	[tilespmem:$0x1A0] =	vst v1;
	v1 =	vsel vm0, v4, v6;
	vm0 =	vgt.s32 v2, $0x61A7;
	v4 =	vadd.s32 $0x58, v2  }
.Ltmp0:
0x5e: {  	v5 =	vsub.s32 v8, v0;
	[tilespmem:$0x1B0] =	vst v1;
	v1 =	vsel vm0, v4, v2;
	(pc) =	sbr.rel @p0 .LBB2_2-.Ltmp0, $4  }
0x5f: {  	vm0 =	vlt.u32 v5, $0x61A8;
	[tilespmem:$0x1E0] =	vst v1  }
0x60: {  	v1 =	vnsel vm0, $0x6200, v5;
	[tilespmem:$0x1C0] =	vst v3  }
0x61: {  	[tilespmem:$0x120] =	vst v1  }
0x62: {  	[tilespmem:s15], [sflag:$0x1] =	stream.indirect.gather [hbm4b:s4+s13], $0x40, s14, s13, $0xb8;
	[tilespmem:$0x1AA40] =	vst v63  }
0x63: {  	_ =	swait.ge [sflag:s16], $0x2000  }
0x64: {  	[sflag:s16] =	ssyncset.done $0x0  }
0x65: {  	[sflag:s16] =	ssyncadd.s32 $0xFFFFE000  }
0x66: {  	[spmem:s2] =	stream.indirect.scatter.add.f32 [tilespmem:s15], [sflag:$0x2], $0x40, s17, s13, $0xb8;
	[tilespmem:$0x1AA40] =	vst v63  }
0x67: {  	_ =	swait.ge [sflag:s12], $0x2000  }
0x68: {  	[sflag:s12] =	ssyncset.done $0x0  }
0x69: {  	s20 =	sadd.s32 s19, s10;
	[sflag:s12] =	ssyncadd.s32 $0xFFFFE000  }
0x6a: {  	[tilespmem:s3], [sflag:$0x2] =	stream.linear.gather [hbm4b:s20+s3], $0x80, $0x38;
	[tilespmem:$0x1AA40] =	vst v63  }
0x6b: {  	_ =	swait.ge [sflag:s12], $0x80  }
0x6c: {  	[sflag:s12] =	ssyncset.done $0x0  }
0x6d: {  	s31 =	sadd.s32 s19, s9;
	[sflag:s12] =	ssyncadd.s32 $0xFFFFFF80  }
0x6e: {  	[tilespmem:s13], [sflag:$0x2] =	stream.linear.gather [hbm4b:s31+s3], $0x80, $0x38;
	[tilespmem:$0x1AA40] =	vst v63  }
0x6f: {  	_ =	swait.ge [sflag:s12], $0x80  }
0x70: {  	[sflag:s12] =	ssyncset.done $0x0  }
0x71: {  	[sflag:s12] =	ssyncadd.s32 $0xFFFFFF80  }
0x72: {  	v1 =	vld [tilespmem:$0x60]  }
0x73: {  	v4 =	vld [tilespmem:$0xD0]  }
0x74: {  	v3 =	vld [tilespmem:$0x70]  }
0x75: {  	v2 =	vld [tilespmem:$0xF0]  }
0x76: {  	v5 =	vld [tilespmem:$0x80]  }
0x77: {  	v6 =	vld [tilespmem:$0x30]  }
0x78: {  	v12 =	vld [tilespmem:$0x10];
	v1 =	vsub.s32 v1, v0;
	vm1 =	vgt.s32 v4, $0x61A7;
	v11 =	vadd.s32 $0x58, v4  }
0x79: {  	v8 =	vld [tilespmem:$0x50];
	v3 =	vsub.s32 v3, v0;
	vm0 =	vlt.u32 v1, $0x61A8;
	v4 =	vsel vm1, v11, v4  }
0x7a: {  	v7 =	vld [tilespmem:$0x40];
	v9 =	vadd.s32 $0x58, v2;
	vm15 =	vlt.u32 v3, $0x61A8;
	v1 =	vnsel vm0, $0x6200, v1;
	[tilespmem:$0x1D0] =	vst v4  }
0x7b: {  	v10 =	vld [tilespmem:$0x90];
	vm4 =	vgt.s32 v2, $0x61A7;
	vm2 =	vgt.s32 v5, $0x61A7;
	[tilespmem:$0x160] =	vst v1;
	v1 =	vnsel vm15, $0x6200, v3  }
0x7c: {  	v6 =	vsub.s32 v6, v0;
	v3 =	vadd.s32 $0x58, v5;
	[tilespmem:$0x170] =	vst v1;
	v1 =	vsel vm4, v9, v2;
	v2 =	vld [tilespmem:$0x0]  }
0x7d: {  	v54 =	vld [tilespmem:$0xA0];
	v58 =	vsub.s32 v12, v0;
	vm6 =	vlt.u32 v6, $0x61A8;
	v3 =	vsel vm2, v3, v5;
	[tilespmem:$0x1F0] =	vst v1  }
0x7e: {  	vm9 =	vlt.u32 v58, $0x61A8;
	v6 =	vnsel vm6, $0x6200, v6;
	v1 =	vld [tilespmem:$0xC0];
	[tilespmem:$0x180] =	vst v3;
	v3 =	vsub.s32 v8, v0  }
0x7f: {  	v55 =	vld [tilespmem:$0xB0];
	v53 =	vsub.s32 v7, v0;
	v59 =	vnsel vm9, $0x6200, v58;
	[tilespmem:$0x130] =	vst v6;
	vm7 =	vlt.u32 v3, $0x61A8  }
0x80: {  	v56 =	vld [tilespmem:$0xE0];
	vm8 =	vgt.s32 v10, $0x61A7;
	vm5 =	vlt.u32 v53, $0x61A8;
	[tilespmem:$0x110] =	vst v59;
	v3 =	vnsel vm7, $0x6200, v3  }
0x81: {  	v57 =	vadd.s32 $0x58, v10;
	v5 =	vnsel vm5, $0x6200, v53;
	[tilespmem:$0x150] =	vst v3;
	v3 =	vld [tilespmem:$0x20];
	v2 =	vsub.s32 v2, v0  }
0x82: {  	vm12 =	vgt.s32 v54, $0x61A7;
	[tilespmem:$0x140] =	vst v5;
	v8 =	vsel vm8, v57, v10;
	vm11 =	vlt.u32 v2, $0x61A8  }
0x83: {  	[tilespmem:$0x190] =	vst v8;
	vm10 =	vgt.s32 v1, $0x61A7;
	v63 =	vadd.s32 $0x58, v1;
	v2 =	vnsel vm11, $0x6200, v2  }
0x84: {  	v60 =	vadd.s32 $0x58, v54;
	vm13 =	vgt.s32 v55, $0x61A7;
	v1 =	vsel vm10, v63, v1;
	[tilespmem:$0x100] =	vst v2  }
0x85: {  	v61 =	vadd.s32 $0x58, v55;
	vm14 =	vgt.s32 v56, $0x61A7;
	v2 =	vsel vm12, v60, v54;
	[tilespmem:$0x1C0] =	vst v1  }
0x86: {  	v62 =	vadd.s32 $0x58, v56;
	[tilespmem:$0x1A0] =	vst v2;
	v2 =	vsel vm13, v61, v55;
	v3 =	vsub.s32 v3, v0  }
0x87: {  	[tilespmem:$0x1B0] =	vst v2;
	v2 =	vsel vm14, v62, v56;
	vm15 =	vlt.u32 v3, $0x61A8  }
0x88: {  	[tilespmem:$0x1E0] =	vst v2;
	v2 =	vnsel vm15, $0x6200, v3  }
0x89: {  	[tilespmem:$0x120] =	vst v2  }
0x8a: {  	[tilespmem:s15], [sflag:$0x1] =	stream.indirect.gather [hbm4b:s4+s13], $0x40, s14, s13, $0xb8;
	[tilespmem:$0x1AA40] =	vst v63  }
0x8b: {  	_ =	swait.ge [sflag:s16], $0x2000  }
0x8c: {  	[sflag:s16] =	ssyncset.done $0x0  }
0x8d: {  	[sflag:s16] =	ssyncadd.s32 $0xFFFFE000  }
0x8e: {  	[spmem:s2] =	stream.indirect.scatter.add.f32 [tilespmem:s15], [sflag:$0x2], $0x40, s17, s13, $0xb8;
	[tilespmem:$0x1AA40] =	vst v63  }
0x8f: {  	_ =	swait.ge [sflag:s12], $0x2000  }
0x90: {  	s18 =	sadd.s32 $0x1, s18;
	[sflag:s12] =	ssyncset.done $0x0  }
0x91: {  	p0 =	sne.s32 s18, s8;
	[sflag:s12] =	ssyncadd.s32 $0xFFFFE000  }
.Ltmp1:
0x92: {  	[bflag:$0x0] =	sbarrier.arrive $0xFFFF;
	(pc) =	sbr.rel @p0 .LBB2_1-.Ltmp1, $4  }
0x93: {  	[hbm:s7], [sflag:s6] =	dma.local [spmem:s11], $0x3100  }
0x94: {  	_ =	swait.ge [sflag:s12], $0x3100  }
0x95: {  	[sflag:s12] =	ssyncset.done $0x0  }
0x96: {  	[sflag:s12] =	ssyncadd.s32 $0xFFFFCF00  }
0x97: {  	_ =	sfence.sel $0x180000  }
0x98: {  	[bflag:$0x0] =	sbarrier.arrive $0xFFFF  }
0x99: {  	p0 =	sne.s32 s1, $0x0;
	_ =	strace $0x9000004D  }
0x9a: {  	s0 =	sadd.s32 @!p0 $0x100000, s0;
	[bflag:$0x2] =	sbarrier.arrive $0xFFFF  }
0x9b: {  	[sflag:s0] =	ssyncadd.tile.s32 @!p0 $0x1;
	_ =	shalt  }
.Lfunc_end2:
_tile_overlayer_lowered:
.L_overlay_start_2:
0x9c: {  	(tag) =	ssettag $0x2  }
0x9d: {  	s0 =	rddreg [dreg:$0x0];
	s2 =	stileid.u32  }
0x9e: {  	s1 =	rddreg [dreg:$0x1];
	p0 =	sne.s32 s2, $0x0  }
0x9f: {  	s3 =	rddreg [dreg:$0x2];
	[bflag:$0x3] =	sbarrier.arrive $0xFFFF;
	s2 =	simm.s32 @!p0 $0x1C02  }
0xa0: {  	[timem:s3], [sflag:s2] =	dma.local @!p0 [hbm:s0], s1  }
0xa1: {  	s0 =	simm.s32 @!p0 $0x2  }
0xa2: {  	_ =	swait.ge @!p0 [sflag:s0], s1  }
0xa3: {  	s1 =	ssub.s32 @!p0 $0x0, s1;
	[sflag:s0] =	ssyncset.done @!p0 $0x0  }
0xa4: {  	[sflag:s0] =	ssyncadd.s32 @!p0 s1  }
0xa5: {  	[bflag:$0x3] =	sbarrier.arrive $0xFFFF  }
0xa6: {  	_ =	shalt  }

// kernel: kernel.19.cloned.1.call-start
scs
__scs_entry_jumppad:
0x0: {  	(pc) =	sbr.rel $0x88, $3  }
0x1: {  	(tag) =	ssettag $0x0;
	lr =	simm.s32 $0x1  }
0x2: {  	[smem:$0x3F9E] =	sst lr;
	_ =	strace $0xD0000000  }
0x3: {  	_ = 	snop  }
0x4: {  	_ = 	snop  }
0x5: {  	_ = 	snop  }
0x6: {  	_ = 	snop  }
0x7: {  	_ = 	snop  }
__scs_overlays_trampoline_lowered:
0x8: {  	[smem:$0x3FAD] =	sst s0  }
0x9: {  	[smem:$0x3FAE] =	sst s1  }
0xa: {  	[smem:$0x3FAF] =	sst s2  }
0xb: {  	[smem:$0x3FB0] =	sst s3  }
0xc: {  	[smem:$0x3FB1] =	sst s4  }
0xd: {  	[smem:$0x3FB2] =	sst s5  }
0xe: {  	[smem:$0x3FB3] =	sst s6  }
0xf: {  	[smem:$0x3FB4] =	sst s7  }
0x10: {  	[smem:$0x3FB5] =	sst s8  }
0x11: {  	[smem:$0x3FB6] =	sst s9;
	s0 =	simm.s32 @!p0 $0x0  }
0x12: {  	s1 =	sld [smem:$0x3F9C];
	s0 =	simm.s32 @p0 $0x1  }
0x13: {  	[smem:$0x3FB7] =	sst s0;
	s0 =	simm.s32 @!p1 $0x0  }
0x14: {  	s2 =	sld [smem:$0x3F9B];
	s0 =	simm.s32 @p1 $0x1  }
0x15: {  	[smem:$0x3FB8] =	sst s0;
	s0 =	simm.s32 @!p2 $0x0  }
0x16: {  	s3 =	sld [smem:$0x3FDB];
	s0 =	simm.s32 @p2 $0x1  }
0x17: {  	s4 =	simm.s32 $0x1BF5;
	[smem:$0x3FBA] =	sst s0  }
0x18: {  	s0 =	sld [smem:$0x3F9D];
	_ =	swait.ge [sflag:s4], $0x0  }
0x19: {  	s7 =	sld [smem:$0x3F9E]  }
0x1a: {  	s8 =	sadd.s32 $0xFFFFE003, lr  }
0x1b: {  	s9 =	sadd.s32 $0xFFFFFEF7, lr;
	s5 =	simm.s32 $0xFFFFFFFF;
	p2 =	slt.u32 s8, $0xFFFFF086  }
0x1c: {  	p1 =	slt.u32 s9, $0xF7A;
	s5 =	simm.s32 @!p2 $0x0  }
0x1d: {  	s5 =	simm.s32 @p1 $0x1;
	p0 =	seq.s32 s7, s2  }
0x1e: {  	s7 =	smul.u32 @!p0 $0xF7A, s2;
	p2 =	seq.s32 @!p0 s5, $0x0  }
0x1f: {  	s9 =	smul.u32 $0xF7A, s1;
	s8 =	simm.s32 @!p0 $0x1BF5;
	p2 =	por !p2, p0  }
0x20: {  	[sflag:s8] =	ssyncset.s32 @!p0 $0xFFFFF086;
	s6 =	sadd.s32 @!p0 s3, s7;
	s7 =	simm.s32 @!p0 $0x108  }
0x21: {  	s3 =	sadd.s32 s3, s9;
	s6 =	sadd.s32 @!p0 $0x88, s6;
	s7 =	simm.s32 @p2 $0x1082  }
0x22: {  	[simem:s7], [sflag:s8] =	dma.local @!p0 [hbm:s6], $0xF7A  }
0x23: {  	s9 =	sor.u32 $0xD0000000, s2;
	s6 =	simm.s32 $0x108;
	_ =	swait.ge @!p0 [sflag:s8], $0x0  }
0x24: {  	s3 =	sadd.s32 $0x88, s3;
	s6 =	simm.s32 @!p1 $0x1082;
	[sflag:s4] =	ssyncset.s32 $0xFFFFF086  }
0x25: {  	[simem:s6], [sflag:s4] =	dma.local [hbm:s3], $0xF7A  }
0x26: {  	[smem:$0x3F9E] =	sst s1;
	(tag) =	ssettag s2;
	_ =	strace s9  }
0x27: {  	s1 =	sld [smem:$0x3FAE]  }
0x28: {  	s2 =	sld [smem:$0x3FAF]  }
0x29: {  	s4 =	sld [smem:$0x3FB1]  }
0x2a: {  	p0 =	seq.s32 s5, $0x0;
	s5 =	sld [smem:$0x3FB2]  }
0x2b: {  	s6 =	sld [smem:$0x3FB3]  }
0x2c: {  	s7 =	sld [smem:$0x3FB4]  }
0x2d: {  	s3 =	simm.s32 $0x108;
	s8 =	sld [smem:$0x3FB5]  }
0x2e: {  	s3 =	simm.s32 @!p0 $0x1082;
	s9 =	sld [smem:$0x3FB6]  }
0x2f: {  	lr =	sadd.s32 s0, s3;
	s0 =	sld [smem:$0x3FAD]  }
0x30: {  	s3 =	sld [smem:$0x3FB0]  }
0x31: {  	[smem:$0x3FB9] =	sst s10  }
0x32: {  	s10 =	sld [smem:$0x3FB7];
	_ =	sdelay $0x3  }
0x33: {  	p0 =	seq.s32 s10, $0x1;
	s10 =	sld [smem:$0x3FB9];
	_ =	sdelay $0x3  }
0x34: {  	[smem:$0x3FB9] =	sst s10  }
0x35: {  	s10 =	sld [smem:$0x3FB8];
	_ =	sdelay $0x3  }
0x36: {  	p1 =	seq.s32 s10, $0x1;
	s10 =	sld [smem:$0x3FB9];
	_ =	sdelay $0x3  }
0x37: {  	[smem:$0x3FB9] =	sst s10  }
0x38: {  	s10 =	sld [smem:$0x3FBA]  }
0x39: {  	_ = 	snop;
	(pc) =	sbr.ind lr, $3  }
0x3a: {  	_ = 	snop  }
0x3b: {  	_ = 	snop  }
0x3c: {  	p2 =	seq.s32 s10, $0x1;
	s10 =	sld [smem:$0x3FB9]  }
0x3d: {  	_ =	shalt  }
0x3e: {  	_ =	shalt  }
0x3f: {  	_ =	shalt  }
0x40: {  	_ =	shalt  }
0x41: {  	_ =	shalt  }
0x42: {  	_ =	shalt  }
0x43: {  	_ =	shalt  }
0x44: {  	_ =	shalt  }
0x45: {  	_ =	shalt  }
0x46: {  	_ =	shalt  }
0x47: {  	_ =	shalt  }
0x48: {  	_ =	shalt  }
0x49: {  	_ =	shalt  }
0x4a: {  	_ =	shalt  }
0x4b: {  	_ =	shalt  }
0x4c: {  	_ =	shalt  }
0x4d: {  	_ =	shalt  }
0x4e: {  	_ =	shalt  }
0x4f: {  	_ =	shalt  }
0x50: {  	_ =	shalt  }
0x51: {  	_ =	shalt  }
0x52: {  	_ =	shalt  }
0x53: {  	_ =	shalt  }
0x54: {  	_ =	shalt  }
0x55: {  	_ =	shalt  }
0x56: {  	_ =	shalt  }
0x57: {  	_ =	shalt  }
0x58: {  	_ =	shalt  }
0x59: {  	_ =	shalt  }
0x5a: {  	_ =	shalt  }
0x5b: {  	_ =	shalt  }
0x5c: {  	_ =	shalt  }
0x5d: {  	_ =	shalt  }
0x5e: {  	_ =	shalt  }
0x5f: {  	_ =	shalt  }
0x60: {  	_ =	shalt  }
0x61: {  	_ =	shalt  }
0x62: {  	_ =	shalt  }
0x63: {  	_ =	shalt  }
0x64: {  	_ =	shalt  }
0x65: {  	_ =	shalt  }
0x66: {  	_ =	shalt  }
0x67: {  	_ =	shalt  }
0x68: {  	_ =	shalt  }
0x69: {  	_ =	shalt  }
0x6a: {  	_ =	shalt  }
0x6b: {  	_ =	shalt  }
0x6c: {  	_ =	shalt  }
0x6d: {  	_ =	shalt  }
0x6e: {  	_ =	shalt  }
0x6f: {  	_ =	shalt  }
0x70: {  	_ =	shalt  }
0x71: {  	_ =	shalt  }
0x72: {  	_ =	shalt  }
0x73: {  	_ =	shalt  }
0x74: {  	_ =	shalt  }
0x75: {  	_ =	shalt  }
0x76: {  	_ =	shalt  }
0x77: {  	_ =	shalt  }
0x78: {  	_ =	shalt  }
0x79: {  	_ =	shalt  }
0x7a: {  	_ =	shalt  }
0x7b: {  	_ =	shalt  }
0x7c: {  	_ =	shalt  }
0x7d: {  	_ =	shalt  }
0x7e: {  	_ =	shalt  }
0x7f: {  	_ =	shalt  }
0x80: {  	_ =	shalt  }
0x81: {  	_ =	shalt  }
0x82: {  	_ =	shalt  }
0x83: {  	_ =	shalt  }
0x84: {  	_ =	shalt  }
0x85: {  	_ =	shalt  }
0x86: {  	_ =	shalt  }
0x87: {  	_ =	shalt  }
.Lfunc_end0:
.L_simem_size_0:
called_computation.3_lowered:
.L_overlay_start_0:
0x88: {  	s2 =	sld [smem:$0x3FD9]  }
0x89: {  	s3 =	sld [smem:$0x3FFE];
	_ =	sdelay $0x1  }
0x8a: {  	s1 =	srdreg.scid  }
0x8b: {  	s0 =	sand.u32 $0x1, s1  }
0x8c: {  	s14 =	sshll.u32 s0, $0xA;
	s2 =	sadd.s32 s3, s2  }
0x8d: {  	s2 =	sadd.s32 s2, s14  }
0x8e: {  	[smem:$0x3FC5] =	sst s2  }
0x8f: {  	_ = 	snop  }
0x90: {  	s2 =	sld [smem:$0x3FD0];
	_ =	sdelay $0x2  }
0x91: {  	s15 =	simm.s32 $0xA;
	s4 =	simm.s32 $0x10  }
0x92: {  	[smem:s4], [sflag:s15] =	dma.local [hbm:s2], $0x1  }
0x93: {  	_ =	swait.eq [sflag:s15], $0x1  }
0x94: {  	[sflag:s15] =	ssyncset.done $0x0  }
0x95: {  	s16 =	sld [smem:$0x10];
	[sflag:s15] =	ssyncadd.s32 $0xFFFFFFFF  }
0x96: {  	s17 =	sld [smem:$0x11];
	(tm) =	ssettm $0x1  }
0x97: {  	s18 =	sld [smem:$0x3FFB];
	_ =	sdelay $0x3  }
0x98: {  	_ =	strace s18  }
0x99: {  	s4 =	sld [smem:$0x3FFC];
	_ =	sdelay $0x3  }
0x9a: {  	_ =	strace s4  }
0x9b: {  	s4 =	sld [smem:$0x3FFD];
	_ =	sdelay $0x3  }
0x9c: {  	_ =	strace s4  }
0x9d: {  	_ =	strace $0x8FFFFFFF  }
0x9e: {  	s19 =	sld [smem:$0x3FDB];
	_ =	sdelay $0x1  }
0x9f: {  	s5 =	simm.s32 $_scs_section_size  }
0xa0: {  	s6 =	simm.s32 $_size__tile_overlayer_lowered;
	s7 =	simm.s32 $_tile_overlayer_lowered  }
0xa1: {  	s22 =	simm.s32 $0x1BFF;
	s21 =	sshll.u32 s7, $0x1;
	s4 =	sadd.s32 s5, s19  }
0xa2: {  	s8 =	simm.s32 $0x0;
	s20 =	sshll.u32 s6, $0x1;
	s6 =	sadd.s32 s21, s4  }
0xa3: {  	[timem:s8], [sflag:s22] =	dma.local [hbm:s6], s20  }
0xa4: {  	_ =	swait.ge [sflag:s22], s20  }
0xa5: {  	s5 =	ssub.s32 $0x0, s20;
	[sflag:s22] =	ssyncset.done $0x0  }
0xa6: {  	[sflag:s22] =	ssyncadd.s32 s5;
	_ =	sdelay $0x1  }
0xa7: {  	s23 =	simm.s32 $0x1B8B  }
0xa8: {  	_ =	swait.ge [sflag:s23], $0x1  }
0xa9: {  	[sflag:s23] =	ssyncset.done $0x0  }
0xaa: {  	s25 =	simm.s32 $0x1B8E;
	s24 =	sld [smem:$0x3FFE];
	[sflag:s23] =	ssyncadd.s32 $0xFFFFFFFF  }
0xab: {  	s26 =	simm.s32 $execute0_lowered;
	[smem:$0x3FD2] =	sst s25  }
0xac: {  	s6 =	sshll.u32 s26, $0x1;
	_ =	strace $0x8000004F;
	[dreg:$0x1] =	wrdreg $0xFFFFFFFF  }
0xad: {  	s28 =	simm.s32 $_size_execute0_lowered;
	s4 =	sadd.s32 s4, s6;
	[dreg:$0x0] =	wrdreg $0x0  }
0xae: {  	s6 =	sshll.u32 s28, $0x1;
	[dreg:$0x2] =	wrdreg s4  }
0xaf: {  	[dreg:$0x3] =	wrdreg s6  }
0xb0: {  	[dreg:$0x4] =	wrdreg $0xC0  }
0xb1: {  	_ =	task [dreg:s8], $0x5FFFF  }
0xb2: {  	[dreg:$0x1] =	wrdreg $0xFFFFFFFF  }
0xb3: {  	[dreg:$0x0] =	wrdreg $0x60  }
0xb4: {  	[dreg:$0x2] =	wrdreg s24  }
0xb5: {  	[dreg:$0x3] =	wrdreg s16  }
0xb6: {  	[dreg:$0x4] =	wrdreg s17  }
0xb7: {  	[dreg:$0x5] =	wrdreg $0x22000  }
0xb8: {  	[dreg:$0x6] =	wrdreg $0x9  }
0xb9: {  	_ =	task.clear_ibuf [dreg:s8], $0x7FFFF;
	_ =	strace $0x9000004F  }
0xba: {  	s29 =	simm.s32 $0x9;
	_ =	strace $0x80000051  }
0xbb: {  	_ =	swait.ge [sflag:s29], $0x1  }
0xbc: {  	[sflag:s29] =	ssyncadd.s32 $0xFFFFFFFF  }
0xbd: {  	_ =	strace $0x90000051  }
0xbe: {  	_ =	sfence  }
0xbf: {  	s30 =	sld [smem:$0x0];
	_ =	sdelay $0x2  }
0xc0: {  	s31 =	sshll.u32 s1, $0xD;
	s1 =	sshrl.u32 s1, $0x2  }
0xc1: {  	s3 =	sand.u32 $0x4000, s31;
	s1 =	sadd.s32 s1, s30  }
0xc2: {  	s0 =	sor.u32 s3, s0;
	s1 =	sshll.u32 s1, $0x11  }
0xc3: {  	s0 =	sor.u32 s1, s0  }
0xc4: {  	s0 =	sadd.s32 $0x8F2B, s0  }
0xc5: {  	[sflag:s0] =	ssyncadd.remote.s32 $0x1  }
0xc6: {  	_ =	sfence.sel $0xFFFF  }
0xc7: {  	[dreg:$0x0] =	wrdreg $0xFFFFFFFF;
	(pc) =	sbr.abs _section_cstart, $3  }
0xc8: {  	[dreg:$0x1] =	wrdreg $0xFFFFFFFF  }
0xc9: {  	_ =	task.clear_ibuf [dreg:s8], $0x2FFFF;
	_ =	strace $0x9FFFFFFF  }
0xca: {  	(tm) =	ssettm $0x7FFFFFFF  }
0xcb: {  	_ =	shalt  }
tec
execute0_lowered:
.L_overlay_start_1:
0x0: {  	(tag) =	ssettag $0x1  }
0x1: {  	s5 =	rddreg [dreg:$0x0]  }
0x2: {  	s10 =	rddreg [dreg:$0x1]  }
0x3: {  	s6 =	rddreg [dreg:$0x2]  }
0x4: {  	s2 =	rddreg [dreg:$0x3]  }
0x5: {  	s0 =	rddreg [dreg:$0x4];
	s3 =	simm.s32 $0x0;
	s1 =	stileid.u32  }
0x6: {  	s4 =	srdreg.scid;
	s15 =	simm.s32 $0x200;
	s8 =	smul.u32 $0x3100, s1  }
0x7: {  	s17 =	simm.s32 $0x100;
	s18 =	simm.s32 $0x0;
	s11 =	smul.u32 $0x1900, s1  }
0x8: {  	[smem:$0x7FF] =	sst s3;
	s7 =	sand.u32 $0x1, s4;
	s13 =	smul.u32 $0x18800, s1  }
0x9: {  	s4 =	sadd.s32 $0x1AF800, s5;
	s30 =	sshll.u32 s1, $0x6;
	s9 =	smul.u32 $0x31000, s7  }
0xa: {  	_ =	strace $0x80000050;
	s12 =	ssub.s32 $0x2, s7;
	s16 =	smul.u32 $0x61A8, s7  }
0xb: {  	s28 =	sshrl.u32 s12, $0x1;
	s14 =	sadd.s32 s11, s5;
	s29 =	sshrl.u32 s13, $0x3  }
0xc: {  	s31 =	sadd.s32 s13, s2;
	s10 =	sadd.s32 s11, s10;
	s13 =	simm.s32 $0x80  }
0xd: {  	s8 =	sadd.s32 s8, s9;
	s9 =	ssub.s32 s12, s28;
	s11 =	sshrl.u32 s31, $0x3  }
0xe: {  	s12 =	simm.s32 $0x2;
	v0 =	vmov s16;
	s16 =	simm.s32 $0x1;
	s8 =	sadd.s32 s8, s5  }
0xf: {  	s5 =	sadd.s32 s6, s29;
	s6 =	sor.u32 $0x1C02, s30;
	s7 =	sadd.s32 $0x27800, s8  }
0x10: {  	s8 =	smax.u32 s9, $0x1;
	s9 =	sadd.s32 $0xE800, s14;
	s14 =	simm.s32 $0x180  }
.LBB2_1:
0x11: {  	[spmem:s11], [sflag:s6] =	dma.local [hbm:s5], $0x3100  }
0x12: {  	_ =	swait.ge [sflag:s12], $0x3100  }
0x13: {  	[sflag:s12] =	ssyncset.done $0x0  }
0x14: {  	[sflag:s12] =	ssyncadd.s32 $0xFFFFCF00  }
0x15: {  	s19 =	sadd.s32 $0x0, s10;
	[bflag:$0x0] =	sbarrier.arrive $0xFFFF  }
0x16: {  	[tilespmem:s3], [sflag:$0x2] =	stream.linear.gather [hbm4b:s19+s3], $0x80, $0x38;
	[tilespmem:$0x1AA40] =	vst v63  }
0x17: {  	_ =	swait.ge [sflag:s12], $0x80  }
0x18: {  	[sflag:s12] =	ssyncset.done $0x0  }
0x19: {  	s31 =	sadd.s32 $0x0, s9;
	[sflag:s12] =	ssyncadd.s32 $0xFFFFFF80  }
0x1a: {  	[tilespmem:s13], [sflag:$0x2] =	stream.linear.gather [hbm4b:s31+s3], $0x80, $0x38;
	[tilespmem:$0x1AA40] =	vst v63  }
0x1b: {  	_ =	swait.ge [sflag:s12], $0x80  }
0x1c: {  	[sflag:s12] =	ssyncset.done $0x0  }
0x1d: {  	[sflag:s12] =	ssyncadd.s32 $0xFFFFFF80  }
0x1e: {  	v1 =	vld [tilespmem:$0x60]  }
0x1f: {  	v4 =	vld [tilespmem:$0xD0]  }
0x20: {  	v3 =	vld [tilespmem:$0x70]  }
0x21: {  	v2 =	vld [tilespmem:$0xF0]  }
0x22: {  	v5 =	vld [tilespmem:$0x80]  }
0x23: {  	v6 =	vld [tilespmem:$0x30]  }
0x24: {  	v12 =	vld [tilespmem:$0x10];
	v1 =	vsub.s32 v1, v0;
	vm1 =	vgt.s32 v4, $0x61A7;
	v11 =	vadd.s32 $0x58, v4  }
0x25: {  	v8 =	vld [tilespmem:$0x50];
	v3 =	vsub.s32 v3, v0;
	vm0 =	vlt.u32 v1, $0x61A8;
	v4 =	vsel vm1, v11, v4  }
0x26: {  	v7 =	vld [tilespmem:$0x40];
	v9 =	vadd.s32 $0x58, v2;
	vm15 =	vlt.u32 v3, $0x61A8;
	v1 =	vnsel vm0, $0x6200, v1;
	[tilespmem:$0x1D0] =	vst v4  }
0x27: {  	v10 =	vld [tilespmem:$0x90];
	vm4 =	vgt.s32 v2, $0x61A7;
	vm2 =	vgt.s32 v5, $0x61A7;
	[tilespmem:$0x160] =	vst v1;
	v1 =	vnsel vm15, $0x6200, v3  }
0x28: {  	v6 =	vsub.s32 v6, v0;
	v3 =	vadd.s32 $0x58, v5;
	[tilespmem:$0x170] =	vst v1;
	v1 =	vsel vm4, v9, v2;
	v2 =	vld [tilespmem:$0x0]  }
0x29: {  	v54 =	vld [tilespmem:$0xA0];
	v58 =	vsub.s32 v12, v0;
	vm6 =	vlt.u32 v6, $0x61A8;
	v3 =	vsel vm2, v3, v5;
	[tilespmem:$0x1F0] =	vst v1  }
0x2a: {  	vm9 =	vlt.u32 v58, $0x61A8;
	v6 =	vnsel vm6, $0x6200, v6;
	v1 =	vld [tilespmem:$0xC0];
	[tilespmem:$0x180] =	vst v3;
	v3 =	vsub.s32 v8, v0  }
0x2b: {  	v55 =	vld [tilespmem:$0xB0];
	v53 =	vsub.s32 v7, v0;
	v59 =	vnsel vm9, $0x6200, v58;
	[tilespmem:$0x130] =	vst v6;
	vm7 =	vlt.u32 v3, $0x61A8  }
0x2c: {  	v56 =	vld [tilespmem:$0xE0];
	vm8 =	vgt.s32 v10, $0x61A7;
	vm5 =	vlt.u32 v53, $0x61A8;
	[tilespmem:$0x110] =	vst v59;
	v3 =	vnsel vm7, $0x6200, v3  }
0x2d: {  	v57 =	vadd.s32 $0x58, v10;
	v5 =	vnsel vm5, $0x6200, v53;
	[tilespmem:$0x150] =	vst v3;
	v3 =	vld [tilespmem:$0x20];
	v2 =	vsub.s32 v2, v0  }
0x2e: {  	vm12 =	vgt.s32 v54, $0x61A7;
	[tilespmem:$0x140] =	vst v5;
	v8 =	vsel vm8, v57, v10;
	vm11 =	vlt.u32 v2, $0x61A8  }
0x2f: {  	[tilespmem:$0x190] =	vst v8;
	vm10 =	vgt.s32 v1, $0x61A7;
	v63 =	vadd.s32 $0x58, v1;
	v2 =	vnsel vm11, $0x6200, v2  }
0x30: {  	v60 =	vadd.s32 $0x58, v54;
	vm13 =	vgt.s32 v55, $0x61A7;
	v1 =	vsel vm10, v63, v1;
	[tilespmem:$0x100] =	vst v2  }
0x31: {  	v61 =	vadd.s32 $0x58, v55;
	vm14 =	vgt.s32 v56, $0x61A7;
	v2 =	vsel vm12, v60, v54;
	[tilespmem:$0x1C0] =	vst v1  }
0x32: {  	v62 =	vadd.s32 $0x58, v56;
	[tilespmem:$0x1A0] =	vst v2;
	v2 =	vsel vm13, v61, v55;
	v3 =	vsub.s32 v3, v0  }
0x33: {  	[tilespmem:$0x1B0] =	vst v2;
	v2 =	vsel vm14, v62, v56;
	vm15 =	vlt.u32 v3, $0x61A8  }
0x34: {  	[tilespmem:$0x1E0] =	vst v2;
	v2 =	vnsel vm15, $0x6200, v3  }
0x35: {  	s20 =	simm.s32 $0x20;
	s19 =	simm.s32 $0x10;
	[tilespmem:$0x120] =	vst v2  }
0x36: {  	[tilespmem:s15], [sflag:$0x1] =	stream.indirect.gather [hbm4b:s4+s13], $0x40, s14, s13, $0xb8;
	[tilespmem:$0x1AA40] =	vst v63  }
.LBB2_2:
0x37: {  	p0 =	sne.s32 s20, $0x18F0  }
0x38: {  	_ =	swait.ge [sflag:s16], $0x2000;
	s21 =	smov.u32 s20;
	s20 =	sadd.s32 $0x10, s20  }
0x39: {  	[sflag:s16] =	ssyncset.done $0x0  }
0x3a: {  	[sflag:s16] =	ssyncadd.s32 $0xFFFFE000  }
0x3b: {  	[spmem:s2] =	stream.indirect.scatter.add.f32 [tilespmem:s15], [sflag:$0x2], $0x40, s17, s13, $0xb8;
	[tilespmem:$0x1AA40] =	vst v63  }
0x3c: {  	_ =	swait.ge [sflag:s12], $0x2000  }
0x3d: {  	[sflag:s12] =	ssyncset.done $0x0  }
0x3e: {  	s22 =	sadd.s32 s19, s10;
	[sflag:s12] =	ssyncadd.s32 $0xFFFFE000  }
0x3f: {  	[tilespmem:s3], [sflag:$0x2] =	stream.linear.gather [hbm4b:s22+s3], $0x80, $0x38;
	[tilespmem:$0x1AA40] =	vst v63  }
0x40: {  	_ =	swait.ge [sflag:s12], $0x80  }
0x41: {  	[sflag:s12] =	ssyncset.done $0x0  }
0x42: {  	s22 =	sadd.s32 s19, s9;
	s19 =	smov.u32 s21;
	[sflag:s12] =	ssyncadd.s32 $0xFFFFFF80  }
0x43: {  	[tilespmem:s13], [sflag:$0x2] =	stream.linear.gather [hbm4b:s22+s3], $0x80, $0x38;
	[tilespmem:$0x1AA40] =	vst v63  }
0x44: {  	_ =	swait.ge [sflag:s12], $0x80  }
0x45: {  	[sflag:s12] =	ssyncset.done $0x0  }
0x46: {  	[sflag:s12] =	ssyncadd.s32 $0xFFFFFF80  }
0x47: {  	v1 =	vld [tilespmem:$0x80]  }
0x48: {  	v2 =	vld [tilespmem:$0x60]  }
0x49: {  	v3 =	vld [tilespmem:$0xF0]  }
0x4a: {  	v4 =	vld [tilespmem:$0x70]  }
0x4b: {  	v5 =	vld [tilespmem:$0xD0]  }
0x4c: {  	v6 =	vld [tilespmem:$0x30]  }
0x4d: {  	v7 =	vld [tilespmem:$0x40]  }
0x4e: {  	v8 =	vld [tilespmem:$0x50];
	v9 =	vadd.s32 $0x58, v3  }
0x4f: {  	v2 =	vsub.s32 v2, v0;
	v10 =	vld [tilespmem:$0x90];
	v4 =	vsub.s32 v4, v0  }
0x50: {  	vm1 =	vlt.u32 v2, $0x61A8;
	v11 =	vld [tilespmem:$0xC0];
	vm0 =	vgt.s32 v5, $0x61A7;
	v12 =	vadd.s32 $0x58, v5  }
0x51: {  	v14 =	vadd.s32 $0x58, v1;
	v2 =	vnsel vm1, $0x6200, v2;
	vm1 =	vlt.u32 v4, $0x61A8;
	v13 =	vld [tilespmem:$0x0]  }
0x52: {  	v5 =	vsel vm0, v12, v5;
	vm0 =	vgt.s32 v3, $0x61A7;
	v15 =	vld [tilespmem:$0xA0];
	[tilespmem:$0x160] =	vst v2;
	v2 =	vnsel vm1, $0x6200, v4  }
0x53: {  	vm1 =	vgt.s32 v1, $0x61A7;
	v4 =	vld [tilespmem:$0x10];
	[tilespmem:$0x170] =	vst v2;
	v2 =	vsel vm0, v9, v3  }
0x54: {  	v7 =	vsub.s32 v7, v0;
	v1 =	vsel vm1, v14, v1;
	v3 =	vsub.s32 v6, v0;
	v6 =	vld [tilespmem:$0xB0];
	[tilespmem:$0x1F0] =	vst v2  }
0x55: {  	vm1 =	vlt.u32 v7, $0x61A8;
	vm0 =	vlt.u32 v3, $0x61A8;
	[tilespmem:$0x180] =	vst v1;
	v1 =	vsub.s32 v8, v0;
	v2 =	vld [tilespmem:$0xE0]  }
0x56: {  	v7 =	vnsel vm1, $0x6200, v7;
	v3 =	vnsel vm0, $0x6200, v3;
	v8 =	vld [tilespmem:$0x20];
	vm0 =	vlt.u32 v1, $0x61A8;
	[tilespmem:$0x1D0] =	vst v5  }
0x57: {  	vm1 =	vgt.s32 v10, $0x61A7;
	v5 =	vadd.s32 $0x58, v10;
	[tilespmem:$0x140] =	vst v7;
	v1 =	vnsel vm0, $0x6200, v1  }
0x58: {  	v5 =	vsel vm1, v5, v10;
	vm0 =	vgt.s32 v11, $0x61A7;
	v4 =	vsub.s32 v4, v0;
	[tilespmem:$0x150] =	vst v1  }
0x59: {  	v1 =	vsub.s32 v13, v0;
	vm1 =	vlt.u32 v4, $0x61A8;
	[tilespmem:$0x130] =	vst v3;
	v3 =	vadd.s32 $0x58, v11  }
0x5a: {  	vm2 =	vlt.u32 v1, $0x61A8;
	v4 =	vnsel vm1, $0x6200, v4;
	[tilespmem:$0x190] =	vst v5;
	v3 =	vsel vm0, v3, v11  }
0x5b: {  	v1 =	vnsel vm2, $0x6200, v1;
	vm0 =	vgt.s32 v15, $0x61A7;
	[tilespmem:$0x110] =	vst v4;
	v4 =	vadd.s32 $0x58, v15  }
0x5c: {  	[tilespmem:$0x100] =	vst v1;
	v1 =	vsel vm0, v4, v15;
	vm0 =	vgt.s32 v6, $0x61A7;
	v4 =	vadd.s32 $0x58, v6  }
0x5d: {  	[tilespmem:$0x1A0] =	vst v1;
	v1 =	vsel vm0, v4, v6;
	vm0 =	vgt.s32 v2, $0x61A7;
	v4 =	vadd.s32 $0x58, v2  }
.Ltmp0:
0x5e: {  	v5 =	vsub.s32 v8, v0;
	[tilespmem:$0x1B0] =	vst v1;
	v1 =	vsel vm0, v4, v2;
	(pc) =	sbr.rel @p0 .LBB2_2-.Ltmp0, $4  }
0x5f: {  	vm0 =	vlt.u32 v5, $0x61A8;
	[tilespmem:$0x1E0] =	vst v1  }
0x60: {  	v1 =	vnsel vm0, $0x6200, v5;
	[tilespmem:$0x1C0] =	vst v3  }
0x61: {  	[tilespmem:$0x120] =	vst v1  }
0x62: {  	[tilespmem:s15], [sflag:$0x1] =	stream.indirect.gather [hbm4b:s4+s13], $0x40, s14, s13, $0xb8;
	[tilespmem:$0x1AA40] =	vst v63  }
0x63: {  	_ =	swait.ge [sflag:s16], $0x2000  }
0x64: {  	[sflag:s16] =	ssyncset.done $0x0  }
0x65: {  	[sflag:s16] =	ssyncadd.s32 $0xFFFFE000  }
0x66: {  	[spmem:s2] =	stream.indirect.scatter.add.f32 [tilespmem:s15], [sflag:$0x2], $0x40, s17, s13, $0xb8;
	[tilespmem:$0x1AA40] =	vst v63  }
0x67: {  	_ =	swait.ge [sflag:s12], $0x2000  }
0x68: {  	[sflag:s12] =	ssyncset.done $0x0  }
0x69: {  	s20 =	sadd.s32 s19, s10;
	[sflag:s12] =	ssyncadd.s32 $0xFFFFE000  }
0x6a: {  	[tilespmem:s3], [sflag:$0x2] =	stream.linear.gather [hbm4b:s20+s3], $0x80, $0x38;
	[tilespmem:$0x1AA40] =	vst v63  }
0x6b: {  	_ =	swait.ge [sflag:s12], $0x80  }
0x6c: {  	[sflag:s12] =	ssyncset.done $0x0  }
0x6d: {  	s31 =	sadd.s32 s19, s9;
	[sflag:s12] =	ssyncadd.s32 $0xFFFFFF80  }
0x6e: {  	[tilespmem:s13], [sflag:$0x2] =	stream.linear.gather [hbm4b:s31+s3], $0x80, $0x38;
	[tilespmem:$0x1AA40] =	vst v63  }
0x6f: {  	_ =	swait.ge [sflag:s12], $0x80  }
0x70: {  	[sflag:s12] =	ssyncset.done $0x0  }
0x71: {  	[sflag:s12] =	ssyncadd.s32 $0xFFFFFF80  }
0x72: {  	v1 =	vld [tilespmem:$0x60]  }
0x73: {  	v4 =	vld [tilespmem:$0xD0]  }
0x74: {  	v3 =	vld [tilespmem:$0x70]  }
0x75: {  	v2 =	vld [tilespmem:$0xF0]  }
0x76: {  	v5 =	vld [tilespmem:$0x80]  }
0x77: {  	v6 =	vld [tilespmem:$0x30]  }
0x78: {  	v12 =	vld [tilespmem:$0x10];
	v1 =	vsub.s32 v1, v0;
	vm1 =	vgt.s32 v4, $0x61A7;
	v11 =	vadd.s32 $0x58, v4  }
0x79: {  	v8 =	vld [tilespmem:$0x50];
	v3 =	vsub.s32 v3, v0;
	vm0 =	vlt.u32 v1, $0x61A8;
	v4 =	vsel vm1, v11, v4  }
0x7a: {  	v7 =	vld [tilespmem:$0x40];
	v9 =	vadd.s32 $0x58, v2;
	vm15 =	vlt.u32 v3, $0x61A8;
	v1 =	vnsel vm0, $0x6200, v1;
	[tilespmem:$0x1D0] =	vst v4  }
0x7b: {  	v10 =	vld [tilespmem:$0x90];
	vm4 =	vgt.s32 v2, $0x61A7;
	vm2 =	vgt.s32 v5, $0x61A7;
	[tilespmem:$0x160] =	vst v1;
	v1 =	vnsel vm15, $0x6200, v3  }
0x7c: {  	v6 =	vsub.s32 v6, v0;
	v3 =	vadd.s32 $0x58, v5;
	[tilespmem:$0x170] =	vst v1;
	v1 =	vsel vm4, v9, v2;
	v2 =	vld [tilespmem:$0x0]  }
0x7d: {  	v54 =	vld [tilespmem:$0xA0];
	v58 =	vsub.s32 v12, v0;
	vm6 =	vlt.u32 v6, $0x61A8;
	v3 =	vsel vm2, v3, v5;
	[tilespmem:$0x1F0] =	vst v1  }
0x7e: {  	vm9 =	vlt.u32 v58, $0x61A8;
	v6 =	vnsel vm6, $0x6200, v6;
	v1 =	vld [tilespmem:$0xC0];
	[tilespmem:$0x180] =	vst v3;
	v3 =	vsub.s32 v8, v0  }
0x7f: {  	v55 =	vld [tilespmem:$0xB0];
	v53 =	vsub.s32 v7, v0;
	v59 =	vnsel vm9, $0x6200, v58;
	[tilespmem:$0x130] =	vst v6;
	vm7 =	vlt.u32 v3, $0x61A8  }
0x80: {  	v56 =	vld [tilespmem:$0xE0];
	vm8 =	vgt.s32 v10, $0x61A7;
	vm5 =	vlt.u32 v53, $0x61A8;
	[tilespmem:$0x110] =	vst v59;
	v3 =	vnsel vm7, $0x6200, v3  }
0x81: {  	v57 =	vadd.s32 $0x58, v10;
	v5 =	vnsel vm5, $0x6200, v53;
	[tilespmem:$0x150] =	vst v3;
	v3 =	vld [tilespmem:$0x20];
	v2 =	vsub.s32 v2, v0  }
0x82: {  	vm12 =	vgt.s32 v54, $0x61A7;
	[tilespmem:$0x140] =	vst v5;
	v8 =	vsel vm8, v57, v10;
	vm11 =	vlt.u32 v2, $0x61A8  }
0x83: {  	[tilespmem:$0x190] =	vst v8;
	vm10 =	vgt.s32 v1, $0x61A7;
	v63 =	vadd.s32 $0x58, v1;
	v2 =	vnsel vm11, $0x6200, v2  }
0x84: {  	v60 =	vadd.s32 $0x58, v54;
	vm13 =	vgt.s32 v55, $0x61A7;
	v1 =	vsel vm10, v63, v1;
	[tilespmem:$0x100] =	vst v2  }
0x85: {  	v61 =	vadd.s32 $0x58, v55;
	vm14 =	vgt.s32 v56, $0x61A7;
	v2 =	vsel vm12, v60, v54;
	[tilespmem:$0x1C0] =	vst v1  }
0x86: {  	v62 =	vadd.s32 $0x58, v56;
	[tilespmem:$0x1A0] =	vst v2;
	v2 =	vsel vm13, v61, v55;
	v3 =	vsub.s32 v3, v0  }
0x87: {  	[tilespmem:$0x1B0] =	vst v2;
	v2 =	vsel vm14, v62, v56;
	vm15 =	vlt.u32 v3, $0x61A8  }
0x88: {  	[tilespmem:$0x1E0] =	vst v2;
	v2 =	vnsel vm15, $0x6200, v3  }
0x89: {  	[tilespmem:$0x120] =	vst v2  }
0x8a: {  	[tilespmem:s15], [sflag:$0x1] =	stream.indirect.gather [hbm4b:s4+s13], $0x40, s14, s13, $0xb8;
	[tilespmem:$0x1AA40] =	vst v63  }
0x8b: {  	_ =	swait.ge [sflag:s16], $0x2000  }
0x8c: {  	[sflag:s16] =	ssyncset.done $0x0  }
0x8d: {  	[sflag:s16] =	ssyncadd.s32 $0xFFFFE000  }
0x8e: {  	[spmem:s2] =	stream.indirect.scatter.add.f32 [tilespmem:s15], [sflag:$0x2], $0x40, s17, s13, $0xb8;
	[tilespmem:$0x1AA40] =	vst v63  }
0x8f: {  	_ =	swait.ge [sflag:s12], $0x2000  }
0x90: {  	s18 =	sadd.s32 $0x1, s18;
	[sflag:s12] =	ssyncset.done $0x0  }
0x91: {  	p0 =	sne.s32 s18, s8;
	[sflag:s12] =	ssyncadd.s32 $0xFFFFE000  }
.Ltmp1:
0x92: {  	[bflag:$0x0] =	sbarrier.arrive $0xFFFF;
	(pc) =	sbr.rel @p0 .LBB2_1-.Ltmp1, $4  }
0x93: {  	[hbm:s7], [sflag:s6] =	dma.local [spmem:s11], $0x3100  }
0x94: {  	_ =	swait.ge [sflag:s12], $0x3100  }
0x95: {  	[sflag:s12] =	ssyncset.done $0x0  }
0x96: {  	[sflag:s12] =	ssyncadd.s32 $0xFFFFCF00  }
0x97: {  	_ =	sfence.sel $0x180000  }
0x98: {  	[bflag:$0x0] =	sbarrier.arrive $0xFFFF  }
0x99: {  	p0 =	sne.s32 s1, $0x0;
	_ =	strace $0x90000050  }
0x9a: {  	s0 =	sadd.s32 @!p0 $0x100000, s0;
	[bflag:$0x2] =	sbarrier.arrive $0xFFFF  }
0x9b: {  	[sflag:s0] =	ssyncadd.tile.s32 @!p0 $0x1;
	_ =	shalt  }
.Lfunc_end2:
_tile_overlayer_lowered:
.L_overlay_start_2:
0x9c: {  	(tag) =	ssettag $0x2  }
0x9d: {  	s0 =	rddreg [dreg:$0x0];
	s2 =	stileid.u32  }
0x9e: {  	s1 =	rddreg [dreg:$0x1];
	p0 =	sne.s32 s2, $0x0  }
0x9f: {  	s3 =	rddreg [dreg:$0x2];
	[bflag:$0x3] =	sbarrier.arrive $0xFFFF;
	s2 =	simm.s32 @!p0 $0x1C02  }
0xa0: {  	[timem:s3], [sflag:s2] =	dma.local @!p0 [hbm:s0], s1  }
0xa1: {  	s0 =	simm.s32 @!p0 $0x2  }
0xa2: {  	_ =	swait.ge @!p0 [sflag:s0], s1  }
0xa3: {  	s1 =	ssub.s32 @!p0 $0x0, s1;
	[sflag:s0] =	ssyncset.done @!p0 $0x0  }
0xa4: {  	[sflag:s0] =	ssyncadd.s32 @!p0 s1  }
0xa5: {  	[bflag:$0x3] =	sbarrier.arrive $0xFFFF  }
0xa6: {  	_ =	shalt  }

</sc_bundles>
